<compile_context>
chip_gen: v7x
topology: tpu7x:2x2x1
jax: 0.10.2.dev20260603
libtpu: 0.0.44.dev20260713+nightly
codegen_flags: <defaults>
</compile_context>

<pallas_src>
import functools

import jax
import jax.numpy as jnp
from jax import lax
from jax.experimental import pallas as pl
from jax.experimental.pallas import tpu as pltpu
from jax.experimental.pallas import tpu_sc as plsc

_N = 4096
_M = 8192
_D = 128
_C = 10
_RB = 512
_CB = 1024
_PM = 2047
_K = 16
_KV = 11
_NW = 32
_RPW = _M // _NW
_INF = 3.0e38
_BIGI = 1 << 30


def _topk_body(feats_ref, featsT_ref, pd_ref, idx_ref, b2_ref, fth_ref, ftl_ref):
    A = feats_ref[...]
    a2p = jnp.sum(A * A, axis=1, keepdims=True) + 1.0
    ah = A.astype(jnp.bfloat16)
    al = (A - ah.astype(jnp.float32)).astype(jnp.bfloat16)

    @pl.when(pl.program_id(0) == 0)
    def _():
        FT = featsT_ref[...]
        b2_ref[...] = jnp.sum(FT * FT, axis=0, keepdims=True)
        fh = FT.astype(jnp.bfloat16)
        fth_ref[...] = fh
        ftl_ref[...] = (FT - fh.astype(jnp.float32)).astype(jnp.bfloat16)

    lane_k = lax.broadcasted_iota(jnp.int32, (_RB, _K), 1)
    fpos = lax.broadcasted_iota(jnp.int32, (_RB, 128), 1) + _K
    init_k = lax.bitcast_convert_type(
        jnp.bitwise_or(jnp.full((_RB, _K), 0x7F000000, jnp.int32), lane_k),
        jnp.float32)
    nch = _M // _CB

    def _dot_chunk(c):
        bth = fth_ref[:, pl.ds(c * _CB, _CB)]
        btl = ftl_ref[:, pl.ds(c * _CB, _CB)]
        dims = (((1,), (0,)), ((), ()))
        return (lax.dot_general(ah, bth, dims, preferred_element_type=jnp.float32)
                + lax.dot_general(ah, btl, dims, preferred_element_type=jnp.float32)
                + lax.dot_general(al, bth, dims, preferred_element_type=jnp.float32))

    def chunk_body(c, carry):
        run_k, run_i, S = carry
        S_next = _dot_chunk(jnp.minimum(c + 1, nch - 1))
        b2 = b2_ref[:, pl.ds(c * _CB, _CB)]
        d2p = a2p + b2 - 2.0 * S
        sl = [d2p[:, j * 128:(j + 1) * 128] for j in range(8)]
        v = jnp.minimum(
            jnp.minimum(jnp.minimum(sl[0], sl[1]), jnp.minimum(sl[2], sl[3])),
            jnp.minimum(jnp.minimum(sl[4], sl[5]), jnp.minimum(sl[6], sl[7])))
        colid = jnp.full(v.shape, 7, jnp.int32)
        for j in range(6, -1, -1):
            colid = jnp.where(v == sl[j], j, colid)
        qb = jnp.bitwise_and(
            lax.bitcast_convert_type(v, jnp.int32) + 1024, ~_PM)
        fm = lax.bitcast_convert_type(
            jnp.bitwise_or(qb, fpos + jnp.left_shift(colid, 7)), jnp.float32)
        rk = lax.bitcast_convert_type(jnp.bitwise_or(jnp.bitwise_and(
            lax.bitcast_convert_type(run_k, jnp.int32), ~_PM), lane_k),
            jnp.float32)
        cand = jnp.concatenate([rk, fm], axis=1)
        new_k = init_k
        for t in range(_KV):
            mk = jnp.min(cand, axis=1, keepdims=True)
            new_k = jnp.where(lane_k == t, mk, new_k)
            if t + 1 < _KV:
                cand = jnp.where(cand == mk, _INF, cand)
        npos = jnp.bitwise_and(lax.bitcast_convert_type(new_k, jnp.int32), _PM)
        new_i = jnp.where(npos >= _K, c * _CB + (npos - _K), 0)
        for s in range(_KV):
            new_i = jnp.where(npos == s, run_i[:, s:s + 1], new_i)
        return new_k, new_i, S_next

    init = (init_k, jnp.zeros((_RB, _K), jnp.int32), _dot_chunk(0))
    run_k, run_i, _ = lax.fori_loop(0, nch, chunk_body, init)
    d2q = lax.bitcast_convert_type(
        jnp.bitwise_and(lax.bitcast_convert_type(run_k, jnp.int32), ~_PM),
        jnp.float32) - 1.0
    pdv = jnp.sqrt(jnp.maximum(d2q, 0.0))
    pd_ref[...] = jnp.where(lane_k < _KV, pdv, 0.0)
    idx_ref[...] = run_i


_topk_call = pl.pallas_call(
    _topk_body,
    grid=(_M // _RB,),
    in_specs=[
        pl.BlockSpec((_RB, _D), lambda i: (i, 0)),
        pl.BlockSpec((_D, _M), lambda i: (0, 0)),
    ],
    out_specs=[
        pl.BlockSpec((_RB, _K), lambda i: (i, 0)),
        pl.BlockSpec((_RB, _K), lambda i: (i, 0)),
    ],
    out_shape=[
        jax.ShapeDtypeStruct((_M, _K), jnp.float32),
        jax.ShapeDtypeStruct((_M, _K), jnp.int32),
    ],
    scratch_shapes=[pltpu.VMEM((1, _M), jnp.float32),
                    pltpu.VMEM((_D, _M), jnp.bfloat16),
                    pltpu.VMEM((_D, _M), jnp.bfloat16)],
)


def _sc_body(pd_hbm, idx_hbm, probs_hbm, lab_hbm, out_hbm,
             pd_v, idx_v, probs_v, lab_v, acc_v):
    nc = plsc.get_sparse_core_info().num_cores
    wid = lax.axis_index("s") * nc + lax.axis_index("c")
    pltpu.sync_copy(pd_hbm.at[wid], pd_v)
    pltpu.sync_copy(idx_hbm.at[wid], idx_v)
    pltpu.sync_copy(probs_hbm, probs_v)
    pltpu.sync_copy(lab_hbm, lab_v)
    base = wid * _RPW
    lanes = lax.iota(jnp.int32, 16)

    def group_body(g, acc):
        off = g * 16
        i_vec = base + off + lanes
        imod = jnp.bitwise_and(i_vec, _N - 1)
        lab_i = plsc.load_gather(lab_v, [imod])
        ok_i = lab_i != -1
        r = pd_v[pl.ds(_RPW + off, 16)]
        contrib = jnp.zeros((16,), jnp.float32)
        for k in range(_KV):
            pdk = pd_v[pl.ds(k * _RPW + off, 16)]
            idxk = idx_v[pl.ds(k * _RPW + off, 16)]
            jmod = jnp.bitwise_and(idxk, _N - 1)
            lab_j = plsc.load_gather(lab_v, [jmod])
            msk = (lab_i == lab_j) & (imod != jmod) & ok_i & (lab_j != -1)
            w = 1.0 - jnp.clip((pdk - r) / r, 0.0, 1.0)
            w = jnp.where(idxk == i_vec, 0.0, w)
            w = jnp.where(msk, w, 0.0)
            dot = jnp.zeros((16,), jnp.float32)
            for ch in range(_C):
                pic = plsc.load_gather(probs_v, [i_vec + ch * _M])
                pjc = plsc.load_gather(probs_v, [idxk + ch * _M])
                dot = dot + pic * pjc
            contrib = contrib + w * dot
        return acc + contrib

    acc = lax.fori_loop(0, _RPW // 16, group_body, jnp.zeros((16,), jnp.float32))
    acc_v[...] = acc
    pltpu.sync_copy(acc_v, out_hbm.at[wid])


def _make_sc_call():
    return functools.partial(
        pl.kernel,
        out_type=jax.ShapeDtypeStruct((_NW, 16), jnp.float32),
        mesh=plsc.VectorSubcoreMesh(core_axis_name="c", subcore_axis_name="s"),
        compiler_params=pltpu.CompilerParams(needs_layout_passes=False),
        scratch_types=[
            pltpu.VMEM((_K * _RPW,), jnp.float32),
            pltpu.VMEM((_K * _RPW,), jnp.int32),
            pltpu.VMEM((_C * _M,), jnp.float32),
            pltpu.VMEM((_N,), jnp.int32),
            pltpu.VMEM((16,), jnp.float32),
        ],
    )(_sc_body)


def kernel(z_i, z_j, z_i_prob, z_j_prob, pseudo_label):
    feats = jnp.concatenate([z_i, z_j], axis=0)
    probs = jnp.concatenate([z_i_prob, z_j_prob], axis=0)
    pd, idx = _topk_call(feats, feats.T)
    pd_w = pd.T.reshape(_K, _NW, _RPW).transpose(1, 0, 2).reshape(_NW, _K * _RPW)
    idx_w = idx.T.reshape(_K, _NW, _RPW).transpose(1, 0, 2).reshape(_NW, _K * _RPW)
    probs_f = probs.T.reshape(-1)
    partials = _make_sc_call()(pd_w, idx_w, probs_f, pseudo_label)
    return jnp.sum(partials) / jnp.float32(_M * _M)

# --- scband reference (transcript-rebuilt; emitter-appended) ---
"""Pipeline reference for scband-soft-instance-loss-boost-88072599372560 (READ-ONLY COPY).

The authoritative reference and input builder live on the scoring server;
editing this copy changes nothing except your own understanding.
"""

import jax, jax.numpy as jnp
import numpy as np


def _cdist(a, b):
    a2 = jnp.sum(a * a, axis=1)
    b2 = jnp.sum(b * b, axis=1)
    d2 = a2[:, None] + b2[None, :] - 2.0 * (a @ b.T)
    return jnp.sqrt(jnp.maximum(d2, 0.0))


def setup_inputs(seed: int = 0) -> dict:
    key = jax.random.key(seed)
    k1, k2, k3, k4, k5 = jax.random.split(key, 5)
    n, d, c = 4096, 128, 10
    z_i = jax.random.normal(k1, (n, d), dtype=jnp.float32)
    z_j = jax.random.normal(k2, (n, d), dtype=jnp.float32)
    z_i_prob = jax.random.uniform(k3, (n, c), dtype=jnp.float32)
    z_j_prob = jax.random.uniform(k4, (n, c), dtype=jnp.float32)
    pseudo_label = jax.random.randint(k5, (n,), 0, c, dtype=jnp.int32)
    return {"z_i": z_i, "z_j": z_j, "z_i_prob": z_i_prob, "z_j_prob": z_j_prob, "pseudo_label": pseudo_label}


def reference(z_i, z_j, z_i_prob, z_j_prob, pseudo_label):
    n = z_i.shape[0]
    invalid = pseudo_label == -1
    mask = pseudo_label[:, None] == pseudo_label[None, :]
    mask = jnp.where(invalid[:, None], False, mask)
    mask = jnp.where(invalid[None, :], False, mask)
    mask = mask & (~jnp.eye(n, dtype=bool))
    mask = mask.astype(jnp.float32)
    mask = jnp.tile(mask, (2, 2))

    feats = jnp.concatenate([z_i, z_j], axis=0)
    probs = jnp.concatenate([z_i_prob, z_j_prob], axis=0)
    m = 2 * n

    # no_grad block: radius + sparse top-10 neighborhood weights
    pd = _cdist(feats, feats)
    vals = jnp.sort(pd, axis=1)
    radius = vals[:, 1][:, None]  # values[:, topk].repeat(b,1).t() -> per-row radius broadcast over cols
    weights = 1.0 - jnp.clip((pd - radius) / radius, 0.0, 1.0) - jnp.eye(m, dtype=pd.dtype)
    top, indices = jax.lax.top_k(weights, 10)
    w = jnp.zeros((m, m), dtype=weights.dtype).at[jnp.arange(m)[:, None], indices].set(top)
    w = jax.lax.stop_gradient(w)

    inner_prod = probs @ probs.T
    pull_loss = w * inner_prod  # boosting=True -> return pull_loss
    instance_loss = pull_loss * mask
    return jnp.mean(instance_loss)

if __name__ == "__main__":
    import jax
    _d = setup_inputs()
    print(jax.jit(kernel)(*tuple(_d.values())))

</pallas_src>

<mosaic_0001>
#map = affine_map<(d0, d1) -> (0, 0)>
#map1 = affine_map<(d0, d1) -> (0)>
module attributes {stable_mosaic.version = 14 : i64} {
  func.func @_sc_body(%arg0: i32, %arg1: i32, %arg2: memref<32x4096xf32, #tpu.memory_space<hbm>>, %arg3: memref<32x4096xi32, #tpu.memory_space<hbm>>, %arg4: memref<81920xf32, #tpu.memory_space<hbm>>, %arg5: memref<4096xi32, #tpu.memory_space<hbm>>, %arg6: memref<32x16xf32, #tpu.memory_space<hbm>>, %arg7: memref<4096xf32, #tpu.memory_space<vmem>>, %arg8: memref<4096xi32, #tpu.memory_space<vmem>>, %arg9: memref<81920xf32, #tpu.memory_space<vmem>>, %arg10: memref<4096xi32, #tpu.memory_space<vmem>>, %arg11: memref<16xf32, #tpu.memory_space<vmem>>) attributes {dimension_semantics = [#tpu.dimension_semantics<core_parallel>, #tpu.dimension_semantics<subcore_parallel>], iteration_bounds = array<i64: 2, 16>, scalar_prefetch = 0 : i64, scratch_operands = 5 : i64, tpu.core_type = #tpu.core_type<sc_vector_subcore>, window_params = [{transform_indices = #map}, {transform_indices = #map}, {transform_indices = #map1}, {transform_indices = #map1}, {transform_indices = #map}]} {
    %mul3A = arith.constant 2 : i32
    %mul3A_0 = arith.muli %arg1, %mul3A : i32
    %add3A = arith.addi %mul3A_0, %arg0 : i32
    "tpu.region"() ({
      %run_scoped3A = tpu.sem_alloc : memref<!tpu.dma_semaphore, #tpu.memory_space<semaphore_mem>>
      %dma_start3A = arith.constant 0 : i32
      %dma_start3A_10 = tpu.memref_slice %arg2[%add3A, %dma_start3A] : memref<32x4096xf32, #tpu.memory_space<hbm>> -> memref<1x4096xf32, #tpu.memory_space<hbm>>
      %dma_start3A_11 = tpu.memref_squeeze %dma_start3A_10 : memref<1x4096xf32, #tpu.memory_space<hbm>> -> memref<4096xf32, #tpu.memory_space<hbm>>
      %dma_start3A_12 = arith.constant 0 : i32
      %dma_start3A_13 = tpu.memref_slice %arg2[%add3A, %dma_start3A_12] : memref<32x4096xf32, #tpu.memory_space<hbm>> -> memref<1x4096xf32, #tpu.memory_space<hbm>>
      %dma_start3A_14 = tpu.memref_squeeze %dma_start3A_13 : memref<1x4096xf32, #tpu.memory_space<hbm>> -> memref<4096xf32, #tpu.memory_space<hbm>>
      tpu.enqueue_dma source(%dma_start3A_14 : memref<4096xf32, #tpu.memory_space<hbm>>) target(%arg7 : memref<4096xf32, #tpu.memory_space<vmem>>) target_semaphore(%run_scoped3A : memref<!tpu.dma_semaphore, #tpu.memory_space<semaphore_mem>>)
      %dma_wait3A = arith.constant 0 : i32
      %dma_wait3A_15 = tpu.memref_slice %arg2[%add3A, %dma_wait3A] : memref<32x4096xf32, #tpu.memory_space<hbm>> -> memref<1x4096xf32, #tpu.memory_space<hbm>>
      %dma_wait3A_16 = tpu.memref_squeeze %dma_wait3A_15 : memref<1x4096xf32, #tpu.memory_space<hbm>> -> memref<4096xf32, #tpu.memory_space<hbm>>
      %dma_wait3A_17 = arith.constant 0 : i32
      %dma_wait3A_18 = tpu.memref_slice %arg2[%add3A, %dma_wait3A_17] : memref<32x4096xf32, #tpu.memory_space<hbm>> -> memref<1x4096xf32, #tpu.memory_space<hbm>>
      %dma_wait3A_19 = tpu.memref_squeeze %dma_wait3A_18 : memref<1x4096xf32, #tpu.memory_space<hbm>> -> memref<4096xf32, #tpu.memory_space<hbm>>
      tpu.wait_dma2 semaphore(%run_scoped3A : memref<!tpu.dma_semaphore, #tpu.memory_space<semaphore_mem>>) src(%dma_wait3A_19 : memref<4096xf32, #tpu.memory_space<hbm>>) dst(%arg7 : memref<4096xf32, #tpu.memory_space<vmem>>)
      tpu.yield
    }) : () -> ()
    "tpu.region"() ({
      %run_scoped3A = tpu.sem_alloc : memref<!tpu.dma_semaphore, #tpu.memory_space<semaphore_mem>>
      %dma_start3A = arith.constant 0 : i32
      %dma_start3A_10 = tpu.memref_slice %arg3[%add3A, %dma_start3A] : memref<32x4096xi32, #tpu.memory_space<hbm>> -> memref<1x4096xi32, #tpu.memory_space<hbm>>
      %dma_start3A_11 = tpu.memref_squeeze %dma_start3A_10 : memref<1x4096xi32, #tpu.memory_space<hbm>> -> memref<4096xi32, #tpu.memory_space<hbm>>
      %dma_start3A_12 = arith.constant 0 : i32
      %dma_start3A_13 = tpu.memref_slice %arg3[%add3A, %dma_start3A_12] : memref<32x4096xi32, #tpu.memory_space<hbm>> -> memref<1x4096xi32, #tpu.memory_space<hbm>>
      %dma_start3A_14 = tpu.memref_squeeze %dma_start3A_13 : memref<1x4096xi32, #tpu.memory_space<hbm>> -> memref<4096xi32, #tpu.memory_space<hbm>>
      tpu.enqueue_dma source(%dma_start3A_14 : memref<4096xi32, #tpu.memory_space<hbm>>) target(%arg8 : memref<4096xi32, #tpu.memory_space<vmem>>) target_semaphore(%run_scoped3A : memref<!tpu.dma_semaphore, #tpu.memory_space<semaphore_mem>>)
      %dma_wait3A = arith.constant 0 : i32
      %dma_wait3A_15 = tpu.memref_slice %arg3[%add3A, %dma_wait3A] : memref<32x4096xi32, #tpu.memory_space<hbm>> -> memref<1x4096xi32, #tpu.memory_space<hbm>>
      %dma_wait3A_16 = tpu.memref_squeeze %dma_wait3A_15 : memref<1x4096xi32, #tpu.memory_space<hbm>> -> memref<4096xi32, #tpu.memory_space<hbm>>
      %dma_wait3A_17 = arith.constant 0 : i32
      %dma_wait3A_18 = tpu.memref_slice %arg3[%add3A, %dma_wait3A_17] : memref<32x4096xi32, #tpu.memory_space<hbm>> -> memref<1x4096xi32, #tpu.memory_space<hbm>>
      %dma_wait3A_19 = tpu.memref_squeeze %dma_wait3A_18 : memref<1x4096xi32, #tpu.memory_space<hbm>> -> memref<4096xi32, #tpu.memory_space<hbm>>
      tpu.wait_dma2 semaphore(%run_scoped3A : memref<!tpu.dma_semaphore, #tpu.memory_space<semaphore_mem>>) src(%dma_wait3A_19 : memref<4096xi32, #tpu.memory_space<hbm>>) dst(%arg8 : memref<4096xi32, #tpu.memory_space<vmem>>)
      tpu.yield
    }) : () -> ()
    "tpu.region"() ({
      %run_scoped3A = tpu.sem_alloc : memref<!tpu.dma_semaphore, #tpu.memory_space<semaphore_mem>>
      tpu.enqueue_dma source(%arg4 : memref<81920xf32, #tpu.memory_space<hbm>>) target(%arg9 : memref<81920xf32, #tpu.memory_space<vmem>>) target_semaphore(%run_scoped3A : memref<!tpu.dma_semaphore, #tpu.memory_space<semaphore_mem>>)
      tpu.wait_dma2 semaphore(%run_scoped3A : memref<!tpu.dma_semaphore, #tpu.memory_space<semaphore_mem>>) src(%arg4 : memref<81920xf32, #tpu.memory_space<hbm>>) dst(%arg9 : memref<81920xf32, #tpu.memory_space<vmem>>)
      tpu.yield
    }) : () -> ()
    "tpu.region"() ({
      %run_scoped3A = tpu.sem_alloc : memref<!tpu.dma_semaphore, #tpu.memory_space<semaphore_mem>>
      tpu.enqueue_dma source(%arg5 : memref<4096xi32, #tpu.memory_space<hbm>>) target(%arg10 : memref<4096xi32, #tpu.memory_space<vmem>>) target_semaphore(%run_scoped3A : memref<!tpu.dma_semaphore, #tpu.memory_space<semaphore_mem>>)
      tpu.wait_dma2 semaphore(%run_scoped3A : memref<!tpu.dma_semaphore, #tpu.memory_space<semaphore_mem>>) src(%arg5 : memref<4096xi32, #tpu.memory_space<hbm>>) dst(%arg10 : memref<4096xi32, #tpu.memory_space<vmem>>)
      tpu.yield
    }) : () -> ()
    %mul3A_1 = arith.constant 256 : i32
    %mul3A_2 = arith.muli %add3A, %mul3A_1 : i32
    %iota3A = tpu.iota {dimensions = array<i32: 0>} : vector<16xi32>
    %broadcast_in_dim3A = arith.constant 0.000000e+00 : f32
    %broadcast_in_dim3A_3 = vector.broadcast %broadcast_in_dim3A : f32 to vector<16xf32>
    %scan3A = arith.constant 0 : i32
    %scan3A_4 = arith.constant 16 : i32
    %scan3A_5 = arith.addi %scan3A, %scan3A_4 : i32
    %scan3A_6 = arith.constant 1 : i32
    %scan3A_7 = scf.for %scan3A_10 = %scan3A to %scan3A_5 step %scan3A_6 iter_args(%scan3A_11 = %broadcast_in_dim3A_3) -> (vector<16xf32>)  : i32 {
      %mul3A_12 = arith.constant 16 : i32
      %mul3A_13 = arith.muli %scan3A_10, %mul3A_12 : i32
      %add3A_14 = arith.addi %mul3A_2, %mul3A_13 : i32
      %add3A_15 = vector.broadcast %add3A_14 : i32 to vector<16xi32>
      %add3A_16 = arith.addi %add3A_15, %iota3A : vector<16xi32>
      %and3A = arith.constant 4095 : i32
      %and3A_17 = vector.broadcast %and3A : i32 to vector<16xi32>
      %and3A_18 = arith.andi %add3A_16, %and3A_17 : vector<16xi32>
      %gather3A = tpu.vector_load_idx %arg10[%and3A_18] : memref<4096xi32, #tpu.memory_space<vmem>>[vector<16xi32>], vector<16xi32>,
      %ne3A = arith.constant -1 : i32
      %ne3A_19 = vector.broadcast %ne3A : i32 to vector<16xi32>
      %ne3A_20 = arith.cmpi ne, %gather3A, %ne3A_19 : vector<16xi32>
      %add3A_21 = arith.constant 256 : i32
      %add3A_22 = arith.addi %add3A_21, %mul3A_13 : i32
      %get3A = arith.index_cast %add3A_22 : i32 to index
      %get3A_23 = tpu.vector_load %arg7[%get3A] {strides = array<i32>} : memref<4096xf32, #tpu.memory_space<vmem>>, vector<16xf32>,
      %broadcast_in_dim3A_24 = arith.constant 0.000000e+00 : f32
      %broadcast_in_dim3A_25 = vector.broadcast %broadcast_in_dim3A_24 : f32 to vector<16xf32>
      %add3A_26 = arith.constant 0 : i32
      %add3A_27 = arith.addi %add3A_26, %mul3A_13 : i32
      %get3A_28 = arith.index_cast %add3A_27 : i32 to index
      %get3A_29 = tpu.vector_load %arg7[%get3A_28] {strides = array<i32>} : memref<4096xf32, #tpu.memory_space<vmem>>, vector<16xf32>,
      %add3A_30 = arith.constant 0 : i32
      %add3A_31 = arith.addi %add3A_30, %mul3A_13 : i32
      %get3A_32 = arith.index_cast %add3A_31 : i32 to index
      %get3A_33 = tpu.vector_load %arg8[%get3A_32] {strides = array<i32>} : memref<4096xi32, #tpu.memory_space<vmem>>, vector<16xi32>,
      %and3A_34 = arith.constant 4095 : i32
      %and3A_35 = vector.broadcast %and3A_34 : i32 to vector<16xi32>
      %and3A_36 = arith.andi %get3A_33, %and3A_35 : vector<16xi32>
      %gather3A_37 = tpu.vector_load_idx %arg10[%and3A_36] : memref<4096xi32, #tpu.memory_space<vmem>>[vector<16xi32>], vector<16xi32>,
      %eq3A = arith.cmpi eq, %gather3A, %gather3A_37 : vector<16xi32>
      %ne3A_38 = arith.cmpi ne, %and3A_18, %and3A_36 : vector<16xi32>
      %and3A_39 = arith.andi %eq3A, %ne3A_38 : vector<16xi1>
      %and3A_40 = arith.andi %and3A_39, %ne3A_20 : vector<16xi1>
      %ne3A_41 = arith.constant -1 : i32
      %ne3A_42 = vector.broadcast %ne3A_41 : i32 to vector<16xi32>
      %ne3A_43 = arith.cmpi ne, %gather3A_37, %ne3A_42 : vector<16xi32>
      %and3A_44 = arith.andi %and3A_40, %ne3A_43 : vector<16xi1>
      %sub3A = arith.subf %get3A_29, %get3A_23 : vector<16xf32>
      %div3A = arith.divf %sub3A, %get3A_23 : vector<16xf32>
      %jit3A = arith.constant 0.000000e+00 : f32
      %jit3A_45 = arith.constant 1.000000e+00 : f32
      %max3A = vector.broadcast %jit3A : f32 to vector<16xf32>
      %max3A_46 = arith.maximumf %max3A, %div3A : vector<16xf32>
      %min3A = vector.broadcast %jit3A_45 : f32 to vector<16xf32>
      %min3A_47 = arith.minimumf %min3A, %max3A_46 : vector<16xf32>
      %sub3A_48 = arith.constant 1.000000e+00 : f32
      %sub3A_49 = vector.broadcast %sub3A_48 : f32 to vector<16xf32>
      %sub3A_50 = arith.subf %sub3A_49, %min3A_47 : vector<16xf32>
      %eq3A_51 = arith.cmpi eq, %get3A_33, %add3A_16 : vector<16xi32>
      %jit3A_52 = arith.constant 0.000000e+00 : f32
      %broadcast_in_dim3A_53 = vector.broadcast %jit3A_52 : f32 to vector<16xf32>
      %select_n3A = arith.select %eq3A_51, %broadcast_in_dim3A_53, %sub3A_50 : vector<16xi1>, vector<16xf32>
      %jit3A_54 = arith.constant 0.000000e+00 : f32
      %broadcast_in_dim3A_55 = vector.broadcast %jit3A_54 : f32 to vector<16xf32>
      %select_n3A_56 = arith.select %and3A_44, %select_n3A, %broadcast_in_dim3A_55 : vector<16xi1>, vector<16xf32>
      %broadcast_in_dim3A_57 = arith.constant 0.000000e+00 : f32
      %broadcast_in_dim3A_58 = vector.broadcast %broadcast_in_dim3A_57 : f32 to vector<16xf32>
      %add3A_59 = arith.constant 0 : i32
      %add3A_60 = vector.broadcast %add3A_59 : i32 to vector<16xi32>
      %add3A_61 = arith.addi %add3A_16, %add3A_60 : vector<16xi32>
      %gather3A_62 = tpu.vector_load_idx %arg9[%add3A_61] : memref<81920xf32, #tpu.memory_space<vmem>>[vector<16xi32>], vector<16xf32>,
      %add3A_63 = arith.constant 0 : i32
      %add3A_64 = vector.broadcast %add3A_63 : i32 to vector<16xi32>
      %add3A_65 = arith.addi %get3A_33, %add3A_64 : vector<16xi32>
      %gather3A_66 = tpu.vector_load_idx %arg9[%add3A_65] : memref<81920xf32, #tpu.memory_space<vmem>>[vector<16xi32>], vector<16xf32>,
      %mul3A_67 = arith.mulf %gather3A_62, %gather3A_66 : vector<16xf32>
      %add3A_68 = arith.addf %broadcast_in_dim3A_58, %mul3A_67 : vector<16xf32>
      %add3A_69 = arith.constant 8192 : i32
      %add3A_70 = vector.broadcast %add3A_69 : i32 to vector<16xi32>
      %add3A_71 = arith.addi %add3A_16, %add3A_70 : vector<16xi32>
      %gather3A_72 = tpu.vector_load_idx %arg9[%add3A_71] : memref<81920xf32, #tpu.memory_space<vmem>>[vector<16xi32>], vector<16xf32>,
      %add3A_73 = arith.constant 8192 : i32
      %add3A_74 = vector.broadcast %add3A_73 : i32 to vector<16xi32>
      %add3A_75 = arith.addi %get3A_33, %add3A_74 : vector<16xi32>
      %gather3A_76 = tpu.vector_load_idx %arg9[%add3A_75] : memref<81920xf32, #tpu.memory_space<vmem>>[vector<16xi32>], vector<16xf32>,
      %mul3A_77 = arith.mulf %gather3A_72, %gather3A_76 : vector<16xf32>
      %add3A_78 = arith.addf %add3A_68, %mul3A_77 : vector<16xf32>
      %add3A_79 = arith.constant 16384 : i32
      %add3A_80 = vector.broadcast %add3A_79 : i32 to vector<16xi32>
      %add3A_81 = arith.addi %add3A_16, %add3A_80 : vector<16xi32>
      %gather3A_82 = tpu.vector_load_idx %arg9[%add3A_81] : memref<81920xf32, #tpu.memory_space<vmem>>[vector<16xi32>], vector<16xf32>,
      %add3A_83 = arith.constant 16384 : i32
      %add3A_84 = vector.broadcast %add3A_83 : i32 to vector<16xi32>
      %add3A_85 = arith.addi %get3A_33, %add3A_84 : vector<16xi32>
      %gather3A_86 = tpu.vector_load_idx %arg9[%add3A_85] : memref<81920xf32, #tpu.memory_space<vmem>>[vector<16xi32>], vector<16xf32>,
      %mul3A_87 = arith.mulf %gather3A_82, %gather3A_86 : vector<16xf32>
      %add3A_88 = arith.addf %add3A_78, %mul3A_87 : vector<16xf32>
      %add3A_89 = arith.constant 24576 : i32
      %add3A_90 = vector.broadcast %add3A_89 : i32 to vector<16xi32>
      %add3A_91 = arith.addi %add3A_16, %add3A_90 : vector<16xi32>
      %gather3A_92 = tpu.vector_load_idx %arg9[%add3A_91] : memref<81920xf32, #tpu.memory_space<vmem>>[vector<16xi32>], vector<16xf32>,
      %add3A_93 = arith.constant 24576 : i32
      %add3A_94 = vector.broadcast %add3A_93 : i32 to vector<16xi32>
      %add3A_95 = arith.addi %get3A_33, %add3A_94 : vector<16xi32>
      %gather3A_96 = tpu.vector_load_idx %arg9[%add3A_95] : memref<81920xf32, #tpu.memory_space<vmem>>[vector<16xi32>], vector<16xf32>,
      %mul3A_97 = arith.mulf %gather3A_92, %gather3A_96 : vector<16xf32>
      %add3A_98 = arith.addf %add3A_88, %mul3A_97 : vector<16xf32>
      %add3A_99 = arith.constant 32768 : i32
      %add3A_100 = vector.broadcast %add3A_99 : i32 to vector<16xi32>
      %add3A_101 = arith.addi %add3A_16, %add3A_100 : vector<16xi32>
      %gather3A_102 = tpu.vector_load_idx %arg9[%add3A_101] : memref<81920xf32, #tpu.memory_space<vmem>>[vector<16xi32>], vector<16xf32>,
      %add3A_103 = arith.constant 32768 : i32
      %add3A_104 = vector.broadcast %add3A_103 : i32 to vector<16xi32>
      %add3A_105 = arith.addi %get3A_33, %add3A_104 : vector<16xi32>
      %gather3A_106 = tpu.vector_load_idx %arg9[%add3A_105] : memref<81920xf32, #tpu.memory_space<vmem>>[vector<16xi32>], vector<16xf32>,
      %mul3A_107 = arith.mulf %gather3A_102, %gather3A_106 : vector<16xf32>
      %add3A_108 = arith.addf %add3A_98, %mul3A_107 : vector<16xf32>
      %add3A_109 = arith.constant 40960 : i32
      %add3A_110 = vector.broadcast %add3A_109 : i32 to vector<16xi32>
      %add3A_111 = arith.addi %add3A_16, %add3A_110 : vector<16xi32>
      %gather3A_112 = tpu.vector_load_idx %arg9[%add3A_111] : memref<81920xf32, #tpu.memory_space<vmem>>[vector<16xi32>], vector<16xf32>,
      %add3A_113 = arith.constant 40960 : i32
      %add3A_114 = vector.broadcast %add3A_113 : i32 to vector<16xi32>
      %add3A_115 = arith.addi %get3A_33, %add3A_114 : vector<16xi32>
      %gather3A_116 = tpu.vector_load_idx %arg9[%add3A_115] : memref<81920xf32, #tpu.memory_space<vmem>>[vector<16xi32>], vector<16xf32>,
      %mul3A_117 = arith.mulf %gather3A_112, %gather3A_116 : vector<16xf32>
      %add3A_118 = arith.addf %add3A_108, %mul3A_117 : vector<16xf32>
      %add3A_119 = arith.constant 49152 : i32
      %add3A_120 = vector.broadcast %add3A_119 : i32 to vector<16xi32>
      %add3A_121 = arith.addi %add3A_16, %add3A_120 : vector<16xi32>
      %gather3A_122 = tpu.vector_load_idx %arg9[%add3A_121] : memref<81920xf32, #tpu.memory_space<vmem>>[vector<16xi32>], vector<16xf32>,
      %add3A_123 = arith.constant 49152 : i32
      %add3A_124 = vector.broadcast %add3A_123 : i32 to vector<16xi32>
      %add3A_125 = arith.addi %get3A_33, %add3A_124 : vector<16xi32>
      %gather3A_126 = tpu.vector_load_idx %arg9[%add3A_125] : memref<81920xf32, #tpu.memory_space<vmem>>[vector<16xi32>], vector<16xf32>,
      %mul3A_127 = arith.mulf %gather3A_122, %gather3A_126 : vector<16xf32>
      %add3A_128 = arith.addf %add3A_118, %mul3A_127 : vector<16xf32>
      %add3A_129 = arith.constant 57344 : i32
      %add3A_130 = vector.broadcast %add3A_129 : i32 to vector<16xi32>
      %add3A_131 = arith.addi %add3A_16, %add3A_130 : vector<16xi32>
      %gather3A_132 = tpu.vector_load_idx %arg9[%add3A_131] : memref<81920xf32, #tpu.memory_space<vmem>>[vector<16xi32>], vector<16xf32>,
      %add3A_133 = arith.constant 57344 : i32
      %add3A_134 = vector.broadcast %add3A_133 : i32 to vector<16xi32>
      %add3A_135 = arith.addi %get3A_33, %add3A_134 : vector<16xi32>
      %gather3A_136 = tpu.vector_load_idx %arg9[%add3A_135] : memref<81920xf32, #tpu.memory_space<vmem>>[vector<16xi32>], vector<16xf32>,
      %mul3A_137 = arith.mulf %gather3A_132, %gather3A_136 : vector<16xf32>
      %add3A_138 = arith.addf %add3A_128, %mul3A_137 : vector<16xf32>
      %add3A_139 = arith.constant 65536 : i32
      %add3A_140 = vector.broadcast %add3A_139 : i32 to vector<16xi32>
      %add3A_141 = arith.addi %add3A_16, %add3A_140 : vector<16xi32>
      %gather3A_142 = tpu.vector_load_idx %arg9[%add3A_141] : memref<81920xf32, #tpu.memory_space<vmem>>[vector<16xi32>], vector<16xf32>,
      %add3A_143 = arith.constant 65536 : i32
      %add3A_144 = vector.broadcast %add3A_143 : i32 to vector<16xi32>
      %add3A_145 = arith.addi %get3A_33, %add3A_144 : vector<16xi32>
      %gather3A_146 = tpu.vector_load_idx %arg9[%add3A_145] : memref<81920xf32, #tpu.memory_space<vmem>>[vector<16xi32>], vector<16xf32>,
      %mul3A_147 = arith.mulf %gather3A_142, %gather3A_146 : vector<16xf32>
      %add3A_148 = arith.addf %add3A_138, %mul3A_147 : vector<16xf32>
      %add3A_149 = arith.constant 73728 : i32
      %add3A_150 = vector.broadcast %add3A_149 : i32 to vector<16xi32>
      %add3A_151 = arith.addi %add3A_16, %add3A_150 : vector<16xi32>
      %gather3A_152 = tpu.vector_load_idx %arg9[%add3A_151] : memref<81920xf32, #tpu.memory_space<vmem>>[vector<16xi32>], vector<16xf32>,
      %add3A_153 = arith.constant 73728 : i32
      %add3A_154 = vector.broadcast %add3A_153 : i32 to vector<16xi32>
      %add3A_155 = arith.addi %get3A_33, %add3A_154 : vector<16xi32>
      %gather3A_156 = tpu.vector_load_idx %arg9[%add3A_155] : memref<81920xf32, #tpu.memory_space<vmem>>[vector<16xi32>], vector<16xf32>,
      %mul3A_157 = arith.mulf %gather3A_152, %gather3A_156 : vector<16xf32>
      %add3A_158 = arith.addf %add3A_148, %mul3A_157 : vector<16xf32>
      %mul3A_159 = arith.mulf %select_n3A_56, %add3A_158 : vector<16xf32>
      %add3A_160 = arith.addf %broadcast_in_dim3A_25, %mul3A_159 : vector<16xf32>
      %add3A_161 = arith.constant 256 : i32
      %add3A_162 = arith.addi %add3A_161, %mul3A_13 : i32
      %get3A_163 = arith.index_cast %add3A_162 : i32 to index
      %get3A_164 = tpu.vector_load %arg7[%get3A_163] {strides = array<i32>} : memref<4096xf32, #tpu.memory_space<vmem>>, vector<16xf32>,
      %add3A_165 = arith.constant 256 : i32
      %add3A_166 = arith.addi %add3A_165, %mul3A_13 : i32
      %get3A_167 = arith.index_cast %add3A_166 : i32 to index
      %get3A_168 = tpu.vector_load %arg8[%get3A_167] {strides = array<i32>} : memref<4096xi32, #tpu.memory_space<vmem>>, vector<16xi32>,
      %and3A_169 = arith.constant 4095 : i32
      %and3A_170 = vector.broadcast %and3A_169 : i32 to vector<16xi32>
      %and3A_171 = arith.andi %get3A_168, %and3A_170 : vector<16xi32>
      %gather3A_172 = tpu.vector_load_idx %arg10[%and3A_171] : memref<4096xi32, #tpu.memory_space<vmem>>[vector<16xi32>], vector<16xi32>,
      %eq3A_173 = arith.cmpi eq, %gather3A, %gather3A_172 : vector<16xi32>
      %ne3A_174 = arith.cmpi ne, %and3A_18, %and3A_171 : vector<16xi32>
      %and3A_175 = arith.andi %eq3A_173, %ne3A_174 : vector<16xi1>
      %and3A_176 = arith.andi %and3A_175, %ne3A_20 : vector<16xi1>
      %ne3A_177 = arith.constant -1 : i32
      %ne3A_178 = vector.broadcast %ne3A_177 : i32 to vector<16xi32>
      %ne3A_179 = arith.cmpi ne, %gather3A_172, %ne3A_178 : vector<16xi32>
      %and3A_180 = arith.andi %and3A_176, %ne3A_179 : vector<16xi1>
      %sub3A_181 = arith.subf %get3A_164, %get3A_23 : vector<16xf32>
      %div3A_182 = arith.divf %sub3A_181, %get3A_23 : vector<16xf32>
      %jit3A_183 = arith.constant 0.000000e+00 : f32
      %jit3A_184 = arith.constant 1.000000e+00 : f32
      %max3A_185 = vector.broadcast %jit3A_183 : f32 to vector<16xf32>
      %max3A_186 = arith.maximumf %max3A_185, %div3A_182 : vector<16xf32>
      %min3A_187 = vector.broadcast %jit3A_184 : f32 to vector<16xf32>
      %min3A_188 = arith.minimumf %min3A_187, %max3A_186 : vector<16xf32>
      %sub3A_189 = arith.constant 1.000000e+00 : f32
      %sub3A_190 = vector.broadcast %sub3A_189 : f32 to vector<16xf32>
      %sub3A_191 = arith.subf %sub3A_190, %min3A_188 : vector<16xf32>
      %eq3A_192 = arith.cmpi eq, %get3A_168, %add3A_16 : vector<16xi32>
      %jit3A_193 = arith.constant 0.000000e+00 : f32
      %broadcast_in_dim3A_194 = vector.broadcast %jit3A_193 : f32 to vector<16xf32>
      %select_n3A_195 = arith.select %eq3A_192, %broadcast_in_dim3A_194, %sub3A_191 : vector<16xi1>, vector<16xf32>
      %jit3A_196 = arith.constant 0.000000e+00 : f32
      %broadcast_in_dim3A_197 = vector.broadcast %jit3A_196 : f32 to vector<16xf32>
      %select_n3A_198 = arith.select %and3A_180, %select_n3A_195, %broadcast_in_dim3A_197 : vector<16xi1>, vector<16xf32>
      %broadcast_in_dim3A_199 = arith.constant 0.000000e+00 : f32
      %broadcast_in_dim3A_200 = vector.broadcast %broadcast_in_dim3A_199 : f32 to vector<16xf32>
      %add3A_201 = arith.constant 0 : i32
      %add3A_202 = vector.broadcast %add3A_201 : i32 to vector<16xi32>
      %add3A_203 = arith.addi %add3A_16, %add3A_202 : vector<16xi32>
      %gather3A_204 = tpu.vector_load_idx %arg9[%add3A_203] : memref<81920xf32, #tpu.memory_space<vmem>>[vector<16xi32>], vector<16xf32>,
      %add3A_205 = arith.constant 0 : i32
      %add3A_206 = vector.broadcast %add3A_205 : i32 to vector<16xi32>
      %add3A_207 = arith.addi %get3A_168, %add3A_206 : vector<16xi32>
      %gather3A_208 = tpu.vector_load_idx %arg9[%add3A_207] : memref<81920xf32, #tpu.memory_space<vmem>>[vector<16xi32>], vector<16xf32>,
      %mul3A_209 = arith.mulf %gather3A_204, %gather3A_208 : vector<16xf32>
      %add3A_210 = arith.addf %broadcast_in_dim3A_200, %mul3A_209 : vector<16xf32>
      %add3A_211 = arith.constant 8192 : i32
      %add3A_212 = vector.broadcast %add3A_211 : i32 to vector<16xi32>
      %add3A_213 = arith.addi %add3A_16, %add3A_212 : vector<16xi32>
      %gather3A_214 = tpu.vector_load_idx %arg9[%add3A_213] : memref<81920xf32, #tpu.memory_space<vmem>>[vector<16xi32>], vector<16xf32>,
      %add3A_215 = arith.constant 8192 : i32
      %add3A_216 = vector.broadcast %add3A_215 : i32 to vector<16xi32>
      %add3A_217 = arith.addi %get3A_168, %add3A_216 : vector<16xi32>
      %gather3A_218 = tpu.vector_load_idx %arg9[%add3A_217] : memref<81920xf32, #tpu.memory_space<vmem>>[vector<16xi32>], vector<16xf32>,
      %mul3A_219 = arith.mulf %gather3A_214, %gather3A_218 : vector<16xf32>
      %add3A_220 = arith.addf %add3A_210, %mul3A_219 : vector<16xf32>
      %add3A_221 = arith.constant 16384 : i32
      %add3A_222 = vector.broadcast %add3A_221 : i32 to vector<16xi32>
      %add3A_223 = arith.addi %add3A_16, %add3A_222 : vector<16xi32>
      %gather3A_224 = tpu.vector_load_idx %arg9[%add3A_223] : memref<81920xf32, #tpu.memory_space<vmem>>[vector<16xi32>], vector<16xf32>,
      %add3A_225 = arith.constant 16384 : i32
      %add3A_226 = vector.broadcast %add3A_225 : i32 to vector<16xi32>
      %add3A_227 = arith.addi %get3A_168, %add3A_226 : vector<16xi32>
      %gather3A_228 = tpu.vector_load_idx %arg9[%add3A_227] : memref<81920xf32, #tpu.memory_space<vmem>>[vector<16xi32>], vector<16xf32>,
      %mul3A_229 = arith.mulf %gather3A_224, %gather3A_228 : vector<16xf32>
      %add3A_230 = arith.addf %add3A_220, %mul3A_229 : vector<16xf32>
      %add3A_231 = arith.constant 24576 : i32
      %add3A_232 = vector.broadcast %add3A_231 : i32 to vector<16xi32>
      %add3A_233 = arith.addi %add3A_16, %add3A_232 : vector<16xi32>
      %gather3A_234 = tpu.vector_load_idx %arg9[%add3A_233] : memref<81920xf32, #tpu.memory_space<vmem>>[vector<16xi32>], vector<16xf32>,
      %add3A_235 = arith.constant 24576 : i32
      %add3A_236 = vector.broadcast %add3A_235 : i32 to vector<16xi32>
      %add3A_237 = arith.addi %get3A_168, %add3A_236 : vector<16xi32>
      %gather3A_238 = tpu.vector_load_idx %arg9[%add3A_237] : memref<81920xf32, #tpu.memory_space<vmem>>[vector<16xi32>], vector<16xf32>,
      %mul3A_239 = arith.mulf %gather3A_234, %gather3A_238 : vector<16xf32>
      %add3A_240 = arith.addf %add3A_230, %mul3A_239 : vector<16xf32>
      %add3A_241 = arith.constant 32768 : i32
      %add3A_242 = vector.broadcast %add3A_241 : i32 to vector<16xi32>
      %add3A_243 = arith.addi %add3A_16, %add3A_242 : vector<16xi32>
      %gather3A_244 = tpu.vector_load_idx %arg9[%add3A_243] : memref<81920xf32, #tpu.memory_space<vmem>>[vector<16xi32>], vector<16xf32>,
      %add3A_245 = arith.constant 32768 : i32
      %add3A_246 = vector.broadcast %add3A_245 : i32 to vector<16xi32>
      %add3A_247 = arith.addi %get3A_168, %add3A_246 : vector<16xi32>
      %gather3A_248 = tpu.vector_load_idx %arg9[%add3A_247] : memref<81920xf32, #tpu.memory_space<vmem>>[vector<16xi32>], vector<16xf32>,
      %mul3A_249 = arith.mulf %gather3A_244, %gather3A_248 : vector<16xf32>
      %add3A_250 = arith.addf %add3A_240, %mul3A_249 : vector<16xf32>
      %add3A_251 = arith.constant 40960 : i32
      %add3A_252 = vector.broadcast %add3A_251 : i32 to vector<16xi32>
      %add3A_253 = arith.addi %add3A_16, %add3A_252 : vector<16xi32>
      %gather3A_254 = tpu.vector_load_idx %arg9[%add3A_253] : memref<81920xf32, #tpu.memory_space<vmem>>[vector<16xi32>], vector<16xf32>,
      %add3A_255 = arith.constant 40960 : i32
      %add3A_256 = vector.broadcast %add3A_255 : i32 to vector<16xi32>
      %add3A_257 = arith.addi %get3A_168, %add3A_256 : vector<16xi32>
      %gather3A_258 = tpu.vector_load_idx %arg9[%add3A_257] : memref<81920xf32, #tpu.memory_space<vmem>>[vector<16xi32>], vector<16xf32>,
      %mul3A_259 = arith.mulf %gather3A_254, %gather3A_258 : vector<16xf32>
      %add3A_260 = arith.addf %add3A_250, %mul3A_259 : vector<16xf32>
      %add3A_261 = arith.constant 49152 : i32
      %add3A_262 = vector.broadcast %add3A_261 : i32 to vector<16xi32>
      %add3A_263 = arith.addi %add3A_16, %add3A_262 : vector<16xi32>
      %gather3A_264 = tpu.vector_load_idx %arg9[%add3A_263] : memref<81920xf32, #tpu.memory_space<vmem>>[vector<16xi32>], vector<16xf32>,
      %add3A_265 = arith.constant 49152 : i32
      %add3A_266 = vector.broadcast %add3A_265 : i32 to vector<16xi32>
      %add3A_267 = arith.addi %get3A_168, %add3A_266 : vector<16xi32>
      %gather3A_268 = tpu.vector_load_idx %arg9[%add3A_267] : memref<81920xf32, #tpu.memory_space<vmem>>[vector<16xi32>], vector<16xf32>,
      %mul3A_269 = arith.mulf %gather3A_264, %gather3A_268 : vector<16xf32>
      %add3A_270 = arith.addf %add3A_260, %mul3A_269 : vector<16xf32>
      %add3A_271 = arith.constant 57344 : i32
      %add3A_272 = vector.broadcast %add3A_271 : i32 to vector<16xi32>
      %add3A_273 = arith.addi %add3A_16, %add3A_272 : vector<16xi32>
      %gather3A_274 = tpu.vector_load_idx %arg9[%add3A_273] : memref<81920xf32, #tpu.memory_space<vmem>>[vector<16xi32>], vector<16xf32>,
      %add3A_275 = arith.constant 57344 : i32
      %add3A_276 = vector.broadcast %add3A_275 : i32 to vector<16xi32>
      %add3A_277 = arith.addi %get3A_168, %add3A_276 : vector<16xi32>
      %gather3A_278 = tpu.vector_load_idx %arg9[%add3A_277] : memref<81920xf32, #tpu.memory_space<vmem>>[vector<16xi32>], vector<16xf32>,
      %mul3A_279 = arith.mulf %gather3A_274, %gather3A_278 : vector<16xf32>
      %add3A_280 = arith.addf %add3A_270, %mul3A_279 : vector<16xf32>
      %add3A_281 = arith.constant 65536 : i32
      %add3A_282 = vector.broadcast %add3A_281 : i32 to vector<16xi32>
      %add3A_283 = arith.addi %add3A_16, %add3A_282 : vector<16xi32>
      %gather3A_284 = tpu.vector_load_idx %arg9[%add3A_283] : memref<81920xf32, #tpu.memory_space<vmem>>[vector<16xi32>], vector<16xf32>,
      %add3A_285 = arith.constant 65536 : i32
      %add3A_286 = vector.broadcast %add3A_285 : i32 to vector<16xi32>
      %add3A_287 = arith.addi %get3A_168, %add3A_286 : vector<16xi32>
      %gather3A_288 = tpu.vector_load_idx %arg9[%add3A_287] : memref<81920xf32, #tpu.memory_space<vmem>>[vector<16xi32>], vector<16xf32>,
      %mul3A_289 = arith.mulf %gather3A_284, %gather3A_288 : vector<16xf32>
      %add3A_290 = arith.addf %add3A_280, %mul3A_289 : vector<16xf32>
      %add3A_291 = arith.constant 73728 : i32
      %add3A_292 = vector.broadcast %add3A_291 : i32 to vector<16xi32>
      %add3A_293 = arith.addi %add3A_16, %add3A_292 : vector<16xi32>
      %gather3A_294 = tpu.vector_load_idx %arg9[%add3A_293] : memref<81920xf32, #tpu.memory_space<vmem>>[vector<16xi32>], vector<16xf32>,
      %add3A_295 = arith.constant 73728 : i32
      %add3A_296 = vector.broadcast %add3A_295 : i32 to vector<16xi32>
      %add3A_297 = arith.addi %get3A_168, %add3A_296 : vector<16xi32>
      %gather3A_298 = tpu.vector_load_idx %arg9[%add3A_297] : memref<81920xf32, #tpu.memory_space<vmem>>[vector<16xi32>], vector<16xf32>,
      %mul3A_299 = arith.mulf %gather3A_294, %gather3A_298 : vector<16xf32>
      %add3A_300 = arith.addf %add3A_290, %mul3A_299 : vector<16xf32>
      %mul3A_301 = arith.mulf %select_n3A_198, %add3A_300 : vector<16xf32>
      %add3A_302 = arith.addf %add3A_160, %mul3A_301 : vector<16xf32>
      %add3A_303 = arith.constant 512 : i32
      %add3A_304 = arith.addi %add3A_303, %mul3A_13 : i32
      %get3A_305 = arith.index_cast %add3A_304 : i32 to index
      %get3A_306 = tpu.vector_load %arg7[%get3A_305] {strides = array<i32>} : memref<4096xf32, #tpu.memory_space<vmem>>, vector<16xf32>,
      %add3A_307 = arith.constant 512 : i32
      %add3A_308 = arith.addi %add3A_307, %mul3A_13 : i32
      %get3A_309 = arith.index_cast %add3A_308 : i32 to index
      %get3A_310 = tpu.vector_load %arg8[%get3A_309] {strides = array<i32>} : memref<4096xi32, #tpu.memory_space<vmem>>, vector<16xi32>,
      %and3A_311 = arith.constant 4095 : i32
      %and3A_312 = vector.broadcast %and3A_311 : i32 to vector<16xi32>
      %and3A_313 = arith.andi %get3A_310, %and3A_312 : vector<16xi32>
      %gather3A_314 = tpu.vector_load_idx %arg10[%and3A_313] : memref<4096xi32, #tpu.memory_space<vmem>>[vector<16xi32>], vector<16xi32>,
      %eq3A_315 = arith.cmpi eq, %gather3A, %gather3A_314 : vector<16xi32>
      %ne3A_316 = arith.cmpi ne, %and3A_18, %and3A_313 : vector<16xi32>
      %and3A_317 = arith.andi %eq3A_315, %ne3A_316 : vector<16xi1>
      %and3A_318 = arith.andi %and3A_317, %ne3A_20 : vector<16xi1>
      %ne3A_319 = arith.constant -1 : i32
      %ne3A_320 = vector.broadcast %ne3A_319 : i32 to vector<16xi32>
      %ne3A_321 = arith.cmpi ne, %gather3A_314, %ne3A_320 : vector<16xi32>
      %and3A_322 = arith.andi %and3A_318, %ne3A_321 : vector<16xi1>
      %sub3A_323 = arith.subf %get3A_306, %get3A_23 : vector<16xf32>
      %div3A_324 = arith.divf %sub3A_323, %get3A_23 : vector<16xf32>
      %jit3A_325 = arith.constant 0.000000e+00 : f32
      %jit3A_326 = arith.constant 1.000000e+00 : f32
      %max3A_327 = vector.broadcast %jit3A_325 : f32 to vector<16xf32>
      %max3A_328 = arith.maximumf %max3A_327, %div3A_324 : vector<16xf32>
      %min3A_329 = vector.broadcast %jit3A_326 : f32 to vector<16xf32>
      %min3A_330 = arith.minimumf %min3A_329, %max3A_328 : vector<16xf32>
      %sub3A_331 = arith.constant 1.000000e+00 : f32
      %sub3A_332 = vector.broadcast %sub3A_331 : f32 to vector<16xf32>
      %sub3A_333 = arith.subf %sub3A_332, %min3A_330 : vector<16xf32>
      %eq3A_334 = arith.cmpi eq, %get3A_310, %add3A_16 : vector<16xi32>
      %jit3A_335 = arith.constant 0.000000e+00 : f32
      %broadcast_in_dim3A_336 = vector.broadcast %jit3A_335 : f32 to vector<16xf32>
      %select_n3A_337 = arith.select %eq3A_334, %broadcast_in_dim3A_336, %sub3A_333 : vector<16xi1>, vector<16xf32>
      %jit3A_338 = arith.constant 0.000000e+00 : f32
      %broadcast_in_dim3A_339 = vector.broadcast %jit3A_338 : f32 to vector<16xf32>
      %select_n3A_340 = arith.select %and3A_322, %select_n3A_337, %broadcast_in_dim3A_339 : vector<16xi1>, vector<16xf32>
      %broadcast_in_dim3A_341 = arith.constant 0.000000e+00 : f32
      %broadcast_in_dim3A_342 = vector.broadcast %broadcast_in_dim3A_341 : f32 to vector<16xf32>
      %add3A_343 = arith.constant 0 : i32
      %add3A_344 = vector.broadcast %add3A_343 : i32 to vector<16xi32>
      %add3A_345 = arith.addi %add3A_16, %add3A_344 : vector<16xi32>
      %gather3A_346 = tpu.vector_load_idx %arg9[%add3A_345] : memref<81920xf32, #tpu.memory_space<vmem>>[vector<16xi32>], vector<16xf32>,
      %add3A_347 = arith.constant 0 : i32
      %add3A_348 = vector.broadcast %add3A_347 : i32 to vector<16xi32>
      %add3A_349 = arith.addi %get3A_310, %add3A_348 : vector<16xi32>
      %gather3A_350 = tpu.vector_load_idx %arg9[%add3A_349] : memref<81920xf32, #tpu.memory_space<vmem>>[vector<16xi32>], vector<16xf32>,
      %mul3A_351 = arith.mulf %gather3A_346, %gather3A_350 : vector<16xf32>
      %add3A_352 = arith.addf %broadcast_in_dim3A_342, %mul3A_351 : vector<16xf32>
      %add3A_353 = arith.constant 8192 : i32
      %add3A_354 = vector.broadcast %add3A_353 : i32 to vector<16xi32>
      %add3A_355 = arith.addi %add3A_16, %add3A_354 : vector<16xi32>
      %gather3A_356 = tpu.vector_load_idx %arg9[%add3A_355] : memref<81920xf32, #tpu.memory_space<vmem>>[vector<16xi32>], vector<16xf32>,
      %add3A_357 = arith.constant 8192 : i32
      %add3A_358 = vector.broadcast %add3A_357 : i32 to vector<16xi32>
      %add3A_359 = arith.addi %get3A_310, %add3A_358 : vector<16xi32>
      %gather3A_360 = tpu.vector_load_idx %arg9[%add3A_359] : memref<81920xf32, #tpu.memory_space<vmem>>[vector<16xi32>], vector<16xf32>,
      %mul3A_361 = arith.mulf %gather3A_356, %gather3A_360 : vector<16xf32>
      %add3A_362 = arith.addf %add3A_352, %mul3A_361 : vector<16xf32>
      %add3A_363 = arith.constant 16384 : i32
      %add3A_364 = vector.broadcast %add3A_363 : i32 to vector<16xi32>
      %add3A_365 = arith.addi %add3A_16, %add3A_364 : vector<16xi32>
      %gather3A_366 = tpu.vector_load_idx %arg9[%add3A_365] : memref<81920xf32, #tpu.memory_space<vmem>>[vector<16xi32>], vector<16xf32>,
      %add3A_367 = arith.constant 16384 : i32
      %add3A_368 = vector.broadcast %add3A_367 : i32 to vector<16xi32>
      %add3A_369 = arith.addi %get3A_310, %add3A_368 : vector<16xi32>
      %gather3A_370 = tpu.vector_load_idx %arg9[%add3A_369] : memref<81920xf32, #tpu.memory_space<vmem>>[vector<16xi32>], vector<16xf32>,
      %mul3A_371 = arith.mulf %gather3A_366, %gather3A_370 : vector<16xf32>
      %add3A_372 = arith.addf %add3A_362, %mul3A_371 : vector<16xf32>
      %add3A_373 = arith.constant 24576 : i32
      %add3A_374 = vector.broadcast %add3A_373 : i32 to vector<16xi32>
      %add3A_375 = arith.addi %add3A_16, %add3A_374 : vector<16xi32>
      %gather3A_376 = tpu.vector_load_idx %arg9[%add3A_375] : memref<81920xf32, #tpu.memory_space<vmem>>[vector<16xi32>], vector<16xf32>,
      %add3A_377 = arith.constant 24576 : i32
      %add3A_378 = vector.broadcast %add3A_377 : i32 to vector<16xi32>
      %add3A_379 = arith.addi %get3A_310, %add3A_378 : vector<16xi32>
      %gather3A_380 = tpu.vector_load_idx %arg9[%add3A_379] : memref<81920xf32, #tpu.memory_space<vmem>>[vector<16xi32>], vector<16xf32>,
      %mul3A_381 = arith.mulf %gather3A_376, %gather3A_380 : vector<16xf32>
      %add3A_382 = arith.addf %add3A_372, %mul3A_381 : vector<16xf32>
      %add3A_383 = arith.constant 32768 : i32
      %add3A_384 = vector.broadcast %add3A_383 : i32 to vector<16xi32>
      %add3A_385 = arith.addi %add3A_16, %add3A_384 : vector<16xi32>
      %gather3A_386 = tpu.vector_load_idx %arg9[%add3A_385] : memref<81920xf32, #tpu.memory_space<vmem>>[vector<16xi32>], vector<16xf32>,
      %add3A_387 = arith.constant 32768 : i32
      %add3A_388 = vector.broadcast %add3A_387 : i32 to vector<16xi32>
      %add3A_389 = arith.addi %get3A_310, %add3A_388 : vector<16xi32>
      %gather3A_390 = tpu.vector_load_idx %arg9[%add3A_389] : memref<81920xf32, #tpu.memory_space<vmem>>[vector<16xi32>], vector<16xf32>,
      %mul3A_391 = arith.mulf %gather3A_386, %gather3A_390 : vector<16xf32>
      %add3A_392 = arith.addf %add3A_382, %mul3A_391 : vector<16xf32>
      %add3A_393 = arith.constant 40960 : i32
      %add3A_394 = vector.broadcast %add3A_393 : i32 to vector<16xi32>
      %add3A_395 = arith.addi %add3A_16, %add3A_394 : vector<16xi32>
      %gather3A_396 = tpu.vector_load_idx %arg9[%add3A_395] : memref<81920xf32, #tpu.memory_space<vmem>>[vector<16xi32>], vector<16xf32>,
      %add3A_397 = arith.constant 40960 : i32
      %add3A_398 = vector.broadcast %add3A_397 : i32 to vector<16xi32>
      %add3A_399 = arith.addi %get3A_310, %add3A_398 : vector<16xi32>
      %gather3A_400 = tpu.vector_load_idx %arg9[%add3A_399] : memref<81920xf32, #tpu.memory_space<vmem>>[vector<16xi32>], vector<16xf32>,
      %mul3A_401 = arith.mulf %gather3A_396, %gather3A_400 : vector<16xf32>
      %add3A_402 = arith.addf %add3A_392, %mul3A_401 : vector<16xf32>
      %add3A_403 = arith.constant 49152 : i32
      %add3A_404 = vector.broadcast %add3A_403 : i32 to vector<16xi32>
      %add3A_405 = arith.addi %add3A_16, %add3A_404 : vector<16xi32>
      %gather3A_406 = tpu.vector_load_idx %arg9[%add3A_405] : memref<81920xf32, #tpu.memory_space<vmem>>[vector<16xi32>], vector<16xf32>,
      %add3A_407 = arith.constant 49152 : i32
      %add3A_408 = vector.broadcast %add3A_407 : i32 to vector<16xi32>
      %add3A_409 = arith.addi %get3A_310, %add3A_408 : vector<16xi32>
      %gather3A_410 = tpu.vector_load_idx %arg9[%add3A_409] : memref<81920xf32, #tpu.memory_space<vmem>>[vector<16xi32>], vector<16xf32>,
      %mul3A_411 = arith.mulf %gather3A_406, %gather3A_410 : vector<16xf32>
      %add3A_412 = arith.addf %add3A_402, %mul3A_411 : vector<16xf32>
      %add3A_413 = arith.constant 57344 : i32
      %add3A_414 = vector.broadcast %add3A_413 : i32 to vector<16xi32>
      %add3A_415 = arith.addi %add3A_16, %add3A_414 : vector<16xi32>
      %gather3A_416 = tpu.vector_load_idx %arg9[%add3A_415] : memref<81920xf32, #tpu.memory_space<vmem>>[vector<16xi32>], vector<16xf32>,
      %add3A_417 = arith.constant 57344 : i32
      %add3A_418 = vector.broadcast %add3A_417 : i32 to vector<16xi32>
      %add3A_419 = arith.addi %get3A_310, %add3A_418 : vector<16xi32>
      %gather3A_420 = tpu.vector_load_idx %arg9[%add3A_419] : memref<81920xf32, #tpu.memory_space<vmem>>[vector<16xi32>], vector<16xf32>,
      %mul3A_421 = arith.mulf %gather3A_416, %gather3A_420 : vector<16xf32>
      %add3A_422 = arith.addf %add3A_412, %mul3A_421 : vector<16xf32>
      %add3A_423 = arith.constant 65536 : i32
      %add3A_424 = vector.broadcast %add3A_423 : i32 to vector<16xi32>
      %add3A_425 = arith.addi %add3A_16, %add3A_424 : vector<16xi32>
      %gather3A_426 = tpu.vector_load_idx %arg9[%add3A_425] : memref<81920xf32, #tpu.memory_space<vmem>>[vector<16xi32>], vector<16xf32>,
      %add3A_427 = arith.constant 65536 : i32
      %add3A_428 = vector.broadcast %add3A_427 : i32 to vector<16xi32>
      %add3A_429 = arith.addi %get3A_310, %add3A_428 : vector<16xi32>
      %gather3A_430 = tpu.vector_load_idx %arg9[%add3A_429] : memref<81920xf32, #tpu.memory_space<vmem>>[vector<16xi32>], vector<16xf32>,
      %mul3A_431 = arith.mulf %gather3A_426, %gather3A_430 : vector<16xf32>
      %add3A_432 = arith.addf %add3A_422, %mul3A_431 : vector<16xf32>
      %add3A_433 = arith.constant 73728 : i32
      %add3A_434 = vector.broadcast %add3A_433 : i32 to vector<16xi32>
      %add3A_435 = arith.addi %add3A_16, %add3A_434 : vector<16xi32>
      %gather3A_436 = tpu.vector_load_idx %arg9[%add3A_435] : memref<81920xf32, #tpu.memory_space<vmem>>[vector<16xi32>], vector<16xf32>,
      %add3A_437 = arith.constant 73728 : i32
      %add3A_438 = vector.broadcast %add3A_437 : i32 to vector<16xi32>
      %add3A_439 = arith.addi %get3A_310, %add3A_438 : vector<16xi32>
      %gather3A_440 = tpu.vector_load_idx %arg9[%add3A_439] : memref<81920xf32, #tpu.memory_space<vmem>>[vector<16xi32>], vector<16xf32>,
      %mul3A_441 = arith.mulf %gather3A_436, %gather3A_440 : vector<16xf32>
      %add3A_442 = arith.addf %add3A_432, %mul3A_441 : vector<16xf32>
      %mul3A_443 = arith.mulf %select_n3A_340, %add3A_442 : vector<16xf32>
      %add3A_444 = arith.addf %add3A_302, %mul3A_443 : vector<16xf32>
      %add3A_445 = arith.constant 768 : i32
      %add3A_446 = arith.addi %add3A_445, %mul3A_13 : i32
      %get3A_447 = arith.index_cast %add3A_446 : i32 to index
      %get3A_448 = tpu.vector_load %arg7[%get3A_447] {strides = array<i32>} : memref<4096xf32, #tpu.memory_space<vmem>>, vector<16xf32>,
      %add3A_449 = arith.constant 768 : i32
      %add3A_450 = arith.addi %add3A_449, %mul3A_13 : i32
      %get3A_451 = arith.index_cast %add3A_450 : i32 to index
      %get3A_452 = tpu.vector_load %arg8[%get3A_451] {strides = array<i32>} : memref<4096xi32, #tpu.memory_space<vmem>>, vector<16xi32>,
      %and3A_453 = arith.constant 4095 : i32
      %and3A_454 = vector.broadcast %and3A_453 : i32 to vector<16xi32>
      %and3A_455 = arith.andi %get3A_452, %and3A_454 : vector<16xi32>
      %gather3A_456 = tpu.vector_load_idx %arg10[%and3A_455] : memref<4096xi32, #tpu.memory_space<vmem>>[vector<16xi32>], vector<16xi32>,
      %eq3A_457 = arith.cmpi eq, %gather3A, %gather3A_456 : vector<16xi32>
      %ne3A_458 = arith.cmpi ne, %and3A_18, %and3A_455 : vector<16xi32>
      %and3A_459 = arith.andi %eq3A_457, %ne3A_458 : vector<16xi1>
      %and3A_460 = arith.andi %and3A_459, %ne3A_20 : vector<16xi1>
      %ne3A_461 = arith.constant -1 : i32
      %ne3A_462 = vector.broadcast %ne3A_461 : i32 to vector<16xi32>
      %ne3A_463 = arith.cmpi ne, %gather3A_456, %ne3A_462 : vector<16xi32>
      %and3A_464 = arith.andi %and3A_460, %ne3A_463 : vector<16xi1>
      %sub3A_465 = arith.subf %get3A_448, %get3A_23 : vector<16xf32>
      %div3A_466 = arith.divf %sub3A_465, %get3A_23 : vector<16xf32>
      %jit3A_467 = arith.constant 0.000000e+00 : f32
      %jit3A_468 = arith.constant 1.000000e+00 : f32
      %max3A_469 = vector.broadcast %jit3A_467 : f32 to vector<16xf32>
      %max3A_470 = arith.maximumf %max3A_469, %div3A_466 : vector<16xf32>
      %min3A_471 = vector.broadcast %jit3A_468 : f32 to vector<16xf32>
      %min3A_472 = arith.minimumf %min3A_471, %max3A_470 : vector<16xf32>
      %sub3A_473 = arith.constant 1.000000e+00 : f32
      %sub3A_474 = vector.broadcast %sub3A_473 : f32 to vector<16xf32>
      %sub3A_475 = arith.subf %sub3A_474, %min3A_472 : vector<16xf32>
      %eq3A_476 = arith.cmpi eq, %get3A_452, %add3A_16 : vector<16xi32>
      %jit3A_477 = arith.constant 0.000000e+00 : f32
      %broadcast_in_dim3A_478 = vector.broadcast %jit3A_477 : f32 to vector<16xf32>
      %select_n3A_479 = arith.select %eq3A_476, %broadcast_in_dim3A_478, %sub3A_475 : vector<16xi1>, vector<16xf32>
      %jit3A_480 = arith.constant 0.000000e+00 : f32
      %broadcast_in_dim3A_481 = vector.broadcast %jit3A_480 : f32 to vector<16xf32>
      %select_n3A_482 = arith.select %and3A_464, %select_n3A_479, %broadcast_in_dim3A_481 : vector<16xi1>, vector<16xf32>
      %broadcast_in_dim3A_483 = arith.constant 0.000000e+00 : f32
      %broadcast_in_dim3A_484 = vector.broadcast %broadcast_in_dim3A_483 : f32 to vector<16xf32>
      %add3A_485 = arith.constant 0 : i32
      %add3A_486 = vector.broadcast %add3A_485 : i32 to vector<16xi32>
      %add3A_487 = arith.addi %add3A_16, %add3A_486 : vector<16xi32>
      %gather3A_488 = tpu.vector_load_idx %arg9[%add3A_487] : memref<81920xf32, #tpu.memory_space<vmem>>[vector<16xi32>], vector<16xf32>,
      %add3A_489 = arith.constant 0 : i32
      %add3A_490 = vector.broadcast %add3A_489 : i32 to vector<16xi32>
      %add3A_491 = arith.addi %get3A_452, %add3A_490 : vector<16xi32>
      %gather3A_492 = tpu.vector_load_idx %arg9[%add3A_491] : memref<81920xf32, #tpu.memory_space<vmem>>[vector<16xi32>], vector<16xf32>,
      %mul3A_493 = arith.mulf %gather3A_488, %gather3A_492 : vector<16xf32>
      %add3A_494 = arith.addf %broadcast_in_dim3A_484, %mul3A_493 : vector<16xf32>
      %add3A_495 = arith.constant 8192 : i32
      %add3A_496 = vector.broadcast %add3A_495 : i32 to vector<16xi32>
      %add3A_497 = arith.addi %add3A_16, %add3A_496 : vector<16xi32>
      %gather3A_498 = tpu.vector_load_idx %arg9[%add3A_497] : memref<81920xf32, #tpu.memory_space<vmem>>[vector<16xi32>], vector<16xf32>,
      %add3A_499 = arith.constant 8192 : i32
      %add3A_500 = vector.broadcast %add3A_499 : i32 to vector<16xi32>
      %add3A_501 = arith.addi %get3A_452, %add3A_500 : vector<16xi32>
      %gather3A_502 = tpu.vector_load_idx %arg9[%add3A_501] : memref<81920xf32, #tpu.memory_space<vmem>>[vector<16xi32>], vector<16xf32>,
      %mul3A_503 = arith.mulf %gather3A_498, %gather3A_502 : vector<16xf32>
      %add3A_504 = arith.addf %add3A_494, %mul3A_503 : vector<16xf32>
      %add3A_505 = arith.constant 16384 : i32
      %add3A_506 = vector.broadcast %add3A_505 : i32 to vector<16xi32>
      %add3A_507 = arith.addi %add3A_16, %add3A_506 : vector<16xi32>
      %gather3A_508 = tpu.vector_load_idx %arg9[%add3A_507] : memref<81920xf32, #tpu.memory_space<vmem>>[vector<16xi32>], vector<16xf32>,
      %add3A_509 = arith.constant 16384 : i32
      %add3A_510 = vector.broadcast %add3A_509 : i32 to vector<16xi32>
      %add3A_511 = arith.addi %get3A_452, %add3A_510 : vector<16xi32>
      %gather3A_512 = tpu.vector_load_idx %arg9[%add3A_511] : memref<81920xf32, #tpu.memory_space<vmem>>[vector<16xi32>], vector<16xf32>,
      %mul3A_513 = arith.mulf %gather3A_508, %gather3A_512 : vector<16xf32>
      %add3A_514 = arith.addf %add3A_504, %mul3A_513 : vector<16xf32>
      %add3A_515 = arith.constant 24576 : i32
      %add3A_516 = vector.broadcast %add3A_515 : i32 to vector<16xi32>
      %add3A_517 = arith.addi %add3A_16, %add3A_516 : vector<16xi32>
      %gather3A_518 = tpu.vector_load_idx %arg9[%add3A_517] : memref<81920xf32, #tpu.memory_space<vmem>>[vector<16xi32>], vector<16xf32>,
      %add3A_519 = arith.constant 24576 : i32
      %add3A_520 = vector.broadcast %add3A_519 : i32 to vector<16xi32>
      %add3A_521 = arith.addi %get3A_452, %add3A_520 : vector<16xi32>
      %gather3A_522 = tpu.vector_load_idx %arg9[%add3A_521] : memref<81920xf32, #tpu.memory_space<vmem>>[vector<16xi32>], vector<16xf32>,
      %mul3A_523 = arith.mulf %gather3A_518, %gather3A_522 : vector<16xf32>
      %add3A_524 = arith.addf %add3A_514, %mul3A_523 : vector<16xf32>
      %add3A_525 = arith.constant 32768 : i32
      %add3A_526 = vector.broadcast %add3A_525 : i32 to vector<16xi32>
      %add3A_527 = arith.addi %add3A_16, %add3A_526 : vector<16xi32>
      %gather3A_528 = tpu.vector_load_idx %arg9[%add3A_527] : memref<81920xf32, #tpu.memory_space<vmem>>[vector<16xi32>], vector<16xf32>,
      %add3A_529 = arith.constant 32768 : i32
      %add3A_530 = vector.broadcast %add3A_529 : i32 to vector<16xi32>
      %add3A_531 = arith.addi %get3A_452, %add3A_530 : vector<16xi32>
      %gather3A_532 = tpu.vector_load_idx %arg9[%add3A_531] : memref<81920xf32, #tpu.memory_space<vmem>>[vector<16xi32>], vector<16xf32>,
      %mul3A_533 = arith.mulf %gather3A_528, %gather3A_532 : vector<16xf32>
      %add3A_534 = arith.addf %add3A_524, %mul3A_533 : vector<16xf32>
      %add3A_535 = arith.constant 40960 : i32
      %add3A_536 = vector.broadcast %add3A_535 : i32 to vector<16xi32>
      %add3A_537 = arith.addi %add3A_16, %add3A_536 : vector<16xi32>
      %gather3A_538 = tpu.vector_load_idx %arg9[%add3A_537] : memref<81920xf32, #tpu.memory_space<vmem>>[vector<16xi32>], vector<16xf32>,
      %add3A_539 = arith.constant 40960 : i32
      %add3A_540 = vector.broadcast %add3A_539 : i32 to vector<16xi32>
      %add3A_541 = arith.addi %get3A_452, %add3A_540 : vector<16xi32>
      %gather3A_542 = tpu.vector_load_idx %arg9[%add3A_541] : memref<81920xf32, #tpu.memory_space<vmem>>[vector<16xi32>], vector<16xf32>,
      %mul3A_543 = arith.mulf %gather3A_538, %gather3A_542 : vector<16xf32>
      %add3A_544 = arith.addf %add3A_534, %mul3A_543 : vector<16xf32>
      %add3A_545 = arith.constant 49152 : i32
      %add3A_546 = vector.broadcast %add3A_545 : i32 to vector<16xi32>
      %add3A_547 = arith.addi %add3A_16, %add3A_546 : vector<16xi32>
      %gather3A_548 = tpu.vector_load_idx %arg9[%add3A_547] : memref<81920xf32, #tpu.memory_space<vmem>>[vector<16xi32>], vector<16xf32>,
      %add3A_549 = arith.constant 49152 : i32
      %add3A_550 = vector.broadcast %add3A_549 : i32 to vector<16xi32>
      %add3A_551 = arith.addi %get3A_452, %add3A_550 : vector<16xi32>
      %gather3A_552 = tpu.vector_load_idx %arg9[%add3A_551] : memref<81920xf32, #tpu.memory_space<vmem>>[vector<16xi32>], vector<16xf32>,
      %mul3A_553 = arith.mulf %gather3A_548, %gather3A_552 : vector<16xf32>
      %add3A_554 = arith.addf %add3A_544, %mul3A_553 : vector<16xf32>
      %add3A_555 = arith.constant 57344 : i32
      %add3A_556 = vector.broadcast %add3A_555 : i32 to vector<16xi32>
      %add3A_557 = arith.addi %add3A_16, %add3A_556 : vector<16xi32>
      %gather3A_558 = tpu.vector_load_idx %arg9[%add3A_557] : memref<81920xf32, #tpu.memory_space<vmem>>[vector<16xi32>], vector<16xf32>,
      %add3A_559 = arith.constant 57344 : i32
      %add3A_560 = vector.broadcast %add3A_559 : i32 to vector<16xi32>
      %add3A_561 = arith.addi %get3A_452, %add3A_560 : vector<16xi32>
      %gather3A_562 = tpu.vector_load_idx %arg9[%add3A_561] : memref<81920xf32, #tpu.memory_space<vmem>>[vector<16xi32>], vector<16xf32>,
      %mul3A_563 = arith.mulf %gather3A_558, %gather3A_562 : vector<16xf32>
      %add3A_564 = arith.addf %add3A_554, %mul3A_563 : vector<16xf32>
      %add3A_565 = arith.constant 65536 : i32
      %add3A_566 = vector.broadcast %add3A_565 : i32 to vector<16xi32>
      %add3A_567 = arith.addi %add3A_16, %add3A_566 : vector<16xi32>
      %gather3A_568 = tpu.vector_load_idx %arg9[%add3A_567] : memref<81920xf32, #tpu.memory_space<vmem>>[vector<16xi32>], vector<16xf32>,
      %add3A_569 = arith.constant 65536 : i32
      %add3A_570 = vector.broadcast %add3A_569 : i32 to vector<16xi32>
      %add3A_571 = arith.addi %get3A_452, %add3A_570 : vector<16xi32>
      %gather3A_572 = tpu.vector_load_idx %arg9[%add3A_571] : memref<81920xf32, #tpu.memory_space<vmem>>[vector<16xi32>], vector<16xf32>,
      %mul3A_573 = arith.mulf %gather3A_568, %gather3A_572 : vector<16xf32>
      %add3A_574 = arith.addf %add3A_564, %mul3A_573 : vector<16xf32>
      %add3A_575 = arith.constant 73728 : i32
      %add3A_576 = vector.broadcast %add3A_575 : i32 to vector<16xi32>
      %add3A_577 = arith.addi %add3A_16, %add3A_576 : vector<16xi32>
      %gather3A_578 = tpu.vector_load_idx %arg9[%add3A_577] : memref<81920xf32, #tpu.memory_space<vmem>>[vector<16xi32>], vector<16xf32>,
      %add3A_579 = arith.constant 73728 : i32
      %add3A_580 = vector.broadcast %add3A_579 : i32 to vector<16xi32>
      %add3A_581 = arith.addi %get3A_452, %add3A_580 : vector<16xi32>
      %gather3A_582 = tpu.vector_load_idx %arg9[%add3A_581] : memref<81920xf32, #tpu.memory_space<vmem>>[vector<16xi32>], vector<16xf32>,
      %mul3A_583 = arith.mulf %gather3A_578, %gather3A_582 : vector<16xf32>
      %add3A_584 = arith.addf %add3A_574, %mul3A_583 : vector<16xf32>
      %mul3A_585 = arith.mulf %select_n3A_482, %add3A_584 : vector<16xf32>
      %add3A_586 = arith.addf %add3A_444, %mul3A_585 : vector<16xf32>
      %add3A_587 = arith.constant 1024 : i32
      %add3A_588 = arith.addi %add3A_587, %mul3A_13 : i32
      %get3A_589 = arith.index_cast %add3A_588 : i32 to index
      %get3A_590 = tpu.vector_load %arg7[%get3A_589] {strides = array<i32>} : memref<4096xf32, #tpu.memory_space<vmem>>, vector<16xf32>,
      %add3A_591 = arith.constant 1024 : i32
      %add3A_592 = arith.addi %add3A_591, %mul3A_13 : i32
      %get3A_593 = arith.index_cast %add3A_592 : i32 to index
      %get3A_594 = tpu.vector_load %arg8[%get3A_593] {strides = array<i32>} : memref<4096xi32, #tpu.memory_space<vmem>>, vector<16xi32>,
      %and3A_595 = arith.constant 4095 : i32
      %and3A_596 = vector.broadcast %and3A_595 : i32 to vector<16xi32>
      %and3A_597 = arith.andi %get3A_594, %and3A_596 : vector<16xi32>
      %gather3A_598 = tpu.vector_load_idx %arg10[%and3A_597] : memref<4096xi32, #tpu.memory_space<vmem>>[vector<16xi32>], vector<16xi32>,
      %eq3A_599 = arith.cmpi eq, %gather3A, %gather3A_598 : vector<16xi32>
      %ne3A_600 = arith.cmpi ne, %and3A_18, %and3A_597 : vector<16xi32>
      %and3A_601 = arith.andi %eq3A_599, %ne3A_600 : vector<16xi1>
      %and3A_602 = arith.andi %and3A_601, %ne3A_20 : vector<16xi1>
      %ne3A_603 = arith.constant -1 : i32
      %ne3A_604 = vector.broadcast %ne3A_603 : i32 to vector<16xi32>
      %ne3A_605 = arith.cmpi ne, %gather3A_598, %ne3A_604 : vector<16xi32>
      %and3A_606 = arith.andi %and3A_602, %ne3A_605 : vector<16xi1>
      %sub3A_607 = arith.subf %get3A_590, %get3A_23 : vector<16xf32>
      %div3A_608 = arith.divf %sub3A_607, %get3A_23 : vector<16xf32>
      %jit3A_609 = arith.constant 0.000000e+00 : f32
      %jit3A_610 = arith.constant 1.000000e+00 : f32
      %max3A_611 = vector.broadcast %jit3A_609 : f32 to vector<16xf32>
      %max3A_612 = arith.maximumf %max3A_611, %div3A_608 : vector<16xf32>
      %min3A_613 = vector.broadcast %jit3A_610 : f32 to vector<16xf32>
      %min3A_614 = arith.minimumf %min3A_613, %max3A_612 : vector<16xf32>
      %sub3A_615 = arith.constant 1.000000e+00 : f32
      %sub3A_616 = vector.broadcast %sub3A_615 : f32 to vector<16xf32>
      %sub3A_617 = arith.subf %sub3A_616, %min3A_614 : vector<16xf32>
      %eq3A_618 = arith.cmpi eq, %get3A_594, %add3A_16 : vector<16xi32>
      %jit3A_619 = arith.constant 0.000000e+00 : f32
      %broadcast_in_dim3A_620 = vector.broadcast %jit3A_619 : f32 to vector<16xf32>
      %select_n3A_621 = arith.select %eq3A_618, %broadcast_in_dim3A_620, %sub3A_617 : vector<16xi1>, vector<16xf32>
      %jit3A_622 = arith.constant 0.000000e+00 : f32
      %broadcast_in_dim3A_623 = vector.broadcast %jit3A_622 : f32 to vector<16xf32>
      %select_n3A_624 = arith.select %and3A_606, %select_n3A_621, %broadcast_in_dim3A_623 : vector<16xi1>, vector<16xf32>
      %broadcast_in_dim3A_625 = arith.constant 0.000000e+00 : f32
      %broadcast_in_dim3A_626 = vector.broadcast %broadcast_in_dim3A_625 : f32 to vector<16xf32>
      %add3A_627 = arith.constant 0 : i32
      %add3A_628 = vector.broadcast %add3A_627 : i32 to vector<16xi32>
      %add3A_629 = arith.addi %add3A_16, %add3A_628 : vector<16xi32>
      %gather3A_630 = tpu.vector_load_idx %arg9[%add3A_629] : memref<81920xf32, #tpu.memory_space<vmem>>[vector<16xi32>], vector<16xf32>,
      %add3A_631 = arith.constant 0 : i32
      %add3A_632 = vector.broadcast %add3A_631 : i32 to vector<16xi32>
      %add3A_633 = arith.addi %get3A_594, %add3A_632 : vector<16xi32>
      %gather3A_634 = tpu.vector_load_idx %arg9[%add3A_633] : memref<81920xf32, #tpu.memory_space<vmem>>[vector<16xi32>], vector<16xf32>,
      %mul3A_635 = arith.mulf %gather3A_630, %gather3A_634 : vector<16xf32>
      %add3A_636 = arith.addf %broadcast_in_dim3A_626, %mul3A_635 : vector<16xf32>
      %add3A_637 = arith.constant 8192 : i32
      %add3A_638 = vector.broadcast %add3A_637 : i32 to vector<16xi32>
      %add3A_639 = arith.addi %add3A_16, %add3A_638 : vector<16xi32>
      %gather3A_640 = tpu.vector_load_idx %arg9[%add3A_639] : memref<81920xf32, #tpu.memory_space<vmem>>[vector<16xi32>], vector<16xf32>,
      %add3A_641 = arith.constant 8192 : i32
      %add3A_642 = vector.broadcast %add3A_641 : i32 to vector<16xi32>
      %add3A_643 = arith.addi %get3A_594, %add3A_642 : vector<16xi32>
      %gather3A_644 = tpu.vector_load_idx %arg9[%add3A_643] : memref<81920xf32, #tpu.memory_space<vmem>>[vector<16xi32>], vector<16xf32>,
      %mul3A_645 = arith.mulf %gather3A_640, %gather3A_644 : vector<16xf32>
      %add3A_646 = arith.addf %add3A_636, %mul3A_645 : vector<16xf32>
      %add3A_647 = arith.constant 16384 : i32
      %add3A_648 = vector.broadcast %add3A_647 : i32 to vector<16xi32>
      %add3A_649 = arith.addi %add3A_16, %add3A_648 : vector<16xi32>
      %gather3A_650 = tpu.vector_load_idx %arg9[%add3A_649] : memref<81920xf32, #tpu.memory_space<vmem>>[vector<16xi32>], vector<16xf32>,
      %add3A_651 = arith.constant 16384 : i32
      %add3A_652 = vector.broadcast %add3A_651 : i32 to vector<16xi32>
      %add3A_653 = arith.addi %get3A_594, %add3A_652 : vector<16xi32>
      %gather3A_654 = tpu.vector_load_idx %arg9[%add3A_653] : memref<81920xf32, #tpu.memory_space<vmem>>[vector<16xi32>], vector<16xf32>,
      %mul3A_655 = arith.mulf %gather3A_650, %gather3A_654 : vector<16xf32>
      %add3A_656 = arith.addf %add3A_646, %mul3A_655 : vector<16xf32>
      %add3A_657 = arith.constant 24576 : i32
      %add3A_658 = vector.broadcast %add3A_657 : i32 to vector<16xi32>
      %add3A_659 = arith.addi %add3A_16, %add3A_658 : vector<16xi32>
      %gather3A_660 = tpu.vector_load_idx %arg9[%add3A_659] : memref<81920xf32, #tpu.memory_space<vmem>>[vector<16xi32>], vector<16xf32>,
      %add3A_661 = arith.constant 24576 : i32
      %add3A_662 = vector.broadcast %add3A_661 : i32 to vector<16xi32>
      %add3A_663 = arith.addi %get3A_594, %add3A_662 : vector<16xi32>
      %gather3A_664 = tpu.vector_load_idx %arg9[%add3A_663] : memref<81920xf32, #tpu.memory_space<vmem>>[vector<16xi32>], vector<16xf32>,
      %mul3A_665 = arith.mulf %gather3A_660, %gather3A_664 : vector<16xf32>
      %add3A_666 = arith.addf %add3A_656, %mul3A_665 : vector<16xf32>
      %add3A_667 = arith.constant 32768 : i32
      %add3A_668 = vector.broadcast %add3A_667 : i32 to vector<16xi32>
      %add3A_669 = arith.addi %add3A_16, %add3A_668 : vector<16xi32>
      %gather3A_670 = tpu.vector_load_idx %arg9[%add3A_669] : memref<81920xf32, #tpu.memory_space<vmem>>[vector<16xi32>], vector<16xf32>,
      %add3A_671 = arith.constant 32768 : i32
      %add3A_672 = vector.broadcast %add3A_671 : i32 to vector<16xi32>
      %add3A_673 = arith.addi %get3A_594, %add3A_672 : vector<16xi32>
      %gather3A_674 = tpu.vector_load_idx %arg9[%add3A_673] : memref<81920xf32, #tpu.memory_space<vmem>>[vector<16xi32>], vector<16xf32>,
      %mul3A_675 = arith.mulf %gather3A_670, %gather3A_674 : vector<16xf32>
      %add3A_676 = arith.addf %add3A_666, %mul3A_675 : vector<16xf32>
      %add3A_677 = arith.constant 40960 : i32
      %add3A_678 = vector.broadcast %add3A_677 : i32 to vector<16xi32>
      %add3A_679 = arith.addi %add3A_16, %add3A_678 : vector<16xi32>
      %gather3A_680 = tpu.vector_load_idx %arg9[%add3A_679] : memref<81920xf32, #tpu.memory_space<vmem>>[vector<16xi32>], vector<16xf32>,
      %add3A_681 = arith.constant 40960 : i32
      %add3A_682 = vector.broadcast %add3A_681 : i32 to vector<16xi32>
      %add3A_683 = arith.addi %get3A_594, %add3A_682 : vector<16xi32>
      %gather3A_684 = tpu.vector_load_idx %arg9[%add3A_683] : memref<81920xf32, #tpu.memory_space<vmem>>[vector<16xi32>], vector<16xf32>,
      %mul3A_685 = arith.mulf %gather3A_680, %gather3A_684 : vector<16xf32>
      %add3A_686 = arith.addf %add3A_676, %mul3A_685 : vector<16xf32>
      %add3A_687 = arith.constant 49152 : i32
      %add3A_688 = vector.broadcast %add3A_687 : i32 to vector<16xi32>
      %add3A_689 = arith.addi %add3A_16, %add3A_688 : vector<16xi32>
      %gather3A_690 = tpu.vector_load_idx %arg9[%add3A_689] : memref<81920xf32, #tpu.memory_space<vmem>>[vector<16xi32>], vector<16xf32>,
      %add3A_691 = arith.constant 49152 : i32
      %add3A_692 = vector.broadcast %add3A_691 : i32 to vector<16xi32>
      %add3A_693 = arith.addi %get3A_594, %add3A_692 : vector<16xi32>
      %gather3A_694 = tpu.vector_load_idx %arg9[%add3A_693] : memref<81920xf32, #tpu.memory_space<vmem>>[vector<16xi32>], vector<16xf32>,
      %mul3A_695 = arith.mulf %gather3A_690, %gather3A_694 : vector<16xf32>
      %add3A_696 = arith.addf %add3A_686, %mul3A_695 : vector<16xf32>
      %add3A_697 = arith.constant 57344 : i32
      %add3A_698 = vector.broadcast %add3A_697 : i32 to vector<16xi32>
      %add3A_699 = arith.addi %add3A_16, %add3A_698 : vector<16xi32>
      %gather3A_700 = tpu.vector_load_idx %arg9[%add3A_699] : memref<81920xf32, #tpu.memory_space<vmem>>[vector<16xi32>], vector<16xf32>,
      %add3A_701 = arith.constant 57344 : i32
      %add3A_702 = vector.broadcast %add3A_701 : i32 to vector<16xi32>
      %add3A_703 = arith.addi %get3A_594, %add3A_702 : vector<16xi32>
      %gather3A_704 = tpu.vector_load_idx %arg9[%add3A_703] : memref<81920xf32, #tpu.memory_space<vmem>>[vector<16xi32>], vector<16xf32>,
      %mul3A_705 = arith.mulf %gather3A_700, %gather3A_704 : vector<16xf32>
      %add3A_706 = arith.addf %add3A_696, %mul3A_705 : vector<16xf32>
      %add3A_707 = arith.constant 65536 : i32
      %add3A_708 = vector.broadcast %add3A_707 : i32 to vector<16xi32>
      %add3A_709 = arith.addi %add3A_16, %add3A_708 : vector<16xi32>
      %gather3A_710 = tpu.vector_load_idx %arg9[%add3A_709] : memref<81920xf32, #tpu.memory_space<vmem>>[vector<16xi32>], vector<16xf32>,
      %add3A_711 = arith.constant 65536 : i32
      %add3A_712 = vector.broadcast %add3A_711 : i32 to vector<16xi32>
      %add3A_713 = arith.addi %get3A_594, %add3A_712 : vector<16xi32>
      %gather3A_714 = tpu.vector_load_idx %arg9[%add3A_713] : memref<81920xf32, #tpu.memory_space<vmem>>[vector<16xi32>], vector<16xf32>,
      %mul3A_715 = arith.mulf %gather3A_710, %gather3A_714 : vector<16xf32>
      %add3A_716 = arith.addf %add3A_706, %mul3A_715 : vector<16xf32>
      %add3A_717 = arith.constant 73728 : i32
      %add3A_718 = vector.broadcast %add3A_717 : i32 to vector<16xi32>
      %add3A_719 = arith.addi %add3A_16, %add3A_718 : vector<16xi32>
      %gather3A_720 = tpu.vector_load_idx %arg9[%add3A_719] : memref<81920xf32, #tpu.memory_space<vmem>>[vector<16xi32>], vector<16xf32>,
      %add3A_721 = arith.constant 73728 : i32
      %add3A_722 = vector.broadcast %add3A_721 : i32 to vector<16xi32>
      %add3A_723 = arith.addi %get3A_594, %add3A_722 : vector<16xi32>
      %gather3A_724 = tpu.vector_load_idx %arg9[%add3A_723] : memref<81920xf32, #tpu.memory_space<vmem>>[vector<16xi32>], vector<16xf32>,
      %mul3A_725 = arith.mulf %gather3A_720, %gather3A_724 : vector<16xf32>
      %add3A_726 = arith.addf %add3A_716, %mul3A_725 : vector<16xf32>
      %mul3A_727 = arith.mulf %select_n3A_624, %add3A_726 : vector<16xf32>
      %add3A_728 = arith.addf %add3A_586, %mul3A_727 : vector<16xf32>
      %add3A_729 = arith.constant 1280 : i32
      %add3A_730 = arith.addi %add3A_729, %mul3A_13 : i32
      %get3A_731 = arith.index_cast %add3A_730 : i32 to index
      %get3A_732 = tpu.vector_load %arg7[%get3A_731] {strides = array<i32>} : memref<4096xf32, #tpu.memory_space<vmem>>, vector<16xf32>,
      %add3A_733 = arith.constant 1280 : i32
      %add3A_734 = arith.addi %add3A_733, %mul3A_13 : i32
      %get3A_735 = arith.index_cast %add3A_734 : i32 to index
      %get3A_736 = tpu.vector_load %arg8[%get3A_735] {strides = array<i32>} : memref<4096xi32, #tpu.memory_space<vmem>>, vector<16xi32>,
      %and3A_737 = arith.constant 4095 : i32
      %and3A_738 = vector.broadcast %and3A_737 : i32 to vector<16xi32>
      %and3A_739 = arith.andi %get3A_736, %and3A_738 : vector<16xi32>
      %gather3A_740 = tpu.vector_load_idx %arg10[%and3A_739] : memref<4096xi32, #tpu.memory_space<vmem>>[vector<16xi32>], vector<16xi32>,
      %eq3A_741 = arith.cmpi eq, %gather3A, %gather3A_740 : vector<16xi32>
      %ne3A_742 = arith.cmpi ne, %and3A_18, %and3A_739 : vector<16xi32>
      %and3A_743 = arith.andi %eq3A_741, %ne3A_742 : vector<16xi1>
      %and3A_744 = arith.andi %and3A_743, %ne3A_20 : vector<16xi1>
      %ne3A_745 = arith.constant -1 : i32
      %ne3A_746 = vector.broadcast %ne3A_745 : i32 to vector<16xi32>
      %ne3A_747 = arith.cmpi ne, %gather3A_740, %ne3A_746 : vector<16xi32>
      %and3A_748 = arith.andi %and3A_744, %ne3A_747 : vector<16xi1>
      %sub3A_749 = arith.subf %get3A_732, %get3A_23 : vector<16xf32>
      %div3A_750 = arith.divf %sub3A_749, %get3A_23 : vector<16xf32>
      %jit3A_751 = arith.constant 0.000000e+00 : f32
      %jit3A_752 = arith.constant 1.000000e+00 : f32
      %max3A_753 = vector.broadcast %jit3A_751 : f32 to vector<16xf32>
      %max3A_754 = arith.maximumf %max3A_753, %div3A_750 : vector<16xf32>
      %min3A_755 = vector.broadcast %jit3A_752 : f32 to vector<16xf32>
      %min3A_756 = arith.minimumf %min3A_755, %max3A_754 : vector<16xf32>
      %sub3A_757 = arith.constant 1.000000e+00 : f32
      %sub3A_758 = vector.broadcast %sub3A_757 : f32 to vector<16xf32>
      %sub3A_759 = arith.subf %sub3A_758, %min3A_756 : vector<16xf32>
      %eq3A_760 = arith.cmpi eq, %get3A_736, %add3A_16 : vector<16xi32>
      %jit3A_761 = arith.constant 0.000000e+00 : f32
      %broadcast_in_dim3A_762 = vector.broadcast %jit3A_761 : f32 to vector<16xf32>
      %select_n3A_763 = arith.select %eq3A_760, %broadcast_in_dim3A_762, %sub3A_759 : vector<16xi1>, vector<16xf32>
      %jit3A_764 = arith.constant 0.000000e+00 : f32
      %broadcast_in_dim3A_765 = vector.broadcast %jit3A_764 : f32 to vector<16xf32>
      %select_n3A_766 = arith.select %and3A_748, %select_n3A_763, %broadcast_in_dim3A_765 : vector<16xi1>, vector<16xf32>
      %broadcast_in_dim3A_767 = arith.constant 0.000000e+00 : f32
      %broadcast_in_dim3A_768 = vector.broadcast %broadcast_in_dim3A_767 : f32 to vector<16xf32>
      %add3A_769 = arith.constant 0 : i32
      %add3A_770 = vector.broadcast %add3A_769 : i32 to vector<16xi32>
      %add3A_771 = arith.addi %add3A_16, %add3A_770 : vector<16xi32>
      %gather3A_772 = tpu.vector_load_idx %arg9[%add3A_771] : memref<81920xf32, #tpu.memory_space<vmem>>[vector<16xi32>], vector<16xf32>,
      %add3A_773 = arith.constant 0 : i32
      %add3A_774 = vector.broadcast %add3A_773 : i32 to vector<16xi32>
      %add3A_775 = arith.addi %get3A_736, %add3A_774 : vector<16xi32>
      %gather3A_776 = tpu.vector_load_idx %arg9[%add3A_775] : memref<81920xf32, #tpu.memory_space<vmem>>[vector<16xi32>], vector<16xf32>,
      %mul3A_777 = arith.mulf %gather3A_772, %gather3A_776 : vector<16xf32>
      %add3A_778 = arith.addf %broadcast_in_dim3A_768, %mul3A_777 : vector<16xf32>
      %add3A_779 = arith.constant 8192 : i32
      %add3A_780 = vector.broadcast %add3A_779 : i32 to vector<16xi32>
      %add3A_781 = arith.addi %add3A_16, %add3A_780 : vector<16xi32>
      %gather3A_782 = tpu.vector_load_idx %arg9[%add3A_781] : memref<81920xf32, #tpu.memory_space<vmem>>[vector<16xi32>], vector<16xf32>,
      %add3A_783 = arith.constant 8192 : i32
      %add3A_784 = vector.broadcast %add3A_783 : i32 to vector<16xi32>
      %add3A_785 = arith.addi %get3A_736, %add3A_784 : vector<16xi32>
      %gather3A_786 = tpu.vector_load_idx %arg9[%add3A_785] : memref<81920xf32, #tpu.memory_space<vmem>>[vector<16xi32>], vector<16xf32>,
      %mul3A_787 = arith.mulf %gather3A_782, %gather3A_786 : vector<16xf32>
      %add3A_788 = arith.addf %add3A_778, %mul3A_787 : vector<16xf32>
      %add3A_789 = arith.constant 16384 : i32
      %add3A_790 = vector.broadcast %add3A_789 : i32 to vector<16xi32>
      %add3A_791 = arith.addi %add3A_16, %add3A_790 : vector<16xi32>
      %gather3A_792 = tpu.vector_load_idx %arg9[%add3A_791] : memref<81920xf32, #tpu.memory_space<vmem>>[vector<16xi32>], vector<16xf32>,
      %add3A_793 = arith.constant 16384 : i32
      %add3A_794 = vector.broadcast %add3A_793 : i32 to vector<16xi32>
      %add3A_795 = arith.addi %get3A_736, %add3A_794 : vector<16xi32>
      %gather3A_796 = tpu.vector_load_idx %arg9[%add3A_795] : memref<81920xf32, #tpu.memory_space<vmem>>[vector<16xi32>], vector<16xf32>,
      %mul3A_797 = arith.mulf %gather3A_792, %gather3A_796 : vector<16xf32>
      %add3A_798 = arith.addf %add3A_788, %mul3A_797 : vector<16xf32>
      %add3A_799 = arith.constant 24576 : i32
      %add3A_800 = vector.broadcast %add3A_799 : i32 to vector<16xi32>
      %add3A_801 = arith.addi %add3A_16, %add3A_800 : vector<16xi32>
      %gather3A_802 = tpu.vector_load_idx %arg9[%add3A_801] : memref<81920xf32, #tpu.memory_space<vmem>>[vector<16xi32>], vector<16xf32>,
      %add3A_803 = arith.constant 24576 : i32
      %add3A_804 = vector.broadcast %add3A_803 : i32 to vector<16xi32>
      %add3A_805 = arith.addi %get3A_736, %add3A_804 : vector<16xi32>
      %gather3A_806 = tpu.vector_load_idx %arg9[%add3A_805] : memref<81920xf32, #tpu.memory_space<vmem>>[vector<16xi32>], vector<16xf32>,
      %mul3A_807 = arith.mulf %gather3A_802, %gather3A_806 : vector<16xf32>
      %add3A_808 = arith.addf %add3A_798, %mul3A_807 : vector<16xf32>
      %add3A_809 = arith.constant 32768 : i32
      %add3A_810 = vector.broadcast %add3A_809 : i32 to vector<16xi32>
      %add3A_811 = arith.addi %add3A_16, %add3A_810 : vector<16xi32>
      %gather3A_812 = tpu.vector_load_idx %arg9[%add3A_811] : memref<81920xf32, #tpu.memory_space<vmem>>[vector<16xi32>], vector<16xf32>,
      %add3A_813 = arith.constant 32768 : i32
      %add3A_814 = vector.broadcast %add3A_813 : i32 to vector<16xi32>
      %add3A_815 = arith.addi %get3A_736, %add3A_814 : vector<16xi32>
      %gather3A_816 = tpu.vector_load_idx %arg9[%add3A_815] : memref<81920xf32, #tpu.memory_space<vmem>>[vector<16xi32>], vector<16xf32>,
      %mul3A_817 = arith.mulf %gather3A_812, %gather3A_816 : vector<16xf32>
      %add3A_818 = arith.addf %add3A_808, %mul3A_817 : vector<16xf32>
      %add3A_819 = arith.constant 40960 : i32
      %add3A_820 = vector.broadcast %add3A_819 : i32 to vector<16xi32>
      %add3A_821 = arith.addi %add3A_16, %add3A_820 : vector<16xi32>
      %gather3A_822 = tpu.vector_load_idx %arg9[%add3A_821] : memref<81920xf32, #tpu.memory_space<vmem>>[vector<16xi32>], vector<16xf32>,
      %add3A_823 = arith.constant 40960 : i32
      %add3A_824 = vector.broadcast %add3A_823 : i32 to vector<16xi32>
      %add3A_825 = arith.addi %get3A_736, %add3A_824 : vector<16xi32>
      %gather3A_826 = tpu.vector_load_idx %arg9[%add3A_825] : memref<81920xf32, #tpu.memory_space<vmem>>[vector<16xi32>], vector<16xf32>,
      %mul3A_827 = arith.mulf %gather3A_822, %gather3A_826 : vector<16xf32>
      %add3A_828 = arith.addf %add3A_818, %mul3A_827 : vector<16xf32>
      %add3A_829 = arith.constant 49152 : i32
      %add3A_830 = vector.broadcast %add3A_829 : i32 to vector<16xi32>
      %add3A_831 = arith.addi %add3A_16, %add3A_830 : vector<16xi32>
      %gather3A_832 = tpu.vector_load_idx %arg9[%add3A_831] : memref<81920xf32, #tpu.memory_space<vmem>>[vector<16xi32>], vector<16xf32>,
      %add3A_833 = arith.constant 49152 : i32
      %add3A_834 = vector.broadcast %add3A_833 : i32 to vector<16xi32>
      %add3A_835 = arith.addi %get3A_736, %add3A_834 : vector<16xi32>
      %gather3A_836 = tpu.vector_load_idx %arg9[%add3A_835] : memref<81920xf32, #tpu.memory_space<vmem>>[vector<16xi32>], vector<16xf32>,
      %mul3A_837 = arith.mulf %gather3A_832, %gather3A_836 : vector<16xf32>
      %add3A_838 = arith.addf %add3A_828, %mul3A_837 : vector<16xf32>
      %add3A_839 = arith.constant 57344 : i32
      %add3A_840 = vector.broadcast %add3A_839 : i32 to vector<16xi32>
      %add3A_841 = arith.addi %add3A_16, %add3A_840 : vector<16xi32>
      %gather3A_842 = tpu.vector_load_idx %arg9[%add3A_841] : memref<81920xf32, #tpu.memory_space<vmem>>[vector<16xi32>], vector<16xf32>,
      %add3A_843 = arith.constant 57344 : i32
      %add3A_844 = vector.broadcast %add3A_843 : i32 to vector<16xi32>
      %add3A_845 = arith.addi %get3A_736, %add3A_844 : vector<16xi32>
      %gather3A_846 = tpu.vector_load_idx %arg9[%add3A_845] : memref<81920xf32, #tpu.memory_space<vmem>>[vector<16xi32>], vector<16xf32>,
      %mul3A_847 = arith.mulf %gather3A_842, %gather3A_846 : vector<16xf32>
      %add3A_848 = arith.addf %add3A_838, %mul3A_847 : vector<16xf32>
      %add3A_849 = arith.constant 65536 : i32
      %add3A_850 = vector.broadcast %add3A_849 : i32 to vector<16xi32>
      %add3A_851 = arith.addi %add3A_16, %add3A_850 : vector<16xi32>
      %gather3A_852 = tpu.vector_load_idx %arg9[%add3A_851] : memref<81920xf32, #tpu.memory_space<vmem>>[vector<16xi32>], vector<16xf32>,
      %add3A_853 = arith.constant 65536 : i32
      %add3A_854 = vector.broadcast %add3A_853 : i32 to vector<16xi32>
      %add3A_855 = arith.addi %get3A_736, %add3A_854 : vector<16xi32>
      %gather3A_856 = tpu.vector_load_idx %arg9[%add3A_855] : memref<81920xf32, #tpu.memory_space<vmem>>[vector<16xi32>], vector<16xf32>,
      %mul3A_857 = arith.mulf %gather3A_852, %gather3A_856 : vector<16xf32>
      %add3A_858 = arith.addf %add3A_848, %mul3A_857 : vector<16xf32>
      %add3A_859 = arith.constant 73728 : i32
      %add3A_860 = vector.broadcast %add3A_859 : i32 to vector<16xi32>
      %add3A_861 = arith.addi %add3A_16, %add3A_860 : vector<16xi32>
      %gather3A_862 = tpu.vector_load_idx %arg9[%add3A_861] : memref<81920xf32, #tpu.memory_space<vmem>>[vector<16xi32>], vector<16xf32>,
      %add3A_863 = arith.constant 73728 : i32
      %add3A_864 = vector.broadcast %add3A_863 : i32 to vector<16xi32>
      %add3A_865 = arith.addi %get3A_736, %add3A_864 : vector<16xi32>
      %gather3A_866 = tpu.vector_load_idx %arg9[%add3A_865] : memref<81920xf32, #tpu.memory_space<vmem>>[vector<16xi32>], vector<16xf32>,
      %mul3A_867 = arith.mulf %gather3A_862, %gather3A_866 : vector<16xf32>
      %add3A_868 = arith.addf %add3A_858, %mul3A_867 : vector<16xf32>
      %mul3A_869 = arith.mulf %select_n3A_766, %add3A_868 : vector<16xf32>
      %add3A_870 = arith.addf %add3A_728, %mul3A_869 : vector<16xf32>
      %add3A_871 = arith.constant 1536 : i32
      %add3A_872 = arith.addi %add3A_871, %mul3A_13 : i32
      %get3A_873 = arith.index_cast %add3A_872 : i32 to index
      %get3A_874 = tpu.vector_load %arg7[%get3A_873] {strides = array<i32>} : memref<4096xf32, #tpu.memory_space<vmem>>, vector<16xf32>,
      %add3A_875 = arith.constant 1536 : i32
      %add3A_876 = arith.addi %add3A_875, %mul3A_13 : i32
      %get3A_877 = arith.index_cast %add3A_876 : i32 to index
      %get3A_878 = tpu.vector_load %arg8[%get3A_877] {strides = array<i32>} : memref<4096xi32, #tpu.memory_space<vmem>>, vector<16xi32>,
      %and3A_879 = arith.constant 4095 : i32
      %and3A_880 = vector.broadcast %and3A_879 : i32 to vector<16xi32>
      %and3A_881 = arith.andi %get3A_878, %and3A_880 : vector<16xi32>
      %gather3A_882 = tpu.vector_load_idx %arg10[%and3A_881] : memref<4096xi32, #tpu.memory_space<vmem>>[vector<16xi32>], vector<16xi32>,
      %eq3A_883 = arith.cmpi eq, %gather3A, %gather3A_882 : vector<16xi32>
      %ne3A_884 = arith.cmpi ne, %and3A_18, %and3A_881 : vector<16xi32>
      %and3A_885 = arith.andi %eq3A_883, %ne3A_884 : vector<16xi1>
      %and3A_886 = arith.andi %and3A_885, %ne3A_20 : vector<16xi1>
      %ne3A_887 = arith.constant -1 : i32
      %ne3A_888 = vector.broadcast %ne3A_887 : i32 to vector<16xi32>
      %ne3A_889 = arith.cmpi ne, %gather3A_882, %ne3A_888 : vector<16xi32>
      %and3A_890 = arith.andi %and3A_886, %ne3A_889 : vector<16xi1>
      %sub3A_891 = arith.subf %get3A_874, %get3A_23 : vector<16xf32>
      %div3A_892 = arith.divf %sub3A_891, %get3A_23 : vector<16xf32>
      %jit3A_893 = arith.constant 0.000000e+00 : f32
      %jit3A_894 = arith.constant 1.000000e+00 : f32
      %max3A_895 = vector.broadcast %jit3A_893 : f32 to vector<16xf32>
      %max3A_896 = arith.maximumf %max3A_895, %div3A_892 : vector<16xf32>
      %min3A_897 = vector.broadcast %jit3A_894 : f32 to vector<16xf32>
      %min3A_898 = arith.minimumf %min3A_897, %max3A_896 : vector<16xf32>
      %sub3A_899 = arith.constant 1.000000e+00 : f32
      %sub3A_900 = vector.broadcast %sub3A_899 : f32 to vector<16xf32>
      %sub3A_901 = arith.subf %sub3A_900, %min3A_898 : vector<16xf32>
      %eq3A_902 = arith.cmpi eq, %get3A_878, %add3A_16 : vector<16xi32>
      %jit3A_903 = arith.constant 0.000000e+00 : f32
      %broadcast_in_dim3A_904 = vector.broadcast %jit3A_903 : f32 to vector<16xf32>
      %select_n3A_905 = arith.select %eq3A_902, %broadcast_in_dim3A_904, %sub3A_901 : vector<16xi1>, vector<16xf32>
      %jit3A_906 = arith.constant 0.000000e+00 : f32
      %broadcast_in_dim3A_907 = vector.broadcast %jit3A_906 : f32 to vector<16xf32>
      %select_n3A_908 = arith.select %and3A_890, %select_n3A_905, %broadcast_in_dim3A_907 : vector<16xi1>, vector<16xf32>
      %broadcast_in_dim3A_909 = arith.constant 0.000000e+00 : f32
      %broadcast_in_dim3A_910 = vector.broadcast %broadcast_in_dim3A_909 : f32 to vector<16xf32>
      %add3A_911 = arith.constant 0 : i32
      %add3A_912 = vector.broadcast %add3A_911 : i32 to vector<16xi32>
      %add3A_913 = arith.addi %add3A_16, %add3A_912 : vector<16xi32>
      %gather3A_914 = tpu.vector_load_idx %arg9[%add3A_913] : memref<81920xf32, #tpu.memory_space<vmem>>[vector<16xi32>], vector<16xf32>,
      %add3A_915 = arith.constant 0 : i32
      %add3A_916 = vector.broadcast %add3A_915 : i32 to vector<16xi32>
      %add3A_917 = arith.addi %get3A_878, %add3A_916 : vector<16xi32>
      %gather3A_918 = tpu.vector_load_idx %arg9[%add3A_917] : memref<81920xf32, #tpu.memory_space<vmem>>[vector<16xi32>], vector<16xf32>,
      %mul3A_919 = arith.mulf %gather3A_914, %gather3A_918 : vector<16xf32>
      %add3A_920 = arith.addf %broadcast_in_dim3A_910, %mul3A_919 : vector<16xf32>
      %add3A_921 = arith.constant 8192 : i32
      %add3A_922 = vector.broadcast %add3A_921 : i32 to vector<16xi32>
      %add3A_923 = arith.addi %add3A_16, %add3A_922 : vector<16xi32>
      %gather3A_924 = tpu.vector_load_idx %arg9[%add3A_923] : memref<81920xf32, #tpu.memory_space<vmem>>[vector<16xi32>], vector<16xf32>,
      %add3A_925 = arith.constant 8192 : i32
      %add3A_926 = vector.broadcast %add3A_925 : i32 to vector<16xi32>
      %add3A_927 = arith.addi %get3A_878, %add3A_926 : vector<16xi32>
      %gather3A_928 = tpu.vector_load_idx %arg9[%add3A_927] : memref<81920xf32, #tpu.memory_space<vmem>>[vector<16xi32>], vector<16xf32>,
      %mul3A_929 = arith.mulf %gather3A_924, %gather3A_928 : vector<16xf32>
      %add3A_930 = arith.addf %add3A_920, %mul3A_929 : vector<16xf32>
      %add3A_931 = arith.constant 16384 : i32
      %add3A_932 = vector.broadcast %add3A_931 : i32 to vector<16xi32>
      %add3A_933 = arith.addi %add3A_16, %add3A_932 : vector<16xi32>
      %gather3A_934 = tpu.vector_load_idx %arg9[%add3A_933] : memref<81920xf32, #tpu.memory_space<vmem>>[vector<16xi32>], vector<16xf32>,
      %add3A_935 = arith.constant 16384 : i32
      %add3A_936 = vector.broadcast %add3A_935 : i32 to vector<16xi32>
      %add3A_937 = arith.addi %get3A_878, %add3A_936 : vector<16xi32>
      %gather3A_938 = tpu.vector_load_idx %arg9[%add3A_937] : memref<81920xf32, #tpu.memory_space<vmem>>[vector<16xi32>], vector<16xf32>,
      %mul3A_939 = arith.mulf %gather3A_934, %gather3A_938 : vector<16xf32>
      %add3A_940 = arith.addf %add3A_930, %mul3A_939 : vector<16xf32>
      %add3A_941 = arith.constant 24576 : i32
      %add3A_942 = vector.broadcast %add3A_941 : i32 to vector<16xi32>
      %add3A_943 = arith.addi %add3A_16, %add3A_942 : vector<16xi32>
      %gather3A_944 = tpu.vector_load_idx %arg9[%add3A_943] : memref<81920xf32, #tpu.memory_space<vmem>>[vector<16xi32>], vector<16xf32>,
      %add3A_945 = arith.constant 24576 : i32
      %add3A_946 = vector.broadcast %add3A_945 : i32 to vector<16xi32>
      %add3A_947 = arith.addi %get3A_878, %add3A_946 : vector<16xi32>
      %gather3A_948 = tpu.vector_load_idx %arg9[%add3A_947] : memref<81920xf32, #tpu.memory_space<vmem>>[vector<16xi32>], vector<16xf32>,
      %mul3A_949 = arith.mulf %gather3A_944, %gather3A_948 : vector<16xf32>
      %add3A_950 = arith.addf %add3A_940, %mul3A_949 : vector<16xf32>
      %add3A_951 = arith.constant 32768 : i32
      %add3A_952 = vector.broadcast %add3A_951 : i32 to vector<16xi32>
      %add3A_953 = arith.addi %add3A_16, %add3A_952 : vector<16xi32>
      %gather3A_954 = tpu.vector_load_idx %arg9[%add3A_953] : memref<81920xf32, #tpu.memory_space<vmem>>[vector<16xi32>], vector<16xf32>,
      %add3A_955 = arith.constant 32768 : i32
      %add3A_956 = vector.broadcast %add3A_955 : i32 to vector<16xi32>
      %add3A_957 = arith.addi %get3A_878, %add3A_956 : vector<16xi32>
      %gather3A_958 = tpu.vector_load_idx %arg9[%add3A_957] : memref<81920xf32, #tpu.memory_space<vmem>>[vector<16xi32>], vector<16xf32>,
      %mul3A_959 = arith.mulf %gather3A_954, %gather3A_958 : vector<16xf32>
      %add3A_960 = arith.addf %add3A_950, %mul3A_959 : vector<16xf32>
      %add3A_961 = arith.constant 40960 : i32
      %add3A_962 = vector.broadcast %add3A_961 : i32 to vector<16xi32>
      %add3A_963 = arith.addi %add3A_16, %add3A_962 : vector<16xi32>
      %gather3A_964 = tpu.vector_load_idx %arg9[%add3A_963] : memref<81920xf32, #tpu.memory_space<vmem>>[vector<16xi32>], vector<16xf32>,
      %add3A_965 = arith.constant 40960 : i32
      %add3A_966 = vector.broadcast %add3A_965 : i32 to vector<16xi32>
      %add3A_967 = arith.addi %get3A_878, %add3A_966 : vector<16xi32>
      %gather3A_968 = tpu.vector_load_idx %arg9[%add3A_967] : memref<81920xf32, #tpu.memory_space<vmem>>[vector<16xi32>], vector<16xf32>,
      %mul3A_969 = arith.mulf %gather3A_964, %gather3A_968 : vector<16xf32>
      %add3A_970 = arith.addf %add3A_960, %mul3A_969 : vector<16xf32>
      %add3A_971 = arith.constant 49152 : i32
      %add3A_972 = vector.broadcast %add3A_971 : i32 to vector<16xi32>
      %add3A_973 = arith.addi %add3A_16, %add3A_972 : vector<16xi32>
      %gather3A_974 = tpu.vector_load_idx %arg9[%add3A_973] : memref<81920xf32, #tpu.memory_space<vmem>>[vector<16xi32>], vector<16xf32>,
      %add3A_975 = arith.constant 49152 : i32
      %add3A_976 = vector.broadcast %add3A_975 : i32 to vector<16xi32>
      %add3A_977 = arith.addi %get3A_878, %add3A_976 : vector<16xi32>
      %gather3A_978 = tpu.vector_load_idx %arg9[%add3A_977] : memref<81920xf32, #tpu.memory_space<vmem>>[vector<16xi32>], vector<16xf32>,
      %mul3A_979 = arith.mulf %gather3A_974, %gather3A_978 : vector<16xf32>
      %add3A_980 = arith.addf %add3A_970, %mul3A_979 : vector<16xf32>
      %add3A_981 = arith.constant 57344 : i32
      %add3A_982 = vector.broadcast %add3A_981 : i32 to vector<16xi32>
      %add3A_983 = arith.addi %add3A_16, %add3A_982 : vector<16xi32>
      %gather3A_984 = tpu.vector_load_idx %arg9[%add3A_983] : memref<81920xf32, #tpu.memory_space<vmem>>[vector<16xi32>], vector<16xf32>,
      %add3A_985 = arith.constant 57344 : i32
      %add3A_986 = vector.broadcast %add3A_985 : i32 to vector<16xi32>
      %add3A_987 = arith.addi %get3A_878, %add3A_986 : vector<16xi32>
      %gather3A_988 = tpu.vector_load_idx %arg9[%add3A_987] : memref<81920xf32, #tpu.memory_space<vmem>>[vector<16xi32>], vector<16xf32>,
      %mul3A_989 = arith.mulf %gather3A_984, %gather3A_988 : vector<16xf32>
      %add3A_990 = arith.addf %add3A_980, %mul3A_989 : vector<16xf32>
      %add3A_991 = arith.constant 65536 : i32
      %add3A_992 = vector.broadcast %add3A_991 : i32 to vector<16xi32>
      %add3A_993 = arith.addi %add3A_16, %add3A_992 : vector<16xi32>
      %gather3A_994 = tpu.vector_load_idx %arg9[%add3A_993] : memref<81920xf32, #tpu.memory_space<vmem>>[vector<16xi32>], vector<16xf32>,
      %add3A_995 = arith.constant 65536 : i32
      %add3A_996 = vector.broadcast %add3A_995 : i32 to vector<16xi32>
      %add3A_997 = arith.addi %get3A_878, %add3A_996 : vector<16xi32>
      %gather3A_998 = tpu.vector_load_idx %arg9[%add3A_997] : memref<81920xf32, #tpu.memory_space<vmem>>[vector<16xi32>], vector<16xf32>,
      %mul3A_999 = arith.mulf %gather3A_994, %gather3A_998 : vector<16xf32>
      %add3A_1000 = arith.addf %add3A_990, %mul3A_999 : vector<16xf32>
      %add3A_1001 = arith.constant 73728 : i32
      %add3A_1002 = vector.broadcast %add3A_1001 : i32 to vector<16xi32>
      %add3A_1003 = arith.addi %add3A_16, %add3A_1002 : vector<16xi32>
      %gather3A_1004 = tpu.vector_load_idx %arg9[%add3A_1003] : memref<81920xf32, #tpu.memory_space<vmem>>[vector<16xi32>], vector<16xf32>,
      %add3A_1005 = arith.constant 73728 : i32
      %add3A_1006 = vector.broadcast %add3A_1005 : i32 to vector<16xi32>
      %add3A_1007 = arith.addi %get3A_878, %add3A_1006 : vector<16xi32>
      %gather3A_1008 = tpu.vector_load_idx %arg9[%add3A_1007] : memref<81920xf32, #tpu.memory_space<vmem>>[vector<16xi32>], vector<16xf32>,
      %mul3A_1009 = arith.mulf %gather3A_1004, %gather3A_1008 : vector<16xf32>
      %add3A_1010 = arith.addf %add3A_1000, %mul3A_1009 : vector<16xf32>
      %mul3A_1011 = arith.mulf %select_n3A_908, %add3A_1010 : vector<16xf32>
      %add3A_1012 = arith.addf %add3A_870, %mul3A_1011 : vector<16xf32>
      %add3A_1013 = arith.constant 1792 : i32
      %add3A_1014 = arith.addi %add3A_1013, %mul3A_13 : i32
      %get3A_1015 = arith.index_cast %add3A_1014 : i32 to index
      %get3A_1016 = tpu.vector_load %arg7[%get3A_1015] {strides = array<i32>} : memref<4096xf32, #tpu.memory_space<vmem>>, vector<16xf32>,
      %add3A_1017 = arith.constant 1792 : i32
      %add3A_1018 = arith.addi %add3A_1017, %mul3A_13 : i32
      %get3A_1019 = arith.index_cast %add3A_1018 : i32 to index
      %get3A_1020 = tpu.vector_load %arg8[%get3A_1019] {strides = array<i32>} : memref<4096xi32, #tpu.memory_space<vmem>>, vector<16xi32>,
      %and3A_1021 = arith.constant 4095 : i32
      %and3A_1022 = vector.broadcast %and3A_1021 : i32 to vector<16xi32>
      %and3A_1023 = arith.andi %get3A_1020, %and3A_1022 : vector<16xi32>
      %gather3A_1024 = tpu.vector_load_idx %arg10[%and3A_1023] : memref<4096xi32, #tpu.memory_space<vmem>>[vector<16xi32>], vector<16xi32>,
      %eq3A_1025 = arith.cmpi eq, %gather3A, %gather3A_1024 : vector<16xi32>
      %ne3A_1026 = arith.cmpi ne, %and3A_18, %and3A_1023 : vector<16xi32>
      %and3A_1027 = arith.andi %eq3A_1025, %ne3A_1026 : vector<16xi1>
      %and3A_1028 = arith.andi %and3A_1027, %ne3A_20 : vector<16xi1>
      %ne3A_1029 = arith.constant -1 : i32
      %ne3A_1030 = vector.broadcast %ne3A_1029 : i32 to vector<16xi32>
      %ne3A_1031 = arith.cmpi ne, %gather3A_1024, %ne3A_1030 : vector<16xi32>
      %and3A_1032 = arith.andi %and3A_1028, %ne3A_1031 : vector<16xi1>
      %sub3A_1033 = arith.subf %get3A_1016, %get3A_23 : vector<16xf32>
      %div3A_1034 = arith.divf %sub3A_1033, %get3A_23 : vector<16xf32>
      %jit3A_1035 = arith.constant 0.000000e+00 : f32
      %jit3A_1036 = arith.constant 1.000000e+00 : f32
      %max3A_1037 = vector.broadcast %jit3A_1035 : f32 to vector<16xf32>
      %max3A_1038 = arith.maximumf %max3A_1037, %div3A_1034 : vector<16xf32>
      %min3A_1039 = vector.broadcast %jit3A_1036 : f32 to vector<16xf32>
      %min3A_1040 = arith.minimumf %min3A_1039, %max3A_1038 : vector<16xf32>
      %sub3A_1041 = arith.constant 1.000000e+00 : f32
      %sub3A_1042 = vector.broadcast %sub3A_1041 : f32 to vector<16xf32>
      %sub3A_1043 = arith.subf %sub3A_1042, %min3A_1040 : vector<16xf32>
      %eq3A_1044 = arith.cmpi eq, %get3A_1020, %add3A_16 : vector<16xi32>
      %jit3A_1045 = arith.constant 0.000000e+00 : f32
      %broadcast_in_dim3A_1046 = vector.broadcast %jit3A_1045 : f32 to vector<16xf32>
      %select_n3A_1047 = arith.select %eq3A_1044, %broadcast_in_dim3A_1046, %sub3A_1043 : vector<16xi1>, vector<16xf32>
      %jit3A_1048 = arith.constant 0.000000e+00 : f32
      %broadcast_in_dim3A_1049 = vector.broadcast %jit3A_1048 : f32 to vector<16xf32>
      %select_n3A_1050 = arith.select %and3A_1032, %select_n3A_1047, %broadcast_in_dim3A_1049 : vector<16xi1>, vector<16xf32>
      %broadcast_in_dim3A_1051 = arith.constant 0.000000e+00 : f32
      %broadcast_in_dim3A_1052 = vector.broadcast %broadcast_in_dim3A_1051 : f32 to vector<16xf32>
      %add3A_1053 = arith.constant 0 : i32
      %add3A_1054 = vector.broadcast %add3A_1053 : i32 to vector<16xi32>
      %add3A_1055 = arith.addi %add3A_16, %add3A_1054 : vector<16xi32>
      %gather3A_1056 = tpu.vector_load_idx %arg9[%add3A_1055] : memref<81920xf32, #tpu.memory_space<vmem>>[vector<16xi32>], vector<16xf32>,
      %add3A_1057 = arith.constant 0 : i32
      %add3A_1058 = vector.broadcast %add3A_1057 : i32 to vector<16xi32>
      %add3A_1059 = arith.addi %get3A_1020, %add3A_1058 : vector<16xi32>
      %gather3A_1060 = tpu.vector_load_idx %arg9[%add3A_1059] : memref<81920xf32, #tpu.memory_space<vmem>>[vector<16xi32>], vector<16xf32>,
      %mul3A_1061 = arith.mulf %gather3A_1056, %gather3A_1060 : vector<16xf32>
      %add3A_1062 = arith.addf %broadcast_in_dim3A_1052, %mul3A_1061 : vector<16xf32>
      %add3A_1063 = arith.constant 8192 : i32
      %add3A_1064 = vector.broadcast %add3A_1063 : i32 to vector<16xi32>
      %add3A_1065 = arith.addi %add3A_16, %add3A_1064 : vector<16xi32>
      %gather3A_1066 = tpu.vector_load_idx %arg9[%add3A_1065] : memref<81920xf32, #tpu.memory_space<vmem>>[vector<16xi32>], vector<16xf32>,
      %add3A_1067 = arith.constant 8192 : i32
      %add3A_1068 = vector.broadcast %add3A_1067 : i32 to vector<16xi32>
      %add3A_1069 = arith.addi %get3A_1020, %add3A_1068 : vector<16xi32>
      %gather3A_1070 = tpu.vector_load_idx %arg9[%add3A_1069] : memref<81920xf32, #tpu.memory_space<vmem>>[vector<16xi32>], vector<16xf32>,
      %mul3A_1071 = arith.mulf %gather3A_1066, %gather3A_1070 : vector<16xf32>
      %add3A_1072 = arith.addf %add3A_1062, %mul3A_1071 : vector<16xf32>
      %add3A_1073 = arith.constant 16384 : i32
      %add3A_1074 = vector.broadcast %add3A_1073 : i32 to vector<16xi32>
      %add3A_1075 = arith.addi %add3A_16, %add3A_1074 : vector<16xi32>
      %gather3A_1076 = tpu.vector_load_idx %arg9[%add3A_1075] : memref<81920xf32, #tpu.memory_space<vmem>>[vector<16xi32>], vector<16xf32>,
      %add3A_1077 = arith.constant 16384 : i32
      %add3A_1078 = vector.broadcast %add3A_1077 : i32 to vector<16xi32>
      %add3A_1079 = arith.addi %get3A_1020, %add3A_1078 : vector<16xi32>
      %gather3A_1080 = tpu.vector_load_idx %arg9[%add3A_1079] : memref<81920xf32, #tpu.memory_space<vmem>>[vector<16xi32>], vector<16xf32>,
      %mul3A_1081 = arith.mulf %gather3A_1076, %gather3A_1080 : vector<16xf32>
      %add3A_1082 = arith.addf %add3A_1072, %mul3A_1081 : vector<16xf32>
      %add3A_1083 = arith.constant 24576 : i32
      %add3A_1084 = vector.broadcast %add3A_1083 : i32 to vector<16xi32>
      %add3A_1085 = arith.addi %add3A_16, %add3A_1084 : vector<16xi32>
      %gather3A_1086 = tpu.vector_load_idx %arg9[%add3A_1085] : memref<81920xf32, #tpu.memory_space<vmem>>[vector<16xi32>], vector<16xf32>,
      %add3A_1087 = arith.constant 24576 : i32
      %add3A_1088 = vector.broadcast %add3A_1087 : i32 to vector<16xi32>
      %add3A_1089 = arith.addi %get3A_1020, %add3A_1088 : vector<16xi32>
      %gather3A_1090 = tpu.vector_load_idx %arg9[%add3A_1089] : memref<81920xf32, #tpu.memory_space<vmem>>[vector<16xi32>], vector<16xf32>,
      %mul3A_1091 = arith.mulf %gather3A_1086, %gather3A_1090 : vector<16xf32>
      %add3A_1092 = arith.addf %add3A_1082, %mul3A_1091 : vector<16xf32>
      %add3A_1093 = arith.constant 32768 : i32
      %add3A_1094 = vector.broadcast %add3A_1093 : i32 to vector<16xi32>
      %add3A_1095 = arith.addi %add3A_16, %add3A_1094 : vector<16xi32>
      %gather3A_1096 = tpu.vector_load_idx %arg9[%add3A_1095] : memref<81920xf32, #tpu.memory_space<vmem>>[vector<16xi32>], vector<16xf32>,
      %add3A_1097 = arith.constant 32768 : i32
      %add3A_1098 = vector.broadcast %add3A_1097 : i32 to vector<16xi32>
      %add3A_1099 = arith.addi %get3A_1020, %add3A_1098 : vector<16xi32>
      %gather3A_1100 = tpu.vector_load_idx %arg9[%add3A_1099] : memref<81920xf32, #tpu.memory_space<vmem>>[vector<16xi32>], vector<16xf32>,
      %mul3A_1101 = arith.mulf %gather3A_1096, %gather3A_1100 : vector<16xf32>
      %add3A_1102 = arith.addf %add3A_1092, %mul3A_1101 : vector<16xf32>
      %add3A_1103 = arith.constant 40960 : i32
      %add3A_1104 = vector.broadcast %add3A_1103 : i32 to vector<16xi32>
      %add3A_1105 = arith.addi %add3A_16, %add3A_1104 : vector<16xi32>
      %gather3A_1106 = tpu.vector_load_idx %arg9[%add3A_1105] : memref<81920xf32, #tpu.memory_space<vmem>>[vector<16xi32>], vector<16xf32>,
      %add3A_1107 = arith.constant 40960 : i32
      %add3A_1108 = vector.broadcast %add3A_1107 : i32 to vector<16xi32>
      %add3A_1109 = arith.addi %get3A_1020, %add3A_1108 : vector<16xi32>
      %gather3A_1110 = tpu.vector_load_idx %arg9[%add3A_1109] : memref<81920xf32, #tpu.memory_space<vmem>>[vector<16xi32>], vector<16xf32>,
      %mul3A_1111 = arith.mulf %gather3A_1106, %gather3A_1110 : vector<16xf32>
      %add3A_1112 = arith.addf %add3A_1102, %mul3A_1111 : vector<16xf32>
      %add3A_1113 = arith.constant 49152 : i32
      %add3A_1114 = vector.broadcast %add3A_1113 : i32 to vector<16xi32>
      %add3A_1115 = arith.addi %add3A_16, %add3A_1114 : vector<16xi32>
      %gather3A_1116 = tpu.vector_load_idx %arg9[%add3A_1115] : memref<81920xf32, #tpu.memory_space<vmem>>[vector<16xi32>], vector<16xf32>,
      %add3A_1117 = arith.constant 49152 : i32
      %add3A_1118 = vector.broadcast %add3A_1117 : i32 to vector<16xi32>
      %add3A_1119 = arith.addi %get3A_1020, %add3A_1118 : vector<16xi32>
      %gather3A_1120 = tpu.vector_load_idx %arg9[%add3A_1119] : memref<81920xf32, #tpu.memory_space<vmem>>[vector<16xi32>], vector<16xf32>,
      %mul3A_1121 = arith.mulf %gather3A_1116, %gather3A_1120 : vector<16xf32>
      %add3A_1122 = arith.addf %add3A_1112, %mul3A_1121 : vector<16xf32>
      %add3A_1123 = arith.constant 57344 : i32
      %add3A_1124 = vector.broadcast %add3A_1123 : i32 to vector<16xi32>
      %add3A_1125 = arith.addi %add3A_16, %add3A_1124 : vector<16xi32>
      %gather3A_1126 = tpu.vector_load_idx %arg9[%add3A_1125] : memref<81920xf32, #tpu.memory_space<vmem>>[vector<16xi32>], vector<16xf32>,
      %add3A_1127 = arith.constant 57344 : i32
      %add3A_1128 = vector.broadcast %add3A_1127 : i32 to vector<16xi32>
      %add3A_1129 = arith.addi %get3A_1020, %add3A_1128 : vector<16xi32>
      %gather3A_1130 = tpu.vector_load_idx %arg9[%add3A_1129] : memref<81920xf32, #tpu.memory_space<vmem>>[vector<16xi32>], vector<16xf32>,
      %mul3A_1131 = arith.mulf %gather3A_1126, %gather3A_1130 : vector<16xf32>
      %add3A_1132 = arith.addf %add3A_1122, %mul3A_1131 : vector<16xf32>
      %add3A_1133 = arith.constant 65536 : i32
      %add3A_1134 = vector.broadcast %add3A_1133 : i32 to vector<16xi32>
      %add3A_1135 = arith.addi %add3A_16, %add3A_1134 : vector<16xi32>
      %gather3A_1136 = tpu.vector_load_idx %arg9[%add3A_1135] : memref<81920xf32, #tpu.memory_space<vmem>>[vector<16xi32>], vector<16xf32>,
      %add3A_1137 = arith.constant 65536 : i32
      %add3A_1138 = vector.broadcast %add3A_1137 : i32 to vector<16xi32>
      %add3A_1139 = arith.addi %get3A_1020, %add3A_1138 : vector<16xi32>
      %gather3A_1140 = tpu.vector_load_idx %arg9[%add3A_1139] : memref<81920xf32, #tpu.memory_space<vmem>>[vector<16xi32>], vector<16xf32>,
      %mul3A_1141 = arith.mulf %gather3A_1136, %gather3A_1140 : vector<16xf32>
      %add3A_1142 = arith.addf %add3A_1132, %mul3A_1141 : vector<16xf32>
      %add3A_1143 = arith.constant 73728 : i32
      %add3A_1144 = vector.broadcast %add3A_1143 : i32 to vector<16xi32>
      %add3A_1145 = arith.addi %add3A_16, %add3A_1144 : vector<16xi32>
      %gather3A_1146 = tpu.vector_load_idx %arg9[%add3A_1145] : memref<81920xf32, #tpu.memory_space<vmem>>[vector<16xi32>], vector<16xf32>,
      %add3A_1147 = arith.constant 73728 : i32
      %add3A_1148 = vector.broadcast %add3A_1147 : i32 to vector<16xi32>
      %add3A_1149 = arith.addi %get3A_1020, %add3A_1148 : vector<16xi32>
      %gather3A_1150 = tpu.vector_load_idx %arg9[%add3A_1149] : memref<81920xf32, #tpu.memory_space<vmem>>[vector<16xi32>], vector<16xf32>,
      %mul3A_1151 = arith.mulf %gather3A_1146, %gather3A_1150 : vector<16xf32>
      %add3A_1152 = arith.addf %add3A_1142, %mul3A_1151 : vector<16xf32>
      %mul3A_1153 = arith.mulf %select_n3A_1050, %add3A_1152 : vector<16xf32>
      %add3A_1154 = arith.addf %add3A_1012, %mul3A_1153 : vector<16xf32>
      %add3A_1155 = arith.constant 2048 : i32
      %add3A_1156 = arith.addi %add3A_1155, %mul3A_13 : i32
      %get3A_1157 = arith.index_cast %add3A_1156 : i32 to index
      %get3A_1158 = tpu.vector_load %arg7[%get3A_1157] {strides = array<i32>} : memref<4096xf32, #tpu.memory_space<vmem>>, vector<16xf32>,
      %add3A_1159 = arith.constant 2048 : i32
      %add3A_1160 = arith.addi %add3A_1159, %mul3A_13 : i32
      %get3A_1161 = arith.index_cast %add3A_1160 : i32 to index
      %get3A_1162 = tpu.vector_load %arg8[%get3A_1161] {strides = array<i32>} : memref<4096xi32, #tpu.memory_space<vmem>>, vector<16xi32>,
      %and3A_1163 = arith.constant 4095 : i32
      %and3A_1164 = vector.broadcast %and3A_1163 : i32 to vector<16xi32>
      %and3A_1165 = arith.andi %get3A_1162, %and3A_1164 : vector<16xi32>
      %gather3A_1166 = tpu.vector_load_idx %arg10[%and3A_1165] : memref<4096xi32, #tpu.memory_space<vmem>>[vector<16xi32>], vector<16xi32>,
      %eq3A_1167 = arith.cmpi eq, %gather3A, %gather3A_1166 : vector<16xi32>
      %ne3A_1168 = arith.cmpi ne, %and3A_18, %and3A_1165 : vector<16xi32>
      %and3A_1169 = arith.andi %eq3A_1167, %ne3A_1168 : vector<16xi1>
      %and3A_1170 = arith.andi %and3A_1169, %ne3A_20 : vector<16xi1>
      %ne3A_1171 = arith.constant -1 : i32
      %ne3A_1172 = vector.broadcast %ne3A_1171 : i32 to vector<16xi32>
      %ne3A_1173 = arith.cmpi ne, %gather3A_1166, %ne3A_1172 : vector<16xi32>
      %and3A_1174 = arith.andi %and3A_1170, %ne3A_1173 : vector<16xi1>
      %sub3A_1175 = arith.subf %get3A_1158, %get3A_23 : vector<16xf32>
      %div3A_1176 = arith.divf %sub3A_1175, %get3A_23 : vector<16xf32>
      %jit3A_1177 = arith.constant 0.000000e+00 : f32
      %jit3A_1178 = arith.constant 1.000000e+00 : f32
      %max3A_1179 = vector.broadcast %jit3A_1177 : f32 to vector<16xf32>
      %max3A_1180 = arith.maximumf %max3A_1179, %div3A_1176 : vector<16xf32>
      %min3A_1181 = vector.broadcast %jit3A_1178 : f32 to vector<16xf32>
      %min3A_1182 = arith.minimumf %min3A_1181, %max3A_1180 : vector<16xf32>
      %sub3A_1183 = arith.constant 1.000000e+00 : f32
      %sub3A_1184 = vector.broadcast %sub3A_1183 : f32 to vector<16xf32>
      %sub3A_1185 = arith.subf %sub3A_1184, %min3A_1182 : vector<16xf32>
      %eq3A_1186 = arith.cmpi eq, %get3A_1162, %add3A_16 : vector<16xi32>
      %jit3A_1187 = arith.constant 0.000000e+00 : f32
      %broadcast_in_dim3A_1188 = vector.broadcast %jit3A_1187 : f32 to vector<16xf32>
      %select_n3A_1189 = arith.select %eq3A_1186, %broadcast_in_dim3A_1188, %sub3A_1185 : vector<16xi1>, vector<16xf32>
      %jit3A_1190 = arith.constant 0.000000e+00 : f32
      %broadcast_in_dim3A_1191 = vector.broadcast %jit3A_1190 : f32 to vector<16xf32>
      %select_n3A_1192 = arith.select %and3A_1174, %select_n3A_1189, %broadcast_in_dim3A_1191 : vector<16xi1>, vector<16xf32>
      %broadcast_in_dim3A_1193 = arith.constant 0.000000e+00 : f32
      %broadcast_in_dim3A_1194 = vector.broadcast %broadcast_in_dim3A_1193 : f32 to vector<16xf32>
      %add3A_1195 = arith.constant 0 : i32
      %add3A_1196 = vector.broadcast %add3A_1195 : i32 to vector<16xi32>
      %add3A_1197 = arith.addi %add3A_16, %add3A_1196 : vector<16xi32>
      %gather3A_1198 = tpu.vector_load_idx %arg9[%add3A_1197] : memref<81920xf32, #tpu.memory_space<vmem>>[vector<16xi32>], vector<16xf32>,
      %add3A_1199 = arith.constant 0 : i32
      %add3A_1200 = vector.broadcast %add3A_1199 : i32 to vector<16xi32>
      %add3A_1201 = arith.addi %get3A_1162, %add3A_1200 : vector<16xi32>
      %gather3A_1202 = tpu.vector_load_idx %arg9[%add3A_1201] : memref<81920xf32, #tpu.memory_space<vmem>>[vector<16xi32>], vector<16xf32>,
      %mul3A_1203 = arith.mulf %gather3A_1198, %gather3A_1202 : vector<16xf32>
      %add3A_1204 = arith.addf %broadcast_in_dim3A_1194, %mul3A_1203 : vector<16xf32>
      %add3A_1205 = arith.constant 8192 : i32
      %add3A_1206 = vector.broadcast %add3A_1205 : i32 to vector<16xi32>
      %add3A_1207 = arith.addi %add3A_16, %add3A_1206 : vector<16xi32>
      %gather3A_1208 = tpu.vector_load_idx %arg9[%add3A_1207] : memref<81920xf32, #tpu.memory_space<vmem>>[vector<16xi32>], vector<16xf32>,
      %add3A_1209 = arith.constant 8192 : i32
      %add3A_1210 = vector.broadcast %add3A_1209 : i32 to vector<16xi32>
      %add3A_1211 = arith.addi %get3A_1162, %add3A_1210 : vector<16xi32>
      %gather3A_1212 = tpu.vector_load_idx %arg9[%add3A_1211] : memref<81920xf32, #tpu.memory_space<vmem>>[vector<16xi32>], vector<16xf32>,
      %mul3A_1213 = arith.mulf %gather3A_1208, %gather3A_1212 : vector<16xf32>
      %add3A_1214 = arith.addf %add3A_1204, %mul3A_1213 : vector<16xf32>
      %add3A_1215 = arith.constant 16384 : i32
      %add3A_1216 = vector.broadcast %add3A_1215 : i32 to vector<16xi32>
      %add3A_1217 = arith.addi %add3A_16, %add3A_1216 : vector<16xi32>
      %gather3A_1218 = tpu.vector_load_idx %arg9[%add3A_1217] : memref<81920xf32, #tpu.memory_space<vmem>>[vector<16xi32>], vector<16xf32>,
      %add3A_1219 = arith.constant 16384 : i32
      %add3A_1220 = vector.broadcast %add3A_1219 : i32 to vector<16xi32>
      %add3A_1221 = arith.addi %get3A_1162, %add3A_1220 : vector<16xi32>
      %gather3A_1222 = tpu.vector_load_idx %arg9[%add3A_1221] : memref<81920xf32, #tpu.memory_space<vmem>>[vector<16xi32>], vector<16xf32>,
      %mul3A_1223 = arith.mulf %gather3A_1218, %gather3A_1222 : vector<16xf32>
      %add3A_1224 = arith.addf %add3A_1214, %mul3A_1223 : vector<16xf32>
      %add3A_1225 = arith.constant 24576 : i32
      %add3A_1226 = vector.broadcast %add3A_1225 : i32 to vector<16xi32>
      %add3A_1227 = arith.addi %add3A_16, %add3A_1226 : vector<16xi32>
      %gather3A_1228 = tpu.vector_load_idx %arg9[%add3A_1227] : memref<81920xf32, #tpu.memory_space<vmem>>[vector<16xi32>], vector<16xf32>,
      %add3A_1229 = arith.constant 24576 : i32
      %add3A_1230 = vector.broadcast %add3A_1229 : i32 to vector<16xi32>
      %add3A_1231 = arith.addi %get3A_1162, %add3A_1230 : vector<16xi32>
      %gather3A_1232 = tpu.vector_load_idx %arg9[%add3A_1231] : memref<81920xf32, #tpu.memory_space<vmem>>[vector<16xi32>], vector<16xf32>,
      %mul3A_1233 = arith.mulf %gather3A_1228, %gather3A_1232 : vector<16xf32>
      %add3A_1234 = arith.addf %add3A_1224, %mul3A_1233 : vector<16xf32>
      %add3A_1235 = arith.constant 32768 : i32
      %add3A_1236 = vector.broadcast %add3A_1235 : i32 to vector<16xi32>
      %add3A_1237 = arith.addi %add3A_16, %add3A_1236 : vector<16xi32>
      %gather3A_1238 = tpu.vector_load_idx %arg9[%add3A_1237] : memref<81920xf32, #tpu.memory_space<vmem>>[vector<16xi32>], vector<16xf32>,
      %add3A_1239 = arith.constant 32768 : i32
      %add3A_1240 = vector.broadcast %add3A_1239 : i32 to vector<16xi32>
      %add3A_1241 = arith.addi %get3A_1162, %add3A_1240 : vector<16xi32>
      %gather3A_1242 = tpu.vector_load_idx %arg9[%add3A_1241] : memref<81920xf32, #tpu.memory_space<vmem>>[vector<16xi32>], vector<16xf32>,
      %mul3A_1243 = arith.mulf %gather3A_1238, %gather3A_1242 : vector<16xf32>
      %add3A_1244 = arith.addf %add3A_1234, %mul3A_1243 : vector<16xf32>
      %add3A_1245 = arith.constant 40960 : i32
      %add3A_1246 = vector.broadcast %add3A_1245 : i32 to vector<16xi32>
      %add3A_1247 = arith.addi %add3A_16, %add3A_1246 : vector<16xi32>
      %gather3A_1248 = tpu.vector_load_idx %arg9[%add3A_1247] : memref<81920xf32, #tpu.memory_space<vmem>>[vector<16xi32>], vector<16xf32>,
      %add3A_1249 = arith.constant 40960 : i32
      %add3A_1250 = vector.broadcast %add3A_1249 : i32 to vector<16xi32>
      %add3A_1251 = arith.addi %get3A_1162, %add3A_1250 : vector<16xi32>
      %gather3A_1252 = tpu.vector_load_idx %arg9[%add3A_1251] : memref<81920xf32, #tpu.memory_space<vmem>>[vector<16xi32>], vector<16xf32>,
      %mul3A_1253 = arith.mulf %gather3A_1248, %gather3A_1252 : vector<16xf32>
      %add3A_1254 = arith.addf %add3A_1244, %mul3A_1253 : vector<16xf32>
      %add3A_1255 = arith.constant 49152 : i32
      %add3A_1256 = vector.broadcast %add3A_1255 : i32 to vector<16xi32>
      %add3A_1257 = arith.addi %add3A_16, %add3A_1256 : vector<16xi32>
      %gather3A_1258 = tpu.vector_load_idx %arg9[%add3A_1257] : memref<81920xf32, #tpu.memory_space<vmem>>[vector<16xi32>], vector<16xf32>,
      %add3A_1259 = arith.constant 49152 : i32
      %add3A_1260 = vector.broadcast %add3A_1259 : i32 to vector<16xi32>
      %add3A_1261 = arith.addi %get3A_1162, %add3A_1260 : vector<16xi32>
      %gather3A_1262 = tpu.vector_load_idx %arg9[%add3A_1261] : memref<81920xf32, #tpu.memory_space<vmem>>[vector<16xi32>], vector<16xf32>,
      %mul3A_1263 = arith.mulf %gather3A_1258, %gather3A_1262 : vector<16xf32>
      %add3A_1264 = arith.addf %add3A_1254, %mul3A_1263 : vector<16xf32>
      %add3A_1265 = arith.constant 57344 : i32
      %add3A_1266 = vector.broadcast %add3A_1265 : i32 to vector<16xi32>
      %add3A_1267 = arith.addi %add3A_16, %add3A_1266 : vector<16xi32>
      %gather3A_1268 = tpu.vector_load_idx %arg9[%add3A_1267] : memref<81920xf32, #tpu.memory_space<vmem>>[vector<16xi32>], vector<16xf32>,
      %add3A_1269 = arith.constant 57344 : i32
      %add3A_1270 = vector.broadcast %add3A_1269 : i32 to vector<16xi32>
      %add3A_1271 = arith.addi %get3A_1162, %add3A_1270 : vector<16xi32>
      %gather3A_1272 = tpu.vector_load_idx %arg9[%add3A_1271] : memref<81920xf32, #tpu.memory_space<vmem>>[vector<16xi32>], vector<16xf32>,
      %mul3A_1273 = arith.mulf %gather3A_1268, %gather3A_1272 : vector<16xf32>
      %add3A_1274 = arith.addf %add3A_1264, %mul3A_1273 : vector<16xf32>
      %add3A_1275 = arith.constant 65536 : i32
      %add3A_1276 = vector.broadcast %add3A_1275 : i32 to vector<16xi32>
      %add3A_1277 = arith.addi %add3A_16, %add3A_1276 : vector<16xi32>
      %gather3A_1278 = tpu.vector_load_idx %arg9[%add3A_1277] : memref<81920xf32, #tpu.memory_space<vmem>>[vector<16xi32>], vector<16xf32>,
      %add3A_1279 = arith.constant 65536 : i32
      %add3A_1280 = vector.broadcast %add3A_1279 : i32 to vector<16xi32>
      %add3A_1281 = arith.addi %get3A_1162, %add3A_1280 : vector<16xi32>
      %gather3A_1282 = tpu.vector_load_idx %arg9[%add3A_1281] : memref<81920xf32, #tpu.memory_space<vmem>>[vector<16xi32>], vector<16xf32>,
      %mul3A_1283 = arith.mulf %gather3A_1278, %gather3A_1282 : vector<16xf32>
      %add3A_1284 = arith.addf %add3A_1274, %mul3A_1283 : vector<16xf32>
      %add3A_1285 = arith.constant 73728 : i32
      %add3A_1286 = vector.broadcast %add3A_1285 : i32 to vector<16xi32>
      %add3A_1287 = arith.addi %add3A_16, %add3A_1286 : vector<16xi32>
      %gather3A_1288 = tpu.vector_load_idx %arg9[%add3A_1287] : memref<81920xf32, #tpu.memory_space<vmem>>[vector<16xi32>], vector<16xf32>,
      %add3A_1289 = arith.constant 73728 : i32
      %add3A_1290 = vector.broadcast %add3A_1289 : i32 to vector<16xi32>
      %add3A_1291 = arith.addi %get3A_1162, %add3A_1290 : vector<16xi32>
      %gather3A_1292 = tpu.vector_load_idx %arg9[%add3A_1291] : memref<81920xf32, #tpu.memory_space<vmem>>[vector<16xi32>], vector<16xf32>,
      %mul3A_1293 = arith.mulf %gather3A_1288, %gather3A_1292 : vector<16xf32>
      %add3A_1294 = arith.addf %add3A_1284, %mul3A_1293 : vector<16xf32>
      %mul3A_1295 = arith.mulf %select_n3A_1192, %add3A_1294 : vector<16xf32>
      %add3A_1296 = arith.addf %add3A_1154, %mul3A_1295 : vector<16xf32>
      %add3A_1297 = arith.constant 2304 : i32
      %add3A_1298 = arith.addi %add3A_1297, %mul3A_13 : i32
      %get3A_1299 = arith.index_cast %add3A_1298 : i32 to index
      %get3A_1300 = tpu.vector_load %arg7[%get3A_1299] {strides = array<i32>} : memref<4096xf32, #tpu.memory_space<vmem>>, vector<16xf32>,
      %add3A_1301 = arith.constant 2304 : i32
      %add3A_1302 = arith.addi %add3A_1301, %mul3A_13 : i32
      %get3A_1303 = arith.index_cast %add3A_1302 : i32 to index
      %get3A_1304 = tpu.vector_load %arg8[%get3A_1303] {strides = array<i32>} : memref<4096xi32, #tpu.memory_space<vmem>>, vector<16xi32>,
      %and3A_1305 = arith.constant 4095 : i32
      %and3A_1306 = vector.broadcast %and3A_1305 : i32 to vector<16xi32>
      %and3A_1307 = arith.andi %get3A_1304, %and3A_1306 : vector<16xi32>
      %gather3A_1308 = tpu.vector_load_idx %arg10[%and3A_1307] : memref<4096xi32, #tpu.memory_space<vmem>>[vector<16xi32>], vector<16xi32>,
      %eq3A_1309 = arith.cmpi eq, %gather3A, %gather3A_1308 : vector<16xi32>
      %ne3A_1310 = arith.cmpi ne, %and3A_18, %and3A_1307 : vector<16xi32>
      %and3A_1311 = arith.andi %eq3A_1309, %ne3A_1310 : vector<16xi1>
      %and3A_1312 = arith.andi %and3A_1311, %ne3A_20 : vector<16xi1>
      %ne3A_1313 = arith.constant -1 : i32
      %ne3A_1314 = vector.broadcast %ne3A_1313 : i32 to vector<16xi32>
      %ne3A_1315 = arith.cmpi ne, %gather3A_1308, %ne3A_1314 : vector<16xi32>
      %and3A_1316 = arith.andi %and3A_1312, %ne3A_1315 : vector<16xi1>
      %sub3A_1317 = arith.subf %get3A_1300, %get3A_23 : vector<16xf32>
      %div3A_1318 = arith.divf %sub3A_1317, %get3A_23 : vector<16xf32>
      %jit3A_1319 = arith.constant 0.000000e+00 : f32
      %jit3A_1320 = arith.constant 1.000000e+00 : f32
      %max3A_1321 = vector.broadcast %jit3A_1319 : f32 to vector<16xf32>
      %max3A_1322 = arith.maximumf %max3A_1321, %div3A_1318 : vector<16xf32>
      %min3A_1323 = vector.broadcast %jit3A_1320 : f32 to vector<16xf32>
      %min3A_1324 = arith.minimumf %min3A_1323, %max3A_1322 : vector<16xf32>
      %sub3A_1325 = arith.constant 1.000000e+00 : f32
      %sub3A_1326 = vector.broadcast %sub3A_1325 : f32 to vector<16xf32>
      %sub3A_1327 = arith.subf %sub3A_1326, %min3A_1324 : vector<16xf32>
      %eq3A_1328 = arith.cmpi eq, %get3A_1304, %add3A_16 : vector<16xi32>
      %jit3A_1329 = arith.constant 0.000000e+00 : f32
      %broadcast_in_dim3A_1330 = vector.broadcast %jit3A_1329 : f32 to vector<16xf32>
      %select_n3A_1331 = arith.select %eq3A_1328, %broadcast_in_dim3A_1330, %sub3A_1327 : vector<16xi1>, vector<16xf32>
      %jit3A_1332 = arith.constant 0.000000e+00 : f32
      %broadcast_in_dim3A_1333 = vector.broadcast %jit3A_1332 : f32 to vector<16xf32>
      %select_n3A_1334 = arith.select %and3A_1316, %select_n3A_1331, %broadcast_in_dim3A_1333 : vector<16xi1>, vector<16xf32>
      %broadcast_in_dim3A_1335 = arith.constant 0.000000e+00 : f32
      %broadcast_in_dim3A_1336 = vector.broadcast %broadcast_in_dim3A_1335 : f32 to vector<16xf32>
      %add3A_1337 = arith.constant 0 : i32
      %add3A_1338 = vector.broadcast %add3A_1337 : i32 to vector<16xi32>
      %add3A_1339 = arith.addi %add3A_16, %add3A_1338 : vector<16xi32>
      %gather3A_1340 = tpu.vector_load_idx %arg9[%add3A_1339] : memref<81920xf32, #tpu.memory_space<vmem>>[vector<16xi32>], vector<16xf32>,
      %add3A_1341 = arith.constant 0 : i32
      %add3A_1342 = vector.broadcast %add3A_1341 : i32 to vector<16xi32>
      %add3A_1343 = arith.addi %get3A_1304, %add3A_1342 : vector<16xi32>
      %gather3A_1344 = tpu.vector_load_idx %arg9[%add3A_1343] : memref<81920xf32, #tpu.memory_space<vmem>>[vector<16xi32>], vector<16xf32>,
      %mul3A_1345 = arith.mulf %gather3A_1340, %gather3A_1344 : vector<16xf32>
      %add3A_1346 = arith.addf %broadcast_in_dim3A_1336, %mul3A_1345 : vector<16xf32>
      %add3A_1347 = arith.constant 8192 : i32
      %add3A_1348 = vector.broadcast %add3A_1347 : i32 to vector<16xi32>
      %add3A_1349 = arith.addi %add3A_16, %add3A_1348 : vector<16xi32>
      %gather3A_1350 = tpu.vector_load_idx %arg9[%add3A_1349] : memref<81920xf32, #tpu.memory_space<vmem>>[vector<16xi32>], vector<16xf32>,
      %add3A_1351 = arith.constant 8192 : i32
      %add3A_1352 = vector.broadcast %add3A_1351 : i32 to vector<16xi32>
      %add3A_1353 = arith.addi %get3A_1304, %add3A_1352 : vector<16xi32>
      %gather3A_1354 = tpu.vector_load_idx %arg9[%add3A_1353] : memref<81920xf32, #tpu.memory_space<vmem>>[vector<16xi32>], vector<16xf32>,
      %mul3A_1355 = arith.mulf %gather3A_1350, %gather3A_1354 : vector<16xf32>
      %add3A_1356 = arith.addf %add3A_1346, %mul3A_1355 : vector<16xf32>
      %add3A_1357 = arith.constant 16384 : i32
      %add3A_1358 = vector.broadcast %add3A_1357 : i32 to vector<16xi32>
      %add3A_1359 = arith.addi %add3A_16, %add3A_1358 : vector<16xi32>
      %gather3A_1360 = tpu.vector_load_idx %arg9[%add3A_1359] : memref<81920xf32, #tpu.memory_space<vmem>>[vector<16xi32>], vector<16xf32>,
      %add3A_1361 = arith.constant 16384 : i32
      %add3A_1362 = vector.broadcast %add3A_1361 : i32 to vector<16xi32>
      %add3A_1363 = arith.addi %get3A_1304, %add3A_1362 : vector<16xi32>
      %gather3A_1364 = tpu.vector_load_idx %arg9[%add3A_1363] : memref<81920xf32, #tpu.memory_space<vmem>>[vector<16xi32>], vector<16xf32>,
      %mul3A_1365 = arith.mulf %gather3A_1360, %gather3A_1364 : vector<16xf32>
      %add3A_1366 = arith.addf %add3A_1356, %mul3A_1365 : vector<16xf32>
      %add3A_1367 = arith.constant 24576 : i32
      %add3A_1368 = vector.broadcast %add3A_1367 : i32 to vector<16xi32>
      %add3A_1369 = arith.addi %add3A_16, %add3A_1368 : vector<16xi32>
      %gather3A_1370 = tpu.vector_load_idx %arg9[%add3A_1369] : memref<81920xf32, #tpu.memory_space<vmem>>[vector<16xi32>], vector<16xf32>,
      %add3A_1371 = arith.constant 24576 : i32
      %add3A_1372 = vector.broadcast %add3A_1371 : i32 to vector<16xi32>
      %add3A_1373 = arith.addi %get3A_1304, %add3A_1372 : vector<16xi32>
      %gather3A_1374 = tpu.vector_load_idx %arg9[%add3A_1373] : memref<81920xf32, #tpu.memory_space<vmem>>[vector<16xi32>], vector<16xf32>,
      %mul3A_1375 = arith.mulf %gather3A_1370, %gather3A_1374 : vector<16xf32>
      %add3A_1376 = arith.addf %add3A_1366, %mul3A_1375 : vector<16xf32>
      %add3A_1377 = arith.constant 32768 : i32
      %add3A_1378 = vector.broadcast %add3A_1377 : i32 to vector<16xi32>
      %add3A_1379 = arith.addi %add3A_16, %add3A_1378 : vector<16xi32>
      %gather3A_1380 = tpu.vector_load_idx %arg9[%add3A_1379] : memref<81920xf32, #tpu.memory_space<vmem>>[vector<16xi32>], vector<16xf32>,
      %add3A_1381 = arith.constant 32768 : i32
      %add3A_1382 = vector.broadcast %add3A_1381 : i32 to vector<16xi32>
      %add3A_1383 = arith.addi %get3A_1304, %add3A_1382 : vector<16xi32>
      %gather3A_1384 = tpu.vector_load_idx %arg9[%add3A_1383] : memref<81920xf32, #tpu.memory_space<vmem>>[vector<16xi32>], vector<16xf32>,
      %mul3A_1385 = arith.mulf %gather3A_1380, %gather3A_1384 : vector<16xf32>
      %add3A_1386 = arith.addf %add3A_1376, %mul3A_1385 : vector<16xf32>
      %add3A_1387 = arith.constant 40960 : i32
      %add3A_1388 = vector.broadcast %add3A_1387 : i32 to vector<16xi32>
      %add3A_1389 = arith.addi %add3A_16, %add3A_1388 : vector<16xi32>
      %gather3A_1390 = tpu.vector_load_idx %arg9[%add3A_1389] : memref<81920xf32, #tpu.memory_space<vmem>>[vector<16xi32>], vector<16xf32>,
      %add3A_1391 = arith.constant 40960 : i32
      %add3A_1392 = vector.broadcast %add3A_1391 : i32 to vector<16xi32>
      %add3A_1393 = arith.addi %get3A_1304, %add3A_1392 : vector<16xi32>
      %gather3A_1394 = tpu.vector_load_idx %arg9[%add3A_1393] : memref<81920xf32, #tpu.memory_space<vmem>>[vector<16xi32>], vector<16xf32>,
      %mul3A_1395 = arith.mulf %gather3A_1390, %gather3A_1394 : vector<16xf32>
      %add3A_1396 = arith.addf %add3A_1386, %mul3A_1395 : vector<16xf32>
      %add3A_1397 = arith.constant 49152 : i32
      %add3A_1398 = vector.broadcast %add3A_1397 : i32 to vector<16xi32>
      %add3A_1399 = arith.addi %add3A_16, %add3A_1398 : vector<16xi32>
      %gather3A_1400 = tpu.vector_load_idx %arg9[%add3A_1399] : memref<81920xf32, #tpu.memory_space<vmem>>[vector<16xi32>], vector<16xf32>,
      %add3A_1401 = arith.constant 49152 : i32
      %add3A_1402 = vector.broadcast %add3A_1401 : i32 to vector<16xi32>
      %add3A_1403 = arith.addi %get3A_1304, %add3A_1402 : vector<16xi32>
      %gather3A_1404 = tpu.vector_load_idx %arg9[%add3A_1403] : memref<81920xf32, #tpu.memory_space<vmem>>[vector<16xi32>], vector<16xf32>,
      %mul3A_1405 = arith.mulf %gather3A_1400, %gather3A_1404 : vector<16xf32>
      %add3A_1406 = arith.addf %add3A_1396, %mul3A_1405 : vector<16xf32>
      %add3A_1407 = arith.constant 57344 : i32
      %add3A_1408 = vector.broadcast %add3A_1407 : i32 to vector<16xi32>
      %add3A_1409 = arith.addi %add3A_16, %add3A_1408 : vector<16xi32>
      %gather3A_1410 = tpu.vector_load_idx %arg9[%add3A_1409] : memref<81920xf32, #tpu.memory_space<vmem>>[vector<16xi32>], vector<16xf32>,
      %add3A_1411 = arith.constant 57344 : i32
      %add3A_1412 = vector.broadcast %add3A_1411 : i32 to vector<16xi32>
      %add3A_1413 = arith.addi %get3A_1304, %add3A_1412 : vector<16xi32>
      %gather3A_1414 = tpu.vector_load_idx %arg9[%add3A_1413] : memref<81920xf32, #tpu.memory_space<vmem>>[vector<16xi32>], vector<16xf32>,
      %mul3A_1415 = arith.mulf %gather3A_1410, %gather3A_1414 : vector<16xf32>
      %add3A_1416 = arith.addf %add3A_1406, %mul3A_1415 : vector<16xf32>
      %add3A_1417 = arith.constant 65536 : i32
      %add3A_1418 = vector.broadcast %add3A_1417 : i32 to vector<16xi32>
      %add3A_1419 = arith.addi %add3A_16, %add3A_1418 : vector<16xi32>
      %gather3A_1420 = tpu.vector_load_idx %arg9[%add3A_1419] : memref<81920xf32, #tpu.memory_space<vmem>>[vector<16xi32>], vector<16xf32>,
      %add3A_1421 = arith.constant 65536 : i32
      %add3A_1422 = vector.broadcast %add3A_1421 : i32 to vector<16xi32>
      %add3A_1423 = arith.addi %get3A_1304, %add3A_1422 : vector<16xi32>
      %gather3A_1424 = tpu.vector_load_idx %arg9[%add3A_1423] : memref<81920xf32, #tpu.memory_space<vmem>>[vector<16xi32>], vector<16xf32>,
      %mul3A_1425 = arith.mulf %gather3A_1420, %gather3A_1424 : vector<16xf32>
      %add3A_1426 = arith.addf %add3A_1416, %mul3A_1425 : vector<16xf32>
      %add3A_1427 = arith.constant 73728 : i32
      %add3A_1428 = vector.broadcast %add3A_1427 : i32 to vector<16xi32>
      %add3A_1429 = arith.addi %add3A_16, %add3A_1428 : vector<16xi32>
      %gather3A_1430 = tpu.vector_load_idx %arg9[%add3A_1429] : memref<81920xf32, #tpu.memory_space<vmem>>[vector<16xi32>], vector<16xf32>,
      %add3A_1431 = arith.constant 73728 : i32
      %add3A_1432 = vector.broadcast %add3A_1431 : i32 to vector<16xi32>
      %add3A_1433 = arith.addi %get3A_1304, %add3A_1432 : vector<16xi32>
      %gather3A_1434 = tpu.vector_load_idx %arg9[%add3A_1433] : memref<81920xf32, #tpu.memory_space<vmem>>[vector<16xi32>], vector<16xf32>,
      %mul3A_1435 = arith.mulf %gather3A_1430, %gather3A_1434 : vector<16xf32>
      %add3A_1436 = arith.addf %add3A_1426, %mul3A_1435 : vector<16xf32>
      %mul3A_1437 = arith.mulf %select_n3A_1334, %add3A_1436 : vector<16xf32>
      %add3A_1438 = arith.addf %add3A_1296, %mul3A_1437 : vector<16xf32>
      %add3A_1439 = arith.constant 2560 : i32
      %add3A_1440 = arith.addi %add3A_1439, %mul3A_13 : i32
      %get3A_1441 = arith.index_cast %add3A_1440 : i32 to index
      %get3A_1442 = tpu.vector_load %arg7[%get3A_1441] {strides = array<i32>} : memref<4096xf32, #tpu.memory_space<vmem>>, vector<16xf32>,
      %add3A_1443 = arith.constant 2560 : i32
      %add3A_1444 = arith.addi %add3A_1443, %mul3A_13 : i32
      %get3A_1445 = arith.index_cast %add3A_1444 : i32 to index
      %get3A_1446 = tpu.vector_load %arg8[%get3A_1445] {strides = array<i32>} : memref<4096xi32, #tpu.memory_space<vmem>>, vector<16xi32>,
      %and3A_1447 = arith.constant 4095 : i32
      %and3A_1448 = vector.broadcast %and3A_1447 : i32 to vector<16xi32>
      %and3A_1449 = arith.andi %get3A_1446, %and3A_1448 : vector<16xi32>
      %gather3A_1450 = tpu.vector_load_idx %arg10[%and3A_1449] : memref<4096xi32, #tpu.memory_space<vmem>>[vector<16xi32>], vector<16xi32>,
      %eq3A_1451 = arith.cmpi eq, %gather3A, %gather3A_1450 : vector<16xi32>
      %ne3A_1452 = arith.cmpi ne, %and3A_18, %and3A_1449 : vector<16xi32>
      %and3A_1453 = arith.andi %eq3A_1451, %ne3A_1452 : vector<16xi1>
      %and3A_1454 = arith.andi %and3A_1453, %ne3A_20 : vector<16xi1>
      %ne3A_1455 = arith.constant -1 : i32
      %ne3A_1456 = vector.broadcast %ne3A_1455 : i32 to vector<16xi32>
      %ne3A_1457 = arith.cmpi ne, %gather3A_1450, %ne3A_1456 : vector<16xi32>
      %and3A_1458 = arith.andi %and3A_1454, %ne3A_1457 : vector<16xi1>
      %sub3A_1459 = arith.subf %get3A_1442, %get3A_23 : vector<16xf32>
      %div3A_1460 = arith.divf %sub3A_1459, %get3A_23 : vector<16xf32>
      %jit3A_1461 = arith.constant 0.000000e+00 : f32
      %jit3A_1462 = arith.constant 1.000000e+00 : f32
      %max3A_1463 = vector.broadcast %jit3A_1461 : f32 to vector<16xf32>
      %max3A_1464 = arith.maximumf %max3A_1463, %div3A_1460 : vector<16xf32>
      %min3A_1465 = vector.broadcast %jit3A_1462 : f32 to vector<16xf32>
      %min3A_1466 = arith.minimumf %min3A_1465, %max3A_1464 : vector<16xf32>
      %sub3A_1467 = arith.constant 1.000000e+00 : f32
      %sub3A_1468 = vector.broadcast %sub3A_1467 : f32 to vector<16xf32>
      %sub3A_1469 = arith.subf %sub3A_1468, %min3A_1466 : vector<16xf32>
      %eq3A_1470 = arith.cmpi eq, %get3A_1446, %add3A_16 : vector<16xi32>
      %jit3A_1471 = arith.constant 0.000000e+00 : f32
      %broadcast_in_dim3A_1472 = vector.broadcast %jit3A_1471 : f32 to vector<16xf32>
      %select_n3A_1473 = arith.select %eq3A_1470, %broadcast_in_dim3A_1472, %sub3A_1469 : vector<16xi1>, vector<16xf32>
      %jit3A_1474 = arith.constant 0.000000e+00 : f32
      %broadcast_in_dim3A_1475 = vector.broadcast %jit3A_1474 : f32 to vector<16xf32>
      %select_n3A_1476 = arith.select %and3A_1458, %select_n3A_1473, %broadcast_in_dim3A_1475 : vector<16xi1>, vector<16xf32>
      %broadcast_in_dim3A_1477 = arith.constant 0.000000e+00 : f32
      %broadcast_in_dim3A_1478 = vector.broadcast %broadcast_in_dim3A_1477 : f32 to vector<16xf32>
      %add3A_1479 = arith.constant 0 : i32
      %add3A_1480 = vector.broadcast %add3A_1479 : i32 to vector<16xi32>
      %add3A_1481 = arith.addi %add3A_16, %add3A_1480 : vector<16xi32>
      %gather3A_1482 = tpu.vector_load_idx %arg9[%add3A_1481] : memref<81920xf32, #tpu.memory_space<vmem>>[vector<16xi32>], vector<16xf32>,
      %add3A_1483 = arith.constant 0 : i32
      %add3A_1484 = vector.broadcast %add3A_1483 : i32 to vector<16xi32>
      %add3A_1485 = arith.addi %get3A_1446, %add3A_1484 : vector<16xi32>
      %gather3A_1486 = tpu.vector_load_idx %arg9[%add3A_1485] : memref<81920xf32, #tpu.memory_space<vmem>>[vector<16xi32>], vector<16xf32>,
      %mul3A_1487 = arith.mulf %gather3A_1482, %gather3A_1486 : vector<16xf32>
      %add3A_1488 = arith.addf %broadcast_in_dim3A_1478, %mul3A_1487 : vector<16xf32>
      %add3A_1489 = arith.constant 8192 : i32
      %add3A_1490 = vector.broadcast %add3A_1489 : i32 to vector<16xi32>
      %add3A_1491 = arith.addi %add3A_16, %add3A_1490 : vector<16xi32>
      %gather3A_1492 = tpu.vector_load_idx %arg9[%add3A_1491] : memref<81920xf32, #tpu.memory_space<vmem>>[vector<16xi32>], vector<16xf32>,
      %add3A_1493 = arith.constant 8192 : i32
      %add3A_1494 = vector.broadcast %add3A_1493 : i32 to vector<16xi32>
      %add3A_1495 = arith.addi %get3A_1446, %add3A_1494 : vector<16xi32>
      %gather3A_1496 = tpu.vector_load_idx %arg9[%add3A_1495] : memref<81920xf32, #tpu.memory_space<vmem>>[vector<16xi32>], vector<16xf32>,
      %mul3A_1497 = arith.mulf %gather3A_1492, %gather3A_1496 : vector<16xf32>
      %add3A_1498 = arith.addf %add3A_1488, %mul3A_1497 : vector<16xf32>
      %add3A_1499 = arith.constant 16384 : i32
      %add3A_1500 = vector.broadcast %add3A_1499 : i32 to vector<16xi32>
      %add3A_1501 = arith.addi %add3A_16, %add3A_1500 : vector<16xi32>
      %gather3A_1502 = tpu.vector_load_idx %arg9[%add3A_1501] : memref<81920xf32, #tpu.memory_space<vmem>>[vector<16xi32>], vector<16xf32>,
      %add3A_1503 = arith.constant 16384 : i32
      %add3A_1504 = vector.broadcast %add3A_1503 : i32 to vector<16xi32>
      %add3A_1505 = arith.addi %get3A_1446, %add3A_1504 : vector<16xi32>
      %gather3A_1506 = tpu.vector_load_idx %arg9[%add3A_1505] : memref<81920xf32, #tpu.memory_space<vmem>>[vector<16xi32>], vector<16xf32>,
      %mul3A_1507 = arith.mulf %gather3A_1502, %gather3A_1506 : vector<16xf32>
      %add3A_1508 = arith.addf %add3A_1498, %mul3A_1507 : vector<16xf32>
      %add3A_1509 = arith.constant 24576 : i32
      %add3A_1510 = vector.broadcast %add3A_1509 : i32 to vector<16xi32>
      %add3A_1511 = arith.addi %add3A_16, %add3A_1510 : vector<16xi32>
      %gather3A_1512 = tpu.vector_load_idx %arg9[%add3A_1511] : memref<81920xf32, #tpu.memory_space<vmem>>[vector<16xi32>], vector<16xf32>,
      %add3A_1513 = arith.constant 24576 : i32
      %add3A_1514 = vector.broadcast %add3A_1513 : i32 to vector<16xi32>
      %add3A_1515 = arith.addi %get3A_1446, %add3A_1514 : vector<16xi32>
      %gather3A_1516 = tpu.vector_load_idx %arg9[%add3A_1515] : memref<81920xf32, #tpu.memory_space<vmem>>[vector<16xi32>], vector<16xf32>,
      %mul3A_1517 = arith.mulf %gather3A_1512, %gather3A_1516 : vector<16xf32>
      %add3A_1518 = arith.addf %add3A_1508, %mul3A_1517 : vector<16xf32>
      %add3A_1519 = arith.constant 32768 : i32
      %add3A_1520 = vector.broadcast %add3A_1519 : i32 to vector<16xi32>
      %add3A_1521 = arith.addi %add3A_16, %add3A_1520 : vector<16xi32>
      %gather3A_1522 = tpu.vector_load_idx %arg9[%add3A_1521] : memref<81920xf32, #tpu.memory_space<vmem>>[vector<16xi32>], vector<16xf32>,
      %add3A_1523 = arith.constant 32768 : i32
      %add3A_1524 = vector.broadcast %add3A_1523 : i32 to vector<16xi32>
      %add3A_1525 = arith.addi %get3A_1446, %add3A_1524 : vector<16xi32>
      %gather3A_1526 = tpu.vector_load_idx %arg9[%add3A_1525] : memref<81920xf32, #tpu.memory_space<vmem>>[vector<16xi32>], vector<16xf32>,
      %mul3A_1527 = arith.mulf %gather3A_1522, %gather3A_1526 : vector<16xf32>
      %add3A_1528 = arith.addf %add3A_1518, %mul3A_1527 : vector<16xf32>
      %add3A_1529 = arith.constant 40960 : i32
      %add3A_1530 = vector.broadcast %add3A_1529 : i32 to vector<16xi32>
      %add3A_1531 = arith.addi %add3A_16, %add3A_1530 : vector<16xi32>
      %gather3A_1532 = tpu.vector_load_idx %arg9[%add3A_1531] : memref<81920xf32, #tpu.memory_space<vmem>>[vector<16xi32>], vector<16xf32>,
      %add3A_1533 = arith.constant 40960 : i32
      %add3A_1534 = vector.broadcast %add3A_1533 : i32 to vector<16xi32>
      %add3A_1535 = arith.addi %get3A_1446, %add3A_1534 : vector<16xi32>
      %gather3A_1536 = tpu.vector_load_idx %arg9[%add3A_1535] : memref<81920xf32, #tpu.memory_space<vmem>>[vector<16xi32>], vector<16xf32>,
      %mul3A_1537 = arith.mulf %gather3A_1532, %gather3A_1536 : vector<16xf32>
      %add3A_1538 = arith.addf %add3A_1528, %mul3A_1537 : vector<16xf32>
      %add3A_1539 = arith.constant 49152 : i32
      %add3A_1540 = vector.broadcast %add3A_1539 : i32 to vector<16xi32>
      %add3A_1541 = arith.addi %add3A_16, %add3A_1540 : vector<16xi32>
      %gather3A_1542 = tpu.vector_load_idx %arg9[%add3A_1541] : memref<81920xf32, #tpu.memory_space<vmem>>[vector<16xi32>], vector<16xf32>,
      %add3A_1543 = arith.constant 49152 : i32
      %add3A_1544 = vector.broadcast %add3A_1543 : i32 to vector<16xi32>
      %add3A_1545 = arith.addi %get3A_1446, %add3A_1544 : vector<16xi32>
      %gather3A_1546 = tpu.vector_load_idx %arg9[%add3A_1545] : memref<81920xf32, #tpu.memory_space<vmem>>[vector<16xi32>], vector<16xf32>,
      %mul3A_1547 = arith.mulf %gather3A_1542, %gather3A_1546 : vector<16xf32>
      %add3A_1548 = arith.addf %add3A_1538, %mul3A_1547 : vector<16xf32>
      %add3A_1549 = arith.constant 57344 : i32
      %add3A_1550 = vector.broadcast %add3A_1549 : i32 to vector<16xi32>
      %add3A_1551 = arith.addi %add3A_16, %add3A_1550 : vector<16xi32>
      %gather3A_1552 = tpu.vector_load_idx %arg9[%add3A_1551] : memref<81920xf32, #tpu.memory_space<vmem>>[vector<16xi32>], vector<16xf32>,
      %add3A_1553 = arith.constant 57344 : i32
      %add3A_1554 = vector.broadcast %add3A_1553 : i32 to vector<16xi32>
      %add3A_1555 = arith.addi %get3A_1446, %add3A_1554 : vector<16xi32>
      %gather3A_1556 = tpu.vector_load_idx %arg9[%add3A_1555] : memref<81920xf32, #tpu.memory_space<vmem>>[vector<16xi32>], vector<16xf32>,
      %mul3A_1557 = arith.mulf %gather3A_1552, %gather3A_1556 : vector<16xf32>
      %add3A_1558 = arith.addf %add3A_1548, %mul3A_1557 : vector<16xf32>
      %add3A_1559 = arith.constant 65536 : i32
      %add3A_1560 = vector.broadcast %add3A_1559 : i32 to vector<16xi32>
      %add3A_1561 = arith.addi %add3A_16, %add3A_1560 : vector<16xi32>
      %gather3A_1562 = tpu.vector_load_idx %arg9[%add3A_1561] : memref<81920xf32, #tpu.memory_space<vmem>>[vector<16xi32>], vector<16xf32>,
      %add3A_1563 = arith.constant 65536 : i32
      %add3A_1564 = vector.broadcast %add3A_1563 : i32 to vector<16xi32>
      %add3A_1565 = arith.addi %get3A_1446, %add3A_1564 : vector<16xi32>
      %gather3A_1566 = tpu.vector_load_idx %arg9[%add3A_1565] : memref<81920xf32, #tpu.memory_space<vmem>>[vector<16xi32>], vector<16xf32>,
      %mul3A_1567 = arith.mulf %gather3A_1562, %gather3A_1566 : vector<16xf32>
      %add3A_1568 = arith.addf %add3A_1558, %mul3A_1567 : vector<16xf32>
      %add3A_1569 = arith.constant 73728 : i32
      %add3A_1570 = vector.broadcast %add3A_1569 : i32 to vector<16xi32>
      %add3A_1571 = arith.addi %add3A_16, %add3A_1570 : vector<16xi32>
      %gather3A_1572 = tpu.vector_load_idx %arg9[%add3A_1571] : memref<81920xf32, #tpu.memory_space<vmem>>[vector<16xi32>], vector<16xf32>,
      %add3A_1573 = arith.constant 73728 : i32
      %add3A_1574 = vector.broadcast %add3A_1573 : i32 to vector<16xi32>
      %add3A_1575 = arith.addi %get3A_1446, %add3A_1574 : vector<16xi32>
      %gather3A_1576 = tpu.vector_load_idx %arg9[%add3A_1575] : memref<81920xf32, #tpu.memory_space<vmem>>[vector<16xi32>], vector<16xf32>,
      %mul3A_1577 = arith.mulf %gather3A_1572, %gather3A_1576 : vector<16xf32>
      %add3A_1578 = arith.addf %add3A_1568, %mul3A_1577 : vector<16xf32>
      %mul3A_1579 = arith.mulf %select_n3A_1476, %add3A_1578 : vector<16xf32>
      %add3A_1580 = arith.addf %add3A_1438, %mul3A_1579 : vector<16xf32>
      %add3A_1581 = arith.addf %scan3A_11, %add3A_1580 : vector<16xf32>
      scf.yield %add3A_1581 : vector<16xf32>
    }
    %scan3A_8 = arith.constant 16 : i32
    %swap3A = arith.constant 0 : index
    %swap3A_9 = tpu.vector_load %arg11[%swap3A] {strides = array<i32>} : memref<16xf32, #tpu.memory_space<vmem>>, vector<16xf32>,
    tpu.vector_store %arg11[%swap3A], %scan3A_7 {strides = array<i32>} : memref<16xf32, #tpu.memory_space<vmem>>, vector<16xf32>,
    "tpu.region"() ({
      %run_scoped3A = tpu.sem_alloc : memref<!tpu.dma_semaphore, #tpu.memory_space<semaphore_mem>>
      %dma_start3A = arith.constant 0 : i32
      %dma_start3A_10 = tpu.memref_slice %arg6[%add3A, %dma_start3A] : memref<32x16xf32, #tpu.memory_space<hbm>> -> memref<1x16xf32, #tpu.memory_space<hbm>>
      %dma_start3A_11 = tpu.memref_squeeze %dma_start3A_10 : memref<1x16xf32, #tpu.memory_space<hbm>> -> memref<16xf32, #tpu.memory_space<hbm>>
      %dma_start3A_12 = arith.constant 0 : i32
      %dma_start3A_13 = tpu.memref_slice %arg6[%add3A, %dma_start3A_12] : memref<32x16xf32, #tpu.memory_space<hbm>> -> memref<1x16xf32, #tpu.memory_space<hbm>>
      %dma_start3A_14 = tpu.memref_squeeze %dma_start3A_13 : memref<1x16xf32, #tpu.memory_space<hbm>> -> memref<16xf32, #tpu.memory_space<hbm>>
      tpu.enqueue_dma source(%arg11 : memref<16xf32, #tpu.memory_space<vmem>>) target(%dma_start3A_14 : memref<16xf32, #tpu.memory_space<hbm>>) target_semaphore(%run_scoped3A : memref<!tpu.dma_semaphore, #tpu.memory_space<semaphore_mem>>)
      %dma_wait3A = arith.constant 0 : i32
      %dma_wait3A_15 = tpu.memref_slice %arg6[%add3A, %dma_wait3A] : memref<32x16xf32, #tpu.memory_space<hbm>> -> memref<1x16xf32, #tpu.memory_space<hbm>>
      %dma_wait3A_16 = tpu.memref_squeeze %dma_wait3A_15 : memref<1x16xf32, #tpu.memory_space<hbm>> -> memref<16xf32, #tpu.memory_space<hbm>>
      %dma_wait3A_17 = arith.constant 0 : i32
      %dma_wait3A_18 = tpu.memref_slice %arg6[%add3A, %dma_wait3A_17] : memref<32x16xf32, #tpu.memory_space<hbm>> -> memref<1x16xf32, #tpu.memory_space<hbm>>
      %dma_wait3A_19 = tpu.memref_squeeze %dma_wait3A_18 : memref<1x16xf32, #tpu.memory_space<hbm>> -> memref<16xf32, #tpu.memory_space<hbm>>
      tpu.wait_dma2 semaphore(%run_scoped3A : memref<!tpu.dma_semaphore, #tpu.memory_space<semaphore_mem>>) src(%arg11 : memref<16xf32, #tpu.memory_space<vmem>>) dst(%dma_wait3A_19 : memref<16xf32, #tpu.memory_space<hbm>>)
      tpu.yield
    }) : () -> ()
    return
  }
}

module attributes {stable_mosaic.version = 14 : i64} {
  func.func @_topk_body(%arg0: i32, %arg1: memref<512x128xf32, #tpu.memory_space<vmem>>, %arg2: memref<128x8192xf32, #tpu.memory_space<vmem>>, %arg3: memref<512x16xf32, #tpu.memory_space<vmem>>, %arg4: memref<512x16xi32, #tpu.memory_space<vmem>>, %arg5: memref<1x8192xf32, #tpu.memory_space<vmem>>, %arg6: memref<128x8192xbf16, #tpu.memory_space<vmem>>, %arg7: memref<128x8192xbf16, #tpu.memory_space<vmem>>) attributes {dimension_semantics = [#tpu.dimension_semantics<arbitrary>], iteration_bounds = array<i64: 16>, scalar_prefetch = 0 : i64, scratch_operands = 3 : i64, tpu.core_type = #tpu.core_type<tc>, window_params = [{transform_indices = @transform_0, window_bounds = array<i64: 512, 128>}, {pipeline_mode = #tpu.pipeline_mode<synchronous>, transform_indices = @transform_1, window_bounds = array<i64: 128, 8192>}, {transform_indices = @transform_2, window_bounds = array<i64: 512, 16>}, {transform_indices = @transform_3, window_bounds = array<i64: 512, 16>}]} {
    %get3A = arith.constant 0 : index
    %get3A_0 = arith.constant 0 : index
    %get3A_1 = vector.load %arg1[%get3A, %get3A_0] : memref<512x128xf32, #tpu.memory_space<vmem>>, vector<512x128xf32>
    %mul3A = arith.mulf %get3A_1, %get3A_1 : vector<512x128xf32>
    %reduce_sum3A = arith.constant dense<0.000000e+00> : vector<512xf32>
    %reduce_sum3A_2 = vector.multi_reduction <add>, %mul3A, %reduce_sum3A [1] : vector<512x128xf32> to vector<512xf32>
    %broadcast_in_dim3A = vector.shape_cast %reduce_sum3A_2 : vector<512xf32> to vector<512x1xf32>
    %add3A = arith.constant 1.000000e+00 : f32
    %add3A_3 = vector.broadcast %add3A : f32 to vector<512x1xf32>
    %add3A_4 = arith.addf %broadcast_in_dim3A, %add3A_3 : vector<512x1xf32>
    %convert_element_type3A = arith.truncf %get3A_1 : vector<512x128xf32> to vector<512x128xbf16>
    %convert_element_type3A_5 = arith.extf %convert_element_type3A : vector<512x128xbf16> to vector<512x128xf32>
    %sub3A = arith.subf %get3A_1, %convert_element_type3A_5 : vector<512x128xf32>
    %convert_element_type3A_6 = arith.truncf %sub3A : vector<512x128xf32> to vector<512x128xbf16>
    %eq3A = arith.constant 0 : i32
    %eq3A_7 = arith.cmpi eq, %arg0, %eq3A : i32
    %convert_element_type3A_8 = arith.extui %eq3A_7 : i1 to i32
    %cond3A = arith.constant 0 : i32
    %cond3A_9 = arith.cmpi ne, %convert_element_type3A_8, %cond3A : i32
    scf.if %cond3A_9 {
      %get3A_53 = arith.constant 0 : index
      %get3A_54 = arith.constant 0 : index
      %get3A_55 = vector.load %arg2[%get3A_53, %get3A_54] : memref<128x8192xf32, #tpu.memory_space<vmem>>, vector<128x8192xf32>
      %mul3A_56 = arith.mulf %get3A_55, %get3A_55 : vector<128x8192xf32>
      %reduce_sum3A_57 = arith.constant dense<0.000000e+00> : vector<8192xf32>
      %reduce_sum3A_58 = vector.multi_reduction <add>, %mul3A_56, %reduce_sum3A_57 [0] : vector<128x8192xf32> to vector<8192xf32>
      %broadcast_in_dim3A_59 = vector.shape_cast %reduce_sum3A_58 : vector<8192xf32> to vector<1x8192xf32>
      %swap3A_60 = arith.constant 0 : index
      %swap3A_61 = arith.constant 0 : index
      %swap3A_62 = vector.load %arg5[%swap3A_60, %swap3A_61] : memref<1x8192xf32, #tpu.memory_space<vmem>>, vector<1x8192xf32>
      tpu.vector_store %arg5[%swap3A_60, %swap3A_61], %broadcast_in_dim3A_59 {strides = array<i32>} : memref<1x8192xf32, #tpu.memory_space<vmem>>, vector<1x8192xf32>,
      %convert_element_type3A_63 = arith.truncf %get3A_55 : vector<128x8192xf32> to vector<128x8192xbf16>
      %swap3A_64 = arith.constant 0 : index
      %swap3A_65 = arith.constant 0 : index
      %swap3A_66 = vector.load %arg6[%swap3A_64, %swap3A_65] : memref<128x8192xbf16, #tpu.memory_space<vmem>>, vector<128x8192xbf16>
      tpu.vector_store %arg6[%swap3A_64, %swap3A_65], %convert_element_type3A_63 {strides = array<i32>} : memref<128x8192xbf16, #tpu.memory_space<vmem>>, vector<128x8192xbf16>,
      %convert_element_type3A_67 = arith.extf %convert_element_type3A_63 : vector<128x8192xbf16> to vector<128x8192xf32>
      %sub3A_68 = arith.subf %get3A_55, %convert_element_type3A_67 : vector<128x8192xf32>
      %convert_element_type3A_69 = arith.truncf %sub3A_68 : vector<128x8192xf32> to vector<128x8192xbf16>
      %swap3A_70 = arith.constant 0 : index
      %swap3A_71 = arith.constant 0 : index
      %swap3A_72 = vector.load %arg7[%swap3A_70, %swap3A_71] : memref<128x8192xbf16, #tpu.memory_space<vmem>>, vector<128x8192xbf16>
      tpu.vector_store %arg7[%swap3A_70, %swap3A_71], %convert_element_type3A_69 {strides = array<i32>} : memref<128x8192xbf16, #tpu.memory_space<vmem>>, vector<128x8192xbf16>,
    } else {
    }
    %iota3A = tpu.iota {dimensions = array<i32: 1>} : vector<512x16xi32>
    %iota3A_10 = tpu.iota {dimensions = array<i32: 1>} : vector<512x128xi32>
    %add3A_11 = arith.constant 16 : i32
    %add3A_12 = vector.broadcast %add3A_11 : i32 to vector<512x128xi32>
    %add3A_13 = arith.addi %iota3A_10, %add3A_12 : vector<512x128xi32>
    %broadcast_in_dim3A_14 = arith.constant 2130706432 : i32
    %broadcast_in_dim3A_15 = vector.broadcast %broadcast_in_dim3A_14 : i32 to vector<512x16xi32>
    %or3A = arith.ori %broadcast_in_dim3A_15, %iota3A : vector<512x16xi32>
    %bitcast_convert_type3A = tpu.bitcast %or3A : vector<512x16xi32> -> vector<512x16xf32>
    %broadcast_in_dim3A_16 = arith.constant 0 : i32
    %broadcast_in_dim3A_17 = vector.broadcast %broadcast_in_dim3A_16 : i32 to vector<512x16xi32>
    %get3A_18 = arith.constant 0 : index
    %get3A_19 = arith.constant 0 : index
    %get3A_20 = vector.load %arg6[%get3A_18, %get3A_19] : memref<128x8192xbf16, #tpu.memory_space<vmem>>, vector<128x1024xbf16>
    %get3A_21 = arith.constant 0 : index
    %get3A_22 = arith.constant 0 : index
    %get3A_23 = vector.load %arg7[%get3A_21, %get3A_22] : memref<128x8192xbf16, #tpu.memory_space<vmem>>, vector<128x1024xbf16>
    %dot_general3A = arith.constant dense<0.000000e+00> : vector<512x1024xf32>
    %dot_general3A_24 = tpu.matmul %convert_element_type3A, %get3A_20, %dot_general3A {dimension_numbers = #tpu.dot_dimension_numbers<[1], [0], [0], [1], [0, 0, 1, 1], [], []>, transpose_lhs_hint = false} : vector<512x128xbf16>, vector<128x1024xbf16>, vector<512x1024xf32> -> vector<512x1024xf32>
    %dot_general3A_25 = arith.constant dense<0.000000e+00> : vector<512x1024xf32>
    %dot_general3A_26 = tpu.matmul %convert_element_type3A, %get3A_23, %dot_general3A_25 {dimension_numbers = #tpu.dot_dimension_numbers<[1], [0], [0], [1], [0, 0, 1, 1], [], []>, transpose_lhs_hint = false} : vector<512x128xbf16>, vector<128x1024xbf16>, vector<512x1024xf32> -> vector<512x1024xf32>
    %add3A_27 = arith.addf %dot_general3A_24, %dot_general3A_26 : vector<512x1024xf32>
    %dot_general3A_28 = arith.constant dense<0.000000e+00> : vector<512x1024xf32>
    %dot_general3A_29 = tpu.matmul %convert_element_type3A_6, %get3A_20, %dot_general3A_28 {dimension_numbers = #tpu.dot_dimension_numbers<[1], [0], [0], [1], [0, 0, 1, 1], [], []>, transpose_lhs_hint = false} : vector<512x128xbf16>, vector<128x1024xbf16>, vector<512x1024xf32> -> vector<512x1024xf32>
    %add3A_30 = arith.addf %add3A_27, %dot_general3A_29 : vector<512x1024xf32>
    %scan3A = arith.constant 0 : i32
    %scan3A_31 = arith.constant 8 : i32
    %scan3A_32 = arith.addi %scan3A, %scan3A_31 : i32
    %scan3A_33 = arith.constant 1 : i32
    %scan3A_34:3 = scf.for %scan3A_53 = %scan3A to %scan3A_32 step %scan3A_33 iter_args(%scan3A_54 = %bitcast_convert_type3A, %scan3A_55 = %broadcast_in_dim3A_17, %scan3A_56 = %add3A_30) -> (vector<512x16xf32>, vector<512x16xi32>, vector<512x1024xf32>)  : i32 {
      %add3A_57 = arith.constant 1 : i32
      %add3A_58 = arith.addi %scan3A_53, %add3A_57 : i32
      %min3A = arith.constant 7 : i32
      %min3A_59 = arith.minsi %add3A_58, %min3A : i32
      %mul3A_60 = arith.constant 1024 : i32
      %mul3A_61 = arith.muli %min3A_59, %mul3A_60 : i32
      %get3A_62 = arith.constant 0 : index
      %get3A_63 = arith.index_cast %mul3A_61 : i32 to index
      %get3A_64 = vector.load %arg6[%get3A_62, %get3A_63] : memref<128x8192xbf16, #tpu.memory_space<vmem>>, vector<128x1024xbf16>
      %mul3A_65 = arith.constant 1024 : i32
      %mul3A_66 = arith.muli %min3A_59, %mul3A_65 : i32
      %get3A_67 = arith.constant 0 : index
      %get3A_68 = arith.index_cast %mul3A_66 : i32 to index
      %get3A_69 = vector.load %arg7[%get3A_67, %get3A_68] : memref<128x8192xbf16, #tpu.memory_space<vmem>>, vector<128x1024xbf16>
      %dot_general3A_70 = arith.constant dense<0.000000e+00> : vector<512x1024xf32>
      %dot_general3A_71 = tpu.matmul %convert_element_type3A, %get3A_64, %dot_general3A_70 {dimension_numbers = #tpu.dot_dimension_numbers<[1], [0], [0], [1], [0, 0, 1, 1], [], []>, transpose_lhs_hint = false} : vector<512x128xbf16>, vector<128x1024xbf16>, vector<512x1024xf32> -> vector<512x1024xf32>
      %dot_general3A_72 = arith.constant dense<0.000000e+00> : vector<512x1024xf32>
      %dot_general3A_73 = tpu.matmul %convert_element_type3A, %get3A_69, %dot_general3A_72 {dimension_numbers = #tpu.dot_dimension_numbers<[1], [0], [0], [1], [0, 0, 1, 1], [], []>, transpose_lhs_hint = false} : vector<512x128xbf16>, vector<128x1024xbf16>, vector<512x1024xf32> -> vector<512x1024xf32>
      %add3A_74 = arith.addf %dot_general3A_71, %dot_general3A_73 : vector<512x1024xf32>
      %dot_general3A_75 = arith.constant dense<0.000000e+00> : vector<512x1024xf32>
      %dot_general3A_76 = tpu.matmul %convert_element_type3A_6, %get3A_64, %dot_general3A_75 {dimension_numbers = #tpu.dot_dimension_numbers<[1], [0], [0], [1], [0, 0, 1, 1], [], []>, transpose_lhs_hint = false} : vector<512x128xbf16>, vector<128x1024xbf16>, vector<512x1024xf32> -> vector<512x1024xf32>
      %add3A_77 = arith.addf %add3A_74, %dot_general3A_76 : vector<512x1024xf32>
      %mul3A_78 = arith.constant 1024 : i32
      %mul3A_79 = arith.muli %scan3A_53, %mul3A_78 : i32
      %get3A_80 = arith.constant 0 : index
      %get3A_81 = arith.index_cast %mul3A_79 : i32 to index
      %get3A_82 = vector.load %arg5[%get3A_80, %get3A_81] : memref<1x8192xf32, #tpu.memory_space<vmem>>, vector<1x1024xf32>
      %add3A_83 = vector.broadcast %add3A_4 : vector<512x1xf32> to vector<512x1024xf32>
      %add3A_84 = vector.broadcast %get3A_82 : vector<1x1024xf32> to vector<512x1024xf32>
      %add3A_85 = arith.addf %add3A_83, %add3A_84 : vector<512x1024xf32>
      %mul3A_86 = arith.constant 2.000000e+00 : f32
      %mul3A_87 = vector.broadcast %mul3A_86 : f32 to vector<512x1024xf32>
      %mul3A_88 = arith.mulf %mul3A_87, %scan3A_56 : vector<512x1024xf32>
      %sub3A_89 = arith.subf %add3A_85, %mul3A_88 : vector<512x1024xf32>
      %slice3A = vector.extract_strided_slice %sub3A_89 {offsets = [0, 0], sizes = [512, 128], strides = [1, 1]} : vector<512x1024xf32> to vector<512x128xf32>
      %slice3A_90 = vector.extract_strided_slice %sub3A_89 {offsets = [0, 128], sizes = [512, 128], strides = [1, 1]} : vector<512x1024xf32> to vector<512x128xf32>
      %slice3A_91 = vector.extract_strided_slice %sub3A_89 {offsets = [0, 256], sizes = [512, 128], strides = [1, 1]} : vector<512x1024xf32> to vector<512x128xf32>
      %slice3A_92 = vector.extract_strided_slice %sub3A_89 {offsets = [0, 384], sizes = [512, 128], strides = [1, 1]} : vector<512x1024xf32> to vector<512x128xf32>
      %slice3A_93 = vector.extract_strided_slice %sub3A_89 {offsets = [0, 512], sizes = [512, 128], strides = [1, 1]} : vector<512x1024xf32> to vector<512x128xf32>
      %slice3A_94 = vector.extract_strided_slice %sub3A_89 {offsets = [0, 640], sizes = [512, 128], strides = [1, 1]} : vector<512x1024xf32> to vector<512x128xf32>
      %slice3A_95 = vector.extract_strided_slice %sub3A_89 {offsets = [0, 768], sizes = [512, 128], strides = [1, 1]} : vector<512x1024xf32> to vector<512x128xf32>
      %slice3A_96 = vector.extract_strided_slice %sub3A_89 {offsets = [0, 896], sizes = [512, 128], strides = [1, 1]} : vector<512x1024xf32> to vector<512x128xf32>
      %min3A_97 = arith.minimumf %slice3A, %slice3A_90 : vector<512x128xf32>
      %min3A_98 = arith.minimumf %slice3A_91, %slice3A_92 : vector<512x128xf32>
      %min3A_99 = arith.minimumf %min3A_97, %min3A_98 : vector<512x128xf32>
      %min3A_100 = arith.minimumf %slice3A_93, %slice3A_94 : vector<512x128xf32>
      %min3A_101 = arith.minimumf %slice3A_95, %slice3A_96 : vector<512x128xf32>
      %min3A_102 = arith.minimumf %min3A_100, %min3A_101 : vector<512x128xf32>
      %min3A_103 = arith.minimumf %min3A_99, %min3A_102 : vector<512x128xf32>
      %broadcast_in_dim3A_104 = arith.constant 7 : i32
      %broadcast_in_dim3A_105 = vector.broadcast %broadcast_in_dim3A_104 : i32 to vector<512x128xi32>
      %eq3A_106 = arith.cmpf oeq, %min3A_103, %slice3A_95 : vector<512x128xf32>
      %jit3A_107 = arith.constant 6 : i32
      %broadcast_in_dim3A_108 = vector.broadcast %jit3A_107 : i32 to vector<512x128xi32>
      %select_n3A_109 = arith.select %eq3A_106, %broadcast_in_dim3A_108, %broadcast_in_dim3A_105 : vector<512x128xi1>, vector<512x128xi32>
      %eq3A_110 = arith.cmpf oeq, %min3A_103, %slice3A_94 : vector<512x128xf32>
      %jit3A_111 = arith.constant 5 : i32
      %broadcast_in_dim3A_112 = vector.broadcast %jit3A_111 : i32 to vector<512x128xi32>
      %select_n3A_113 = arith.select %eq3A_110, %broadcast_in_dim3A_112, %select_n3A_109 : vector<512x128xi1>, vector<512x128xi32>
      %eq3A_114 = arith.cmpf oeq, %min3A_103, %slice3A_93 : vector<512x128xf32>
      %jit3A_115 = arith.constant 4 : i32
      %broadcast_in_dim3A_116 = vector.broadcast %jit3A_115 : i32 to vector<512x128xi32>
      %select_n3A_117 = arith.select %eq3A_114, %broadcast_in_dim3A_116, %select_n3A_113 : vector<512x128xi1>, vector<512x128xi32>
      %eq3A_118 = arith.cmpf oeq, %min3A_103, %slice3A_92 : vector<512x128xf32>
      %jit3A_119 = arith.constant 3 : i32
      %broadcast_in_dim3A_120 = vector.broadcast %jit3A_119 : i32 to vector<512x128xi32>
      %select_n3A_121 = arith.select %eq3A_118, %broadcast_in_dim3A_120, %select_n3A_117 : vector<512x128xi1>, vector<512x128xi32>
      %eq3A_122 = arith.cmpf oeq, %min3A_103, %slice3A_91 : vector<512x128xf32>
      %jit3A_123 = arith.constant 2 : i32
      %broadcast_in_dim3A_124 = vector.broadcast %jit3A_123 : i32 to vector<512x128xi32>
      %select_n3A_125 = arith.select %eq3A_122, %broadcast_in_dim3A_124, %select_n3A_121 : vector<512x128xi1>, vector<512x128xi32>
      %eq3A_126 = arith.cmpf oeq, %min3A_103, %slice3A_90 : vector<512x128xf32>
      %jit3A_127 = arith.constant 1 : i32
      %broadcast_in_dim3A_128 = vector.broadcast %jit3A_127 : i32 to vector<512x128xi32>
      %select_n3A_129 = arith.select %eq3A_126, %broadcast_in_dim3A_128, %select_n3A_125 : vector<512x128xi1>, vector<512x128xi32>
      %eq3A_130 = arith.cmpf oeq, %min3A_103, %slice3A : vector<512x128xf32>
      %jit3A_131 = arith.constant 0 : i32
      %broadcast_in_dim3A_132 = vector.broadcast %jit3A_131 : i32 to vector<512x128xi32>
      %select_n3A_133 = arith.select %eq3A_130, %broadcast_in_dim3A_132, %select_n3A_129 : vector<512x128xi1>, vector<512x128xi32>
      %bitcast_convert_type3A_134 = tpu.bitcast %min3A_103 : vector<512x128xf32> -> vector<512x128xi32>
      %add3A_135 = arith.constant 1024 : i32
      %add3A_136 = vector.broadcast %add3A_135 : i32 to vector<512x128xi32>
      %add3A_137 = arith.addi %bitcast_convert_type3A_134, %add3A_136 : vector<512x128xi32>
      %and3A_138 = arith.constant -2048 : i32
      %and3A_139 = vector.broadcast %and3A_138 : i32 to vector<512x128xi32>
      %and3A_140 = arith.andi %add3A_137, %and3A_139 : vector<512x128xi32>
      %shift_left3A = arith.constant 7 : i32
      %shift_left3A_141 = vector.broadcast %shift_left3A : i32 to vector<512x128xi32>
      %shift_left3A_142 = arith.shli %select_n3A_133, %shift_left3A_141 : vector<512x128xi32>
      %add3A_143 = arith.addi %add3A_13, %shift_left3A_142 : vector<512x128xi32>
      %or3A_144 = arith.ori %and3A_140, %add3A_143 : vector<512x128xi32>
      %bitcast_convert_type3A_145 = tpu.bitcast %or3A_144 : vector<512x128xi32> -> vector<512x128xf32>
      %bitcast_convert_type3A_146 = tpu.bitcast %scan3A_54 : vector<512x16xf32> -> vector<512x16xi32>
      %and3A_147 = arith.constant -2048 : i32
      %and3A_148 = vector.broadcast %and3A_147 : i32 to vector<512x16xi32>
      %and3A_149 = arith.andi %bitcast_convert_type3A_146, %and3A_148 : vector<512x16xi32>
      %or3A_150 = arith.ori %and3A_149, %iota3A : vector<512x16xi32>
      %bitcast_convert_type3A_151 = tpu.bitcast %or3A_150 : vector<512x16xi32> -> vector<512x16xf32>
      %concatenate3A = tpu.concatenate %bitcast_convert_type3A_151, %bitcast_convert_type3A_145 in 1 : vector<512x16xf32>, vector<512x128xf32> -> vector<512x144xf32>
      %reduce_min3A = arith.constant dense<0x7F800000> : vector<512xf32>
      %reduce_min3A_152 = vector.multi_reduction <minimumf>, %concatenate3A, %reduce_min3A [1] : vector<512x144xf32> to vector<512xf32>
      %broadcast_in_dim3A_153 = vector.shape_cast %reduce_min3A_152 : vector<512xf32> to vector<512x1xf32>
      %eq3A_154 = arith.constant 0 : i32
      %eq3A_155 = vector.broadcast %eq3A_154 : i32 to vector<512x16xi32>
      %eq3A_156 = arith.cmpi eq, %iota3A, %eq3A_155 : vector<512x16xi32>
      %broadcast_in_dim3A_157 = vector.shape_cast %broadcast_in_dim3A_153 : vector<512x1xf32> to vector<512x1xf32>
      %broadcast_in_dim3A_158 = vector.broadcast %broadcast_in_dim3A_157 : vector<512x1xf32> to vector<512x16xf32>
      %select_n3A_159 = arith.select %eq3A_156, %broadcast_in_dim3A_158, %bitcast_convert_type3A : vector<512x16xi1>, vector<512x16xf32>
      %eq3A_160 = vector.broadcast %broadcast_in_dim3A_153 : vector<512x1xf32> to vector<512x144xf32>
      %eq3A_161 = arith.cmpf oeq, %concatenate3A, %eq3A_160 : vector<512x144xf32>
      %jit3A_162 = arith.constant 3.000000e+38 : f32
      %broadcast_in_dim3A_163 = vector.broadcast %jit3A_162 : f32 to vector<512x144xf32>
      %select_n3A_164 = arith.select %eq3A_161, %broadcast_in_dim3A_163, %concatenate3A : vector<512x144xi1>, vector<512x144xf32>
      %reduce_min3A_165 = arith.constant dense<0x7F800000> : vector<512xf32>
      %reduce_min3A_166 = vector.multi_reduction <minimumf>, %select_n3A_164, %reduce_min3A_165 [1] : vector<512x144xf32> to vector<512xf32>
      %broadcast_in_dim3A_167 = vector.shape_cast %reduce_min3A_166 : vector<512xf32> to vector<512x1xf32>
      %eq3A_168 = arith.constant 1 : i32
      %eq3A_169 = vector.broadcast %eq3A_168 : i32 to vector<512x16xi32>
      %eq3A_170 = arith.cmpi eq, %iota3A, %eq3A_169 : vector<512x16xi32>
      %broadcast_in_dim3A_171 = vector.shape_cast %broadcast_in_dim3A_167 : vector<512x1xf32> to vector<512x1xf32>
      %broadcast_in_dim3A_172 = vector.broadcast %broadcast_in_dim3A_171 : vector<512x1xf32> to vector<512x16xf32>
      %select_n3A_173 = arith.select %eq3A_170, %broadcast_in_dim3A_172, %select_n3A_159 : vector<512x16xi1>, vector<512x16xf32>
      %eq3A_174 = vector.broadcast %broadcast_in_dim3A_167 : vector<512x1xf32> to vector<512x144xf32>
      %eq3A_175 = arith.cmpf oeq, %select_n3A_164, %eq3A_174 : vector<512x144xf32>
      %jit3A_176 = arith.constant 3.000000e+38 : f32
      %broadcast_in_dim3A_177 = vector.broadcast %jit3A_176 : f32 to vector<512x144xf32>
      %select_n3A_178 = arith.select %eq3A_175, %broadcast_in_dim3A_177, %select_n3A_164 : vector<512x144xi1>, vector<512x144xf32>
      %reduce_min3A_179 = arith.constant dense<0x7F800000> : vector<512xf32>
      %reduce_min3A_180 = vector.multi_reduction <minimumf>, %select_n3A_178, %reduce_min3A_179 [1] : vector<512x144xf32> to vector<512xf32>
      %broadcast_in_dim3A_181 = vector.shape_cast %reduce_min3A_180 : vector<512xf32> to vector<512x1xf32>
      %eq3A_182 = arith.constant 2 : i32
      %eq3A_183 = vector.broadcast %eq3A_182 : i32 to vector<512x16xi32>
      %eq3A_184 = arith.cmpi eq, %iota3A, %eq3A_183 : vector<512x16xi32>
      %broadcast_in_dim3A_185 = vector.shape_cast %broadcast_in_dim3A_181 : vector<512x1xf32> to vector<512x1xf32>
      %broadcast_in_dim3A_186 = vector.broadcast %broadcast_in_dim3A_185 : vector<512x1xf32> to vector<512x16xf32>
      %select_n3A_187 = arith.select %eq3A_184, %broadcast_in_dim3A_186, %select_n3A_173 : vector<512x16xi1>, vector<512x16xf32>
      %eq3A_188 = vector.broadcast %broadcast_in_dim3A_181 : vector<512x1xf32> to vector<512x144xf32>
      %eq3A_189 = arith.cmpf oeq, %select_n3A_178, %eq3A_188 : vector<512x144xf32>
      %jit3A_190 = arith.constant 3.000000e+38 : f32
      %broadcast_in_dim3A_191 = vector.broadcast %jit3A_190 : f32 to vector<512x144xf32>
      %select_n3A_192 = arith.select %eq3A_189, %broadcast_in_dim3A_191, %select_n3A_178 : vector<512x144xi1>, vector<512x144xf32>
      %reduce_min3A_193 = arith.constant dense<0x7F800000> : vector<512xf32>
      %reduce_min3A_194 = vector.multi_reduction <minimumf>, %select_n3A_192, %reduce_min3A_193 [1] : vector<512x144xf32> to vector<512xf32>
      %broadcast_in_dim3A_195 = vector.shape_cast %reduce_min3A_194 : vector<512xf32> to vector<512x1xf32>
      %eq3A_196 = arith.constant 3 : i32
      %eq3A_197 = vector.broadcast %eq3A_196 : i32 to vector<512x16xi32>
      %eq3A_198 = arith.cmpi eq, %iota3A, %eq3A_197 : vector<512x16xi32>
      %broadcast_in_dim3A_199 = vector.shape_cast %broadcast_in_dim3A_195 : vector<512x1xf32> to vector<512x1xf32>
      %broadcast_in_dim3A_200 = vector.broadcast %broadcast_in_dim3A_199 : vector<512x1xf32> to vector<512x16xf32>
      %select_n3A_201 = arith.select %eq3A_198, %broadcast_in_dim3A_200, %select_n3A_187 : vector<512x16xi1>, vector<512x16xf32>
      %eq3A_202 = vector.broadcast %broadcast_in_dim3A_195 : vector<512x1xf32> to vector<512x144xf32>
      %eq3A_203 = arith.cmpf oeq, %select_n3A_192, %eq3A_202 : vector<512x144xf32>
      %jit3A_204 = arith.constant 3.000000e+38 : f32
      %broadcast_in_dim3A_205 = vector.broadcast %jit3A_204 : f32 to vector<512x144xf32>
      %select_n3A_206 = arith.select %eq3A_203, %broadcast_in_dim3A_205, %select_n3A_192 : vector<512x144xi1>, vector<512x144xf32>
      %reduce_min3A_207 = arith.constant dense<0x7F800000> : vector<512xf32>
      %reduce_min3A_208 = vector.multi_reduction <minimumf>, %select_n3A_206, %reduce_min3A_207 [1] : vector<512x144xf32> to vector<512xf32>
      %broadcast_in_dim3A_209 = vector.shape_cast %reduce_min3A_208 : vector<512xf32> to vector<512x1xf32>
      %eq3A_210 = arith.constant 4 : i32
      %eq3A_211 = vector.broadcast %eq3A_210 : i32 to vector<512x16xi32>
      %eq3A_212 = arith.cmpi eq, %iota3A, %eq3A_211 : vector<512x16xi32>
      %broadcast_in_dim3A_213 = vector.shape_cast %broadcast_in_dim3A_209 : vector<512x1xf32> to vector<512x1xf32>
      %broadcast_in_dim3A_214 = vector.broadcast %broadcast_in_dim3A_213 : vector<512x1xf32> to vector<512x16xf32>
      %select_n3A_215 = arith.select %eq3A_212, %broadcast_in_dim3A_214, %select_n3A_201 : vector<512x16xi1>, vector<512x16xf32>
      %eq3A_216 = vector.broadcast %broadcast_in_dim3A_209 : vector<512x1xf32> to vector<512x144xf32>
      %eq3A_217 = arith.cmpf oeq, %select_n3A_206, %eq3A_216 : vector<512x144xf32>
      %jit3A_218 = arith.constant 3.000000e+38 : f32
      %broadcast_in_dim3A_219 = vector.broadcast %jit3A_218 : f32 to vector<512x144xf32>
      %select_n3A_220 = arith.select %eq3A_217, %broadcast_in_dim3A_219, %select_n3A_206 : vector<512x144xi1>, vector<512x144xf32>
      %reduce_min3A_221 = arith.constant dense<0x7F800000> : vector<512xf32>
      %reduce_min3A_222 = vector.multi_reduction <minimumf>, %select_n3A_220, %reduce_min3A_221 [1] : vector<512x144xf32> to vector<512xf32>
      %broadcast_in_dim3A_223 = vector.shape_cast %reduce_min3A_222 : vector<512xf32> to vector<512x1xf32>
      %eq3A_224 = arith.constant 5 : i32
      %eq3A_225 = vector.broadcast %eq3A_224 : i32 to vector<512x16xi32>
      %eq3A_226 = arith.cmpi eq, %iota3A, %eq3A_225 : vector<512x16xi32>
      %broadcast_in_dim3A_227 = vector.shape_cast %broadcast_in_dim3A_223 : vector<512x1xf32> to vector<512x1xf32>
      %broadcast_in_dim3A_228 = vector.broadcast %broadcast_in_dim3A_227 : vector<512x1xf32> to vector<512x16xf32>
      %select_n3A_229 = arith.select %eq3A_226, %broadcast_in_dim3A_228, %select_n3A_215 : vector<512x16xi1>, vector<512x16xf32>
      %eq3A_230 = vector.broadcast %broadcast_in_dim3A_223 : vector<512x1xf32> to vector<512x144xf32>
      %eq3A_231 = arith.cmpf oeq, %select_n3A_220, %eq3A_230 : vector<512x144xf32>
      %jit3A_232 = arith.constant 3.000000e+38 : f32
      %broadcast_in_dim3A_233 = vector.broadcast %jit3A_232 : f32 to vector<512x144xf32>
      %select_n3A_234 = arith.select %eq3A_231, %broadcast_in_dim3A_233, %select_n3A_220 : vector<512x144xi1>, vector<512x144xf32>
      %reduce_min3A_235 = arith.constant dense<0x7F800000> : vector<512xf32>
      %reduce_min3A_236 = vector.multi_reduction <minimumf>, %select_n3A_234, %reduce_min3A_235 [1] : vector<512x144xf32> to vector<512xf32>
      %broadcast_in_dim3A_237 = vector.shape_cast %reduce_min3A_236 : vector<512xf32> to vector<512x1xf32>
      %eq3A_238 = arith.constant 6 : i32
      %eq3A_239 = vector.broadcast %eq3A_238 : i32 to vector<512x16xi32>
      %eq3A_240 = arith.cmpi eq, %iota3A, %eq3A_239 : vector<512x16xi32>
      %broadcast_in_dim3A_241 = vector.shape_cast %broadcast_in_dim3A_237 : vector<512x1xf32> to vector<512x1xf32>
      %broadcast_in_dim3A_242 = vector.broadcast %broadcast_in_dim3A_241 : vector<512x1xf32> to vector<512x16xf32>
      %select_n3A_243 = arith.select %eq3A_240, %broadcast_in_dim3A_242, %select_n3A_229 : vector<512x16xi1>, vector<512x16xf32>
      %eq3A_244 = vector.broadcast %broadcast_in_dim3A_237 : vector<512x1xf32> to vector<512x144xf32>
      %eq3A_245 = arith.cmpf oeq, %select_n3A_234, %eq3A_244 : vector<512x144xf32>
      %jit3A_246 = arith.constant 3.000000e+38 : f32
      %broadcast_in_dim3A_247 = vector.broadcast %jit3A_246 : f32 to vector<512x144xf32>
      %select_n3A_248 = arith.select %eq3A_245, %broadcast_in_dim3A_247, %select_n3A_234 : vector<512x144xi1>, vector<512x144xf32>
      %reduce_min3A_249 = arith.constant dense<0x7F800000> : vector<512xf32>
      %reduce_min3A_250 = vector.multi_reduction <minimumf>, %select_n3A_248, %reduce_min3A_249 [1] : vector<512x144xf32> to vector<512xf32>
      %broadcast_in_dim3A_251 = vector.shape_cast %reduce_min3A_250 : vector<512xf32> to vector<512x1xf32>
      %eq3A_252 = arith.constant 7 : i32
      %eq3A_253 = vector.broadcast %eq3A_252 : i32 to vector<512x16xi32>
      %eq3A_254 = arith.cmpi eq, %iota3A, %eq3A_253 : vector<512x16xi32>
      %broadcast_in_dim3A_255 = vector.shape_cast %broadcast_in_dim3A_251 : vector<512x1xf32> to vector<512x1xf32>
      %broadcast_in_dim3A_256 = vector.broadcast %broadcast_in_dim3A_255 : vector<512x1xf32> to vector<512x16xf32>
      %select_n3A_257 = arith.select %eq3A_254, %broadcast_in_dim3A_256, %select_n3A_243 : vector<512x16xi1>, vector<512x16xf32>
      %eq3A_258 = vector.broadcast %broadcast_in_dim3A_251 : vector<512x1xf32> to vector<512x144xf32>
      %eq3A_259 = arith.cmpf oeq, %select_n3A_248, %eq3A_258 : vector<512x144xf32>
      %jit3A_260 = arith.constant 3.000000e+38 : f32
      %broadcast_in_dim3A_261 = vector.broadcast %jit3A_260 : f32 to vector<512x144xf32>
      %select_n3A_262 = arith.select %eq3A_259, %broadcast_in_dim3A_261, %select_n3A_248 : vector<512x144xi1>, vector<512x144xf32>
      %reduce_min3A_263 = arith.constant dense<0x7F800000> : vector<512xf32>
      %reduce_min3A_264 = vector.multi_reduction <minimumf>, %select_n3A_262, %reduce_min3A_263 [1] : vector<512x144xf32> to vector<512xf32>
      %broadcast_in_dim3A_265 = vector.shape_cast %reduce_min3A_264 : vector<512xf32> to vector<512x1xf32>
      %eq3A_266 = arith.constant 8 : i32
      %eq3A_267 = vector.broadcast %eq3A_266 : i32 to vector<512x16xi32>
      %eq3A_268 = arith.cmpi eq, %iota3A, %eq3A_267 : vector<512x16xi32>
      %broadcast_in_dim3A_269 = vector.shape_cast %broadcast_in_dim3A_265 : vector<512x1xf32> to vector<512x1xf32>
      %broadcast_in_dim3A_270 = vector.broadcast %broadcast_in_dim3A_269 : vector<512x1xf32> to vector<512x16xf32>
      %select_n3A_271 = arith.select %eq3A_268, %broadcast_in_dim3A_270, %select_n3A_257 : vector<512x16xi1>, vector<512x16xf32>
      %eq3A_272 = vector.broadcast %broadcast_in_dim3A_265 : vector<512x1xf32> to vector<512x144xf32>
      %eq3A_273 = arith.cmpf oeq, %select_n3A_262, %eq3A_272 : vector<512x144xf32>
      %jit3A_274 = arith.constant 3.000000e+38 : f32
      %broadcast_in_dim3A_275 = vector.broadcast %jit3A_274 : f32 to vector<512x144xf32>
      %select_n3A_276 = arith.select %eq3A_273, %broadcast_in_dim3A_275, %select_n3A_262 : vector<512x144xi1>, vector<512x144xf32>
      %reduce_min3A_277 = arith.constant dense<0x7F800000> : vector<512xf32>
      %reduce_min3A_278 = vector.multi_reduction <minimumf>, %select_n3A_276, %reduce_min3A_277 [1] : vector<512x144xf32> to vector<512xf32>
      %broadcast_in_dim3A_279 = vector.shape_cast %reduce_min3A_278 : vector<512xf32> to vector<512x1xf32>
      %eq3A_280 = arith.constant 9 : i32
      %eq3A_281 = vector.broadcast %eq3A_280 : i32 to vector<512x16xi32>
      %eq3A_282 = arith.cmpi eq, %iota3A, %eq3A_281 : vector<512x16xi32>
      %broadcast_in_dim3A_283 = vector.shape_cast %broadcast_in_dim3A_279 : vector<512x1xf32> to vector<512x1xf32>
      %broadcast_in_dim3A_284 = vector.broadcast %broadcast_in_dim3A_283 : vector<512x1xf32> to vector<512x16xf32>
      %select_n3A_285 = arith.select %eq3A_282, %broadcast_in_dim3A_284, %select_n3A_271 : vector<512x16xi1>, vector<512x16xf32>
      %eq3A_286 = vector.broadcast %broadcast_in_dim3A_279 : vector<512x1xf32> to vector<512x144xf32>
      %eq3A_287 = arith.cmpf oeq, %select_n3A_276, %eq3A_286 : vector<512x144xf32>
      %jit3A_288 = arith.constant 3.000000e+38 : f32
      %broadcast_in_dim3A_289 = vector.broadcast %jit3A_288 : f32 to vector<512x144xf32>
      %select_n3A_290 = arith.select %eq3A_287, %broadcast_in_dim3A_289, %select_n3A_276 : vector<512x144xi1>, vector<512x144xf32>
      %reduce_min3A_291 = arith.constant dense<0x7F800000> : vector<512xf32>
      %reduce_min3A_292 = vector.multi_reduction <minimumf>, %select_n3A_290, %reduce_min3A_291 [1] : vector<512x144xf32> to vector<512xf32>
      %broadcast_in_dim3A_293 = vector.shape_cast %reduce_min3A_292 : vector<512xf32> to vector<512x1xf32>
      %eq3A_294 = arith.constant 10 : i32
      %eq3A_295 = vector.broadcast %eq3A_294 : i32 to vector<512x16xi32>
      %eq3A_296 = arith.cmpi eq, %iota3A, %eq3A_295 : vector<512x16xi32>
      %broadcast_in_dim3A_297 = vector.shape_cast %broadcast_in_dim3A_293 : vector<512x1xf32> to vector<512x1xf32>
      %broadcast_in_dim3A_298 = vector.broadcast %broadcast_in_dim3A_297 : vector<512x1xf32> to vector<512x16xf32>
      %select_n3A_299 = arith.select %eq3A_296, %broadcast_in_dim3A_298, %select_n3A_285 : vector<512x16xi1>, vector<512x16xf32>
      %bitcast_convert_type3A_300 = tpu.bitcast %select_n3A_299 : vector<512x16xf32> -> vector<512x16xi32>
      %and3A_301 = arith.constant 2047 : i32
      %and3A_302 = vector.broadcast %and3A_301 : i32 to vector<512x16xi32>
      %and3A_303 = arith.andi %bitcast_convert_type3A_300, %and3A_302 : vector<512x16xi32>
      %ge3A = arith.constant 16 : i32
      %ge3A_304 = vector.broadcast %ge3A : i32 to vector<512x16xi32>
      %ge3A_305 = arith.cmpi sge, %and3A_303, %ge3A_304 : vector<512x16xi32>
      %mul3A_306 = arith.constant 1024 : i32
      %mul3A_307 = arith.muli %scan3A_53, %mul3A_306 : i32
      %sub3A_308 = arith.constant 16 : i32
      %sub3A_309 = vector.broadcast %sub3A_308 : i32 to vector<512x16xi32>
      %sub3A_310 = arith.subi %and3A_303, %sub3A_309 : vector<512x16xi32>
      %add3A_311 = vector.broadcast %mul3A_307 : i32 to vector<512x16xi32>
      %add3A_312 = arith.addi %add3A_311, %sub3A_310 : vector<512x16xi32>
      %jit3A_313 = arith.constant 0 : i32
      %broadcast_in_dim3A_314 = vector.broadcast %jit3A_313 : i32 to vector<512x16xi32>
      %select_n3A_315 = arith.select %ge3A_305, %add3A_312, %broadcast_in_dim3A_314 : vector<512x16xi1>, vector<512x16xi32>
      %eq3A_316 = arith.constant 0 : i32
      %eq3A_317 = vector.broadcast %eq3A_316 : i32 to vector<512x16xi32>
      %eq3A_318 = arith.cmpi eq, %and3A_303, %eq3A_317 : vector<512x16xi32>
      %slice3A_319 = vector.extract_strided_slice %scan3A_55 {offsets = [0, 0], sizes = [512, 1], strides = [1, 1]} : vector<512x16xi32> to vector<512x1xi32>
      %broadcast_in_dim3A_320 = vector.shape_cast %slice3A_319 : vector<512x1xi32> to vector<512x1xi32>
      %broadcast_in_dim3A_321 = vector.broadcast %broadcast_in_dim3A_320 : vector<512x1xi32> to vector<512x16xi32>
      %select_n3A_322 = arith.select %eq3A_318, %broadcast_in_dim3A_321, %select_n3A_315 : vector<512x16xi1>, vector<512x16xi32>
      %eq3A_323 = arith.constant 1 : i32
      %eq3A_324 = vector.broadcast %eq3A_323 : i32 to vector<512x16xi32>
      %eq3A_325 = arith.cmpi eq, %and3A_303, %eq3A_324 : vector<512x16xi32>
      %slice3A_326 = vector.extract_strided_slice %scan3A_55 {offsets = [0, 1], sizes = [512, 1], strides = [1, 1]} : vector<512x16xi32> to vector<512x1xi32>
      %broadcast_in_dim3A_327 = vector.shape_cast %slice3A_326 : vector<512x1xi32> to vector<512x1xi32>
      %broadcast_in_dim3A_328 = vector.broadcast %broadcast_in_dim3A_327 : vector<512x1xi32> to vector<512x16xi32>
      %select_n3A_329 = arith.select %eq3A_325, %broadcast_in_dim3A_328, %select_n3A_322 : vector<512x16xi1>, vector<512x16xi32>
      %eq3A_330 = arith.constant 2 : i32
      %eq3A_331 = vector.broadcast %eq3A_330 : i32 to vector<512x16xi32>
      %eq3A_332 = arith.cmpi eq, %and3A_303, %eq3A_331 : vector<512x16xi32>
      %slice3A_333 = vector.extract_strided_slice %scan3A_55 {offsets = [0, 2], sizes = [512, 1], strides = [1, 1]} : vector<512x16xi32> to vector<512x1xi32>
      %broadcast_in_dim3A_334 = vector.shape_cast %slice3A_333 : vector<512x1xi32> to vector<512x1xi32>
      %broadcast_in_dim3A_335 = vector.broadcast %broadcast_in_dim3A_334 : vector<512x1xi32> to vector<512x16xi32>
      %select_n3A_336 = arith.select %eq3A_332, %broadcast_in_dim3A_335, %select_n3A_329 : vector<512x16xi1>, vector<512x16xi32>
      %eq3A_337 = arith.constant 3 : i32
      %eq3A_338 = vector.broadcast %eq3A_337 : i32 to vector<512x16xi32>
      %eq3A_339 = arith.cmpi eq, %and3A_303, %eq3A_338 : vector<512x16xi32>
      %slice3A_340 = vector.extract_strided_slice %scan3A_55 {offsets = [0, 3], sizes = [512, 1], strides = [1, 1]} : vector<512x16xi32> to vector<512x1xi32>
      %broadcast_in_dim3A_341 = vector.shape_cast %slice3A_340 : vector<512x1xi32> to vector<512x1xi32>
      %broadcast_in_dim3A_342 = vector.broadcast %broadcast_in_dim3A_341 : vector<512x1xi32> to vector<512x16xi32>
      %select_n3A_343 = arith.select %eq3A_339, %broadcast_in_dim3A_342, %select_n3A_336 : vector<512x16xi1>, vector<512x16xi32>
      %eq3A_344 = arith.constant 4 : i32
      %eq3A_345 = vector.broadcast %eq3A_344 : i32 to vector<512x16xi32>
      %eq3A_346 = arith.cmpi eq, %and3A_303, %eq3A_345 : vector<512x16xi32>
      %slice3A_347 = vector.extract_strided_slice %scan3A_55 {offsets = [0, 4], sizes = [512, 1], strides = [1, 1]} : vector<512x16xi32> to vector<512x1xi32>
      %broadcast_in_dim3A_348 = vector.shape_cast %slice3A_347 : vector<512x1xi32> to vector<512x1xi32>
      %broadcast_in_dim3A_349 = vector.broadcast %broadcast_in_dim3A_348 : vector<512x1xi32> to vector<512x16xi32>
      %select_n3A_350 = arith.select %eq3A_346, %broadcast_in_dim3A_349, %select_n3A_343 : vector<512x16xi1>, vector<512x16xi32>
      %eq3A_351 = arith.constant 5 : i32
      %eq3A_352 = vector.broadcast %eq3A_351 : i32 to vector<512x16xi32>
      %eq3A_353 = arith.cmpi eq, %and3A_303, %eq3A_352 : vector<512x16xi32>
      %slice3A_354 = vector.extract_strided_slice %scan3A_55 {offsets = [0, 5], sizes = [512, 1], strides = [1, 1]} : vector<512x16xi32> to vector<512x1xi32>
      %broadcast_in_dim3A_355 = vector.shape_cast %slice3A_354 : vector<512x1xi32> to vector<512x1xi32>
      %broadcast_in_dim3A_356 = vector.broadcast %broadcast_in_dim3A_355 : vector<512x1xi32> to vector<512x16xi32>
      %select_n3A_357 = arith.select %eq3A_353, %broadcast_in_dim3A_356, %select_n3A_350 : vector<512x16xi1>, vector<512x16xi32>
      %eq3A_358 = arith.constant 6 : i32
      %eq3A_359 = vector.broadcast %eq3A_358 : i32 to vector<512x16xi32>
      %eq3A_360 = arith.cmpi eq, %and3A_303, %eq3A_359 : vector<512x16xi32>
      %slice3A_361 = vector.extract_strided_slice %scan3A_55 {offsets = [0, 6], sizes = [512, 1], strides = [1, 1]} : vector<512x16xi32> to vector<512x1xi32>
      %broadcast_in_dim3A_362 = vector.shape_cast %slice3A_361 : vector<512x1xi32> to vector<512x1xi32>
      %broadcast_in_dim3A_363 = vector.broadcast %broadcast_in_dim3A_362 : vector<512x1xi32> to vector<512x16xi32>
      %select_n3A_364 = arith.select %eq3A_360, %broadcast_in_dim3A_363, %select_n3A_357 : vector<512x16xi1>, vector<512x16xi32>
      %eq3A_365 = arith.constant 7 : i32
      %eq3A_366 = vector.broadcast %eq3A_365 : i32 to vector<512x16xi32>
      %eq3A_367 = arith.cmpi eq, %and3A_303, %eq3A_366 : vector<512x16xi32>
      %slice3A_368 = vector.extract_strided_slice %scan3A_55 {offsets = [0, 7], sizes = [512, 1], strides = [1, 1]} : vector<512x16xi32> to vector<512x1xi32>
      %broadcast_in_dim3A_369 = vector.shape_cast %slice3A_368 : vector<512x1xi32> to vector<512x1xi32>
      %broadcast_in_dim3A_370 = vector.broadcast %broadcast_in_dim3A_369 : vector<512x1xi32> to vector<512x16xi32>
      %select_n3A_371 = arith.select %eq3A_367, %broadcast_in_dim3A_370, %select_n3A_364 : vector<512x16xi1>, vector<512x16xi32>
      %eq3A_372 = arith.constant 8 : i32
      %eq3A_373 = vector.broadcast %eq3A_372 : i32 to vector<512x16xi32>
      %eq3A_374 = arith.cmpi eq, %and3A_303, %eq3A_373 : vector<512x16xi32>
      %slice3A_375 = vector.extract_strided_slice %scan3A_55 {offsets = [0, 8], sizes = [512, 1], strides = [1, 1]} : vector<512x16xi32> to vector<512x1xi32>
      %broadcast_in_dim3A_376 = vector.shape_cast %slice3A_375 : vector<512x1xi32> to vector<512x1xi32>
      %broadcast_in_dim3A_377 = vector.broadcast %broadcast_in_dim3A_376 : vector<512x1xi32> to vector<512x16xi32>
      %select_n3A_378 = arith.select %eq3A_374, %broadcast_in_dim3A_377, %select_n3A_371 : vector<512x16xi1>, vector<512x16xi32>
      %eq3A_379 = arith.constant 9 : i32
      %eq3A_380 = vector.broadcast %eq3A_379 : i32 to vector<512x16xi32>
      %eq3A_381 = arith.cmpi eq, %and3A_303, %eq3A_380 : vector<512x16xi32>
      %slice3A_382 = vector.extract_strided_slice %scan3A_55 {offsets = [0, 9], sizes = [512, 1], strides = [1, 1]} : vector<512x16xi32> to vector<512x1xi32>
      %broadcast_in_dim3A_383 = vector.shape_cast %slice3A_382 : vector<512x1xi32> to vector<512x1xi32>
      %broadcast_in_dim3A_384 = vector.broadcast %broadcast_in_dim3A_383 : vector<512x1xi32> to vector<512x16xi32>
      %select_n3A_385 = arith.select %eq3A_381, %broadcast_in_dim3A_384, %select_n3A_378 : vector<512x16xi1>, vector<512x16xi32>
      %eq3A_386 = arith.constant 10 : i32
      %eq3A_387 = vector.broadcast %eq3A_386 : i32 to vector<512x16xi32>
      %eq3A_388 = arith.cmpi eq, %and3A_303, %eq3A_387 : vector<512x16xi32>
      %slice3A_389 = vector.extract_strided_slice %scan3A_55 {offsets = [0, 10], sizes = [512, 1], strides = [1, 1]} : vector<512x16xi32> to vector<512x1xi32>
      %broadcast_in_dim3A_390 = vector.shape_cast %slice3A_389 : vector<512x1xi32> to vector<512x1xi32>
      %broadcast_in_dim3A_391 = vector.broadcast %broadcast_in_dim3A_390 : vector<512x1xi32> to vector<512x16xi32>
      %select_n3A_392 = arith.select %eq3A_388, %broadcast_in_dim3A_391, %select_n3A_385 : vector<512x16xi1>, vector<512x16xi32>
      scf.yield %select_n3A_299, %select_n3A_392, %add3A_77 : vector<512x16xf32>, vector<512x16xi32>, vector<512x1024xf32>
    }
    %scan3A_35 = arith.constant 8 : i32
    %bitcast_convert_type3A_36 = tpu.bitcast %scan3A_34#0 : vector<512x16xf32> -> vector<512x16xi32>
    %and3A = arith.constant -2048 : i32
    %and3A_37 = vector.broadcast %and3A : i32 to vector<512x16xi32>
    %and3A_38 = arith.andi %bitcast_convert_type3A_36, %and3A_37 : vector<512x16xi32>
    %bitcast_convert_type3A_39 = tpu.bitcast %and3A_38 : vector<512x16xi32> -> vector<512x16xf32>
    %sub3A_40 = arith.constant 1.000000e+00 : f32
    %sub3A_41 = vector.broadcast %sub3A_40 : f32 to vector<512x16xf32>
    %sub3A_42 = arith.subf %bitcast_convert_type3A_39, %sub3A_41 : vector<512x16xf32>
    %max3A = arith.constant 0.000000e+00 : f32
    %max3A_43 = vector.broadcast %max3A : f32 to vector<512x16xf32>
    %max3A_44 = arith.maximumf %sub3A_42, %max3A_43 : vector<512x16xf32>
    %sqrt3A = math.sqrt %max3A_44 : vector<512x16xf32>
    %lt3A = arith.constant 11 : i32
    %lt3A_45 = vector.broadcast %lt3A : i32 to vector<512x16xi32>
    %lt3A_46 = arith.cmpi slt, %iota3A, %lt3A_45 : vector<512x16xi32>
    %jit3A = arith.constant 0.000000e+00 : f32
    %broadcast_in_dim3A_47 = vector.broadcast %jit3A : f32 to vector<512x16xf32>
    %select_n3A = arith.select %lt3A_46, %sqrt3A, %broadcast_in_dim3A_47 : vector<512x16xi1>, vector<512x16xf32>
    %swap3A = arith.constant 0 : index
    %swap3A_48 = arith.constant 0 : index
    %swap3A_49 = vector.load %arg3[%swap3A, %swap3A_48] : memref<512x16xf32, #tpu.memory_space<vmem>>, vector<512x16xf32>
    tpu.vector_store %arg3[%swap3A, %swap3A_48], %select_n3A {strides = array<i32>} : memref<512x16xf32, #tpu.memory_space<vmem>>, vector<512x16xf32>,
    %swap3A_50 = arith.constant 0 : index
    %swap3A_51 = arith.constant 0 : index
    %swap3A_52 = vector.load %arg4[%swap3A_50, %swap3A_51] : memref<512x16xi32, #tpu.memory_space<vmem>>, vector<512x16xi32>
    tpu.vector_store %arg4[%swap3A_50, %swap3A_51], %scan3A_34#1 {strides = array<i32>} : memref<512x16xi32, #tpu.memory_space<vmem>>, vector<512x16xi32>,
    return
  }
  func.func @transform_0(%arg0: i32) -> (i32, i32) {
    %c0_i32 = arith.constant 0 : i32
    %c0_i32_0 = arith.constant 0 : i32
    return %arg0, %c0_i32 : i32, i32
  }
  func.func @transform_1(%arg0: i32) -> (i32, i32) {
    %c0_i32 = arith.constant 0 : i32
    %c0_i32_0 = arith.constant 0 : i32
    %c0_i32_1 = arith.constant 0 : i32
    return %c0_i32, %c0_i32_0 : i32, i32
  }
  func.func @transform_2(%arg0: i32) -> (i32, i32) {
    %c0_i32 = arith.constant 0 : i32
    %c0_i32_0 = arith.constant 0 : i32
    return %arg0, %c0_i32 : i32, i32
  }
  func.func @transform_3(%arg0: i32) -> (i32, i32) {
    %c0_i32 = arith.constant 0 : i32
    %c0_i32_0 = arith.constant 0 : i32
    return %arg0, %c0_i32 : i32, i32
  }
}

</mosaic_0001>

<sc_bundles>
// kernel: kernel.4.cloned.1.call-start
scs
__scs_entry_jumppad:
0x0: {  	(pc) =	sbr.rel $0x88, $3  }
0x1: {  	(tag) =	ssettag $0x0;
	lr =	simm.s32 $0x1  }
0x2: {  	[smem:$0x3F9C] =	sst lr;
	_ =	strace $0xD0000000  }
0x3: {  	_ = 	snop  }
0x4: {  	_ = 	snop  }
0x5: {  	_ = 	snop  }
0x6: {  	_ = 	snop  }
0x7: {  	_ = 	snop  }
__scs_overlays_trampoline_lowered:
0x8: {  	[smem:$0x3FAB] =	sst s0  }
0x9: {  	[smem:$0x3FAC] =	sst s1  }
0xa: {  	[smem:$0x3FAD] =	sst s2  }
0xb: {  	[smem:$0x3FAE] =	sst s3  }
0xc: {  	[smem:$0x3FAF] =	sst s4  }
0xd: {  	[smem:$0x3FB0] =	sst s5  }
0xe: {  	[smem:$0x3FB1] =	sst s6  }
0xf: {  	[smem:$0x3FB2] =	sst s7  }
0x10: {  	[smem:$0x3FB3] =	sst s8  }
0x11: {  	[smem:$0x3FB4] =	sst s9;
	s0 =	simm.s32 @!p0 $0x0  }
0x12: {  	s1 =	sld [smem:$0x3F9A];
	s0 =	simm.s32 @p0 $0x1  }
0x13: {  	[smem:$0x3FB5] =	sst s0;
	s0 =	simm.s32 @!p1 $0x0  }
0x14: {  	s2 =	sld [smem:$0x3F99];
	s0 =	simm.s32 @p1 $0x1  }
0x15: {  	[smem:$0x3FB6] =	sst s0;
	s0 =	simm.s32 @!p2 $0x0  }
0x16: {  	s3 =	sld [smem:$0x3FDB];
	s0 =	simm.s32 @p2 $0x1  }
0x17: {  	s4 =	simm.s32 $0x1BF5;
	[smem:$0x3FB8] =	sst s0  }
0x18: {  	s0 =	sld [smem:$0x3F9B];
	_ =	swait.ge [sflag:s4], $0x0  }
0x19: {  	s7 =	sld [smem:$0x3F9C]  }
0x1a: {  	s8 =	sadd.s32 $0xFFFFE003, lr  }
0x1b: {  	s9 =	sadd.s32 $0xFFFFFEF7, lr;
	s5 =	simm.s32 $0xFFFFFFFF;
	p2 =	slt.u32 s8, $0xFFFFF086  }
0x1c: {  	p1 =	slt.u32 s9, $0xF7A;
	s5 =	simm.s32 @!p2 $0x0  }
0x1d: {  	s5 =	simm.s32 @p1 $0x1;
	p0 =	seq.s32 s7, s2  }
0x1e: {  	s7 =	smul.u32 @!p0 $0xF7A, s2;
	p2 =	seq.s32 @!p0 s5, $0x0  }
0x1f: {  	s9 =	smul.u32 $0xF7A, s1;
	s8 =	simm.s32 @!p0 $0x1BF5;
	p2 =	por !p2, p0  }
0x20: {  	[sflag:s8] =	ssyncset.s32 @!p0 $0xFFFFF086;
	s6 =	sadd.s32 @!p0 s3, s7;
	s7 =	simm.s32 @!p0 $0x108  }
0x21: {  	s3 =	sadd.s32 s3, s9;
	s6 =	sadd.s32 @!p0 $0x88, s6;
	s7 =	simm.s32 @p2 $0x1082  }
0x22: {  	[simem:s7], [sflag:s8] =	dma.local @!p0 [hbm:s6], $0xF7A  }
0x23: {  	s9 =	sor.u32 $0xD0000000, s2;
	s6 =	simm.s32 $0x108;
	_ =	swait.ge @!p0 [sflag:s8], $0x0  }
0x24: {  	s3 =	sadd.s32 $0x88, s3;
	s6 =	simm.s32 @!p1 $0x1082;
	[sflag:s4] =	ssyncset.s32 $0xFFFFF086  }
0x25: {  	[simem:s6], [sflag:s4] =	dma.local [hbm:s3], $0xF7A  }
0x26: {  	[smem:$0x3F9C] =	sst s1;
	(tag) =	ssettag s2;
	_ =	strace s9  }
0x27: {  	s1 =	sld [smem:$0x3FAC]  }
0x28: {  	s2 =	sld [smem:$0x3FAD]  }
0x29: {  	s4 =	sld [smem:$0x3FAF]  }
0x2a: {  	p0 =	seq.s32 s5, $0x0;
	s5 =	sld [smem:$0x3FB0]  }
0x2b: {  	s6 =	sld [smem:$0x3FB1]  }
0x2c: {  	s7 =	sld [smem:$0x3FB2]  }
0x2d: {  	s3 =	simm.s32 $0x108;
	s8 =	sld [smem:$0x3FB3]  }
0x2e: {  	s3 =	simm.s32 @!p0 $0x1082;
	s9 =	sld [smem:$0x3FB4]  }
0x2f: {  	lr =	sadd.s32 s0, s3;
	s0 =	sld [smem:$0x3FAB]  }
0x30: {  	s3 =	sld [smem:$0x3FAE]  }
0x31: {  	[smem:$0x3FB7] =	sst s10  }
0x32: {  	s10 =	sld [smem:$0x3FB5];
	_ =	sdelay $0x3  }
0x33: {  	p0 =	seq.s32 s10, $0x1;
	s10 =	sld [smem:$0x3FB7];
	_ =	sdelay $0x3  }
0x34: {  	[smem:$0x3FB7] =	sst s10  }
0x35: {  	s10 =	sld [smem:$0x3FB6];
	_ =	sdelay $0x3  }
0x36: {  	p1 =	seq.s32 s10, $0x1;
	s10 =	sld [smem:$0x3FB7];
	_ =	sdelay $0x3  }
0x37: {  	[smem:$0x3FB7] =	sst s10  }
0x38: {  	s10 =	sld [smem:$0x3FB8]  }
0x39: {  	_ = 	snop;
	(pc) =	sbr.ind lr, $3  }
0x3a: {  	_ = 	snop  }
0x3b: {  	_ = 	snop  }
0x3c: {  	p2 =	seq.s32 s10, $0x1;
	s10 =	sld [smem:$0x3FB7]  }
0x3d: {  	_ =	shalt  }
0x3e: {  	_ =	shalt  }
0x3f: {  	_ =	shalt  }
0x40: {  	_ =	shalt  }
0x41: {  	_ =	shalt  }
0x42: {  	_ =	shalt  }
0x43: {  	_ =	shalt  }
0x44: {  	_ =	shalt  }
0x45: {  	_ =	shalt  }
0x46: {  	_ =	shalt  }
0x47: {  	_ =	shalt  }
0x48: {  	_ =	shalt  }
0x49: {  	_ =	shalt  }
0x4a: {  	_ =	shalt  }
0x4b: {  	_ =	shalt  }
0x4c: {  	_ =	shalt  }
0x4d: {  	_ =	shalt  }
0x4e: {  	_ =	shalt  }
0x4f: {  	_ =	shalt  }
0x50: {  	_ =	shalt  }
0x51: {  	_ =	shalt  }
0x52: {  	_ =	shalt  }
0x53: {  	_ =	shalt  }
0x54: {  	_ =	shalt  }
0x55: {  	_ =	shalt  }
0x56: {  	_ =	shalt  }
0x57: {  	_ =	shalt  }
0x58: {  	_ =	shalt  }
0x59: {  	_ =	shalt  }
0x5a: {  	_ =	shalt  }
0x5b: {  	_ =	shalt  }
0x5c: {  	_ =	shalt  }
0x5d: {  	_ =	shalt  }
0x5e: {  	_ =	shalt  }
0x5f: {  	_ =	shalt  }
0x60: {  	_ =	shalt  }
0x61: {  	_ =	shalt  }
0x62: {  	_ =	shalt  }
0x63: {  	_ =	shalt  }
0x64: {  	_ =	shalt  }
0x65: {  	_ =	shalt  }
0x66: {  	_ =	shalt  }
0x67: {  	_ =	shalt  }
0x68: {  	_ =	shalt  }
0x69: {  	_ =	shalt  }
0x6a: {  	_ =	shalt  }
0x6b: {  	_ =	shalt  }
0x6c: {  	_ =	shalt  }
0x6d: {  	_ =	shalt  }
0x6e: {  	_ =	shalt  }
0x6f: {  	_ =	shalt  }
0x70: {  	_ =	shalt  }
0x71: {  	_ =	shalt  }
0x72: {  	_ =	shalt  }
0x73: {  	_ =	shalt  }
0x74: {  	_ =	shalt  }
0x75: {  	_ =	shalt  }
0x76: {  	_ =	shalt  }
0x77: {  	_ =	shalt  }
0x78: {  	_ =	shalt  }
0x79: {  	_ =	shalt  }
0x7a: {  	_ =	shalt  }
0x7b: {  	_ =	shalt  }
0x7c: {  	_ =	shalt  }
0x7d: {  	_ =	shalt  }
0x7e: {  	_ =	shalt  }
0x7f: {  	_ =	shalt  }
0x80: {  	_ =	shalt  }
0x81: {  	_ =	shalt  }
0x82: {  	_ =	shalt  }
0x83: {  	_ =	shalt  }
0x84: {  	_ =	shalt  }
0x85: {  	_ =	shalt  }
0x86: {  	_ =	shalt  }
0x87: {  	_ =	shalt  }
.Lfunc_end0:
.L_simem_size_0:
called_computation_lowered:
.L_overlay_start_0:
0x88: {  	s2 =	sld [smem:$0x3FD9]  }
0x89: {  	s3 =	sld [smem:$0x3FFE];
	_ =	sdelay $0x1  }
0x8a: {  	s1 =	srdreg.scid  }
0x8b: {  	s0 =	sand.u32 $0x1, s1  }
0x8c: {  	s17 =	sshll.u32 s0, $0xA;
	s2 =	sadd.s32 s3, s2  }
0x8d: {  	s2 =	sadd.s32 s2, s17  }
0x8e: {  	[smem:$0x3FC3] =	sst s2  }
0x8f: {  	_ = 	snop  }
0x90: {  	s2 =	sld [smem:$0x3FC5];
	(tm) =	ssettm $0x1  }
0x91: {  	s18 =	sld [smem:$0x3FFB];
	_ =	sdelay $0x3  }
0x92: {  	_ =	strace s18  }
0x93: {  	s3 =	sld [smem:$0x3FFC];
	_ =	sdelay $0x3  }
0x94: {  	_ =	strace s3  }
0x95: {  	s3 =	sld [smem:$0x3FFD];
	_ =	sdelay $0x3  }
0x96: {  	_ =	strace s3  }
0x97: {  	_ =	strace $0x8FFFFFFF  }
0x98: {  	s19 =	sld [smem:$0x3FDB];
	_ =	sdelay $0x1  }
0x99: {  	s4 =	simm.s32 $_scs_section_size  }
0x9a: {  	s5 =	simm.s32 $_size__tile_overlayer_lowered;
	s6 =	simm.s32 $_tile_overlayer_lowered  }
0x9b: {  	s22 =	simm.s32 $0x1BFF;
	s21 =	sshll.u32 s6, $0x1;
	s3 =	sadd.s32 s4, s19  }
0x9c: {  	s7 =	simm.s32 $0x0;
	s20 =	sshll.u32 s5, $0x1;
	s5 =	sadd.s32 s21, s3  }
0x9d: {  	[timem:s7], [sflag:s22] =	dma.local [hbm:s5], s20  }
0x9e: {  	_ =	swait.ge [sflag:s22], s20  }
0x9f: {  	s4 =	ssub.s32 $0x0, s20;
	[sflag:s22] =	ssyncset.done $0x0  }
0xa0: {  	[sflag:s22] =	ssyncadd.s32 s4;
	_ =	sdelay $0x1  }
0xa1: {  	s23 =	simm.s32 $0x1B8B  }
0xa2: {  	_ =	swait.ge [sflag:s23], $0x1  }
0xa3: {  	[sflag:s23] =	ssyncset.done $0x0  }
0xa4: {  	s25 =	simm.s32 $0x1B8E;
	s24 =	sld [smem:$0x3FFE];
	[sflag:s23] =	ssyncadd.s32 $0xFFFFFFFF  }
0xa5: {  	s26 =	simm.s32 $execute0_lowered;
	[smem:$0x3FD2] =	sst s25  }
0xa6: {  	s5 =	sshll.u32 s26, $0x1;
	_ =	strace $0x80000046;
	[dreg:$0x1] =	wrdreg $0xFFFFFFFF  }
0xa7: {  	s28 =	simm.s32 $_size_execute0_lowered;
	s3 =	sadd.s32 s3, s5;
	[dreg:$0x0] =	wrdreg $0x0  }
0xa8: {  	s5 =	sshll.u32 s28, $0x1;
	[dreg:$0x2] =	wrdreg s3  }
0xa9: {  	[dreg:$0x3] =	wrdreg s5  }
0xaa: {  	[dreg:$0x4] =	wrdreg $0xC0  }
0xab: {  	_ =	task [dreg:s7], $0x5FFFF  }
0xac: {  	[dreg:$0x1] =	wrdreg $0xFFFFFFFF  }
0xad: {  	[dreg:$0x0] =	wrdreg $0x60  }
0xae: {  	[dreg:$0x2] =	wrdreg s24  }
0xaf: {  	[dreg:$0x3] =	wrdreg s2  }
0xb0: {  	[dreg:$0x4] =	wrdreg $0x9  }
0xb1: {  	_ =	task.clear_ibuf [dreg:s7], $0x5FFFF;
	_ =	strace $0x90000046  }
0xb2: {  	s29 =	simm.s32 $0x9;
	_ =	strace $0x80000048  }
0xb3: {  	_ =	swait.ge [sflag:s29], $0x1  }
0xb4: {  	[sflag:s29] =	ssyncadd.s32 $0xFFFFFFFF  }
0xb5: {  	_ =	strace $0x90000048  }
0xb6: {  	_ =	sfence  }
0xb7: {  	s30 =	sld [smem:$0x0];
	_ =	sdelay $0x2  }
0xb8: {  	s31 =	sshll.u32 s1, $0xD;
	s1 =	sshrl.u32 s1, $0x2  }
0xb9: {  	s3 =	sand.u32 $0x4000, s31;
	s1 =	sadd.s32 s1, s30  }
0xba: {  	s0 =	sor.u32 s3, s0;
	s1 =	sshll.u32 s1, $0x11  }
0xbb: {  	s0 =	sor.u32 s1, s0  }
0xbc: {  	s0 =	sadd.s32 $0x8F2B, s0  }
0xbd: {  	[sflag:s0] =	ssyncadd.remote.s32 $0x1  }
0xbe: {  	_ =	sfence.sel $0xFFFF  }
0xbf: {  	[dreg:$0x0] =	wrdreg $0xFFFFFFFF;
	(pc) =	sbr.abs _section_cstart, $3  }
0xc0: {  	[dreg:$0x1] =	wrdreg $0xFFFFFFFF  }
0xc1: {  	_ =	task.clear_ibuf [dreg:s7], $0x2FFFF;
	_ =	strace $0x9FFFFFFF  }
0xc2: {  	(tm) =	ssettm $0x7FFFFFFF  }
0xc3: {  	_ =	shalt  }
tec
execute0_lowered:
.L_overlay_start_1:
0x0: {  	(tag) =	ssettag $0x1  }
0x1: {  	s5 =	rddreg [dreg:$0x0];
	s0 =	srdreg.scid  }
0x2: {  	s2 =	rddreg [dreg:$0x1];
	s1 =	stileid.u32;
	s3 =	simm.s32 $0x0  }
0x3: {  	s11 =	simm.s32 $0x400;
	s12 =	simm.s32 $0x1;
	s13 =	simm.s32 $0x1000  }
0x4: {  	v56 =	vlaneseq.u32;
	s14 =	simm.s32 $0x2000;
	s15 =	simm.s32 $0x16000;
	s16 =	simm.s32 $0x17000  }
0x5: {  	s17 =	simm.s32 $0x0;
	s9 =	sand.u32 $0x1, s0;
	[smem:$0x7FF] =	sst s3;
	v1 =	vor.u32 $0x12000, v56  }
0x6: {  	s0 =	rddreg [dreg:$0x2];
	s4 =	sshll.u32 s1, $0x8;
	v2 =	vor.u32 $0x10000, v56;
	_ =	strace $0x80000047;
	[tilespmem:$0x1FF70] =	vst v1  }
0x7: {  	s7 =	sshrl.u32 s1, $0x2;
	s31 =	sshll.u32 s1, $0x9;
	v3 =	vor.u32 $0xE000, v56;
	s6 =	sshll.u32 s9, $0x7;
	[tilespmem:$0x1FF80] =	vst v2  }
0x8: {  	v4 =	vor.u32 $0xC000, v56;
	s29 =	sshll.u32 s7, $0xF;
	s7 =	sshll.u32 s7, $0xA;
	[tilespmem:$0x1FF90] =	vst v3;
	s4 =	sor.u32 s6, s4  }
0x9: {  	v6 =	vor.u32 $0x8000, v56;
	s30 =	ssub.s32 $0x2, s9;
	s9 =	sshll.u32 s9, $0x8;
	[tilespmem:$0x1FFA0] =	vst v4;
	s4 =	sand.u32 $0x380, s4  }
0xa: {  	v7 =	vor.u32 $0x4000, v56;
	[tilespmem:$0x1FFB0] =	vst v6;
	s10 =	sshrl.u32 s30, $0x1;
	s9 =	sor.u32 s9, s31;
	s6 =	sor.u32 s29, s4  }
0xb: {  	v8 =	vor.u32 $0x2000, v56;
	[tilespmem:$0x1FFC0] =	vst v7;
	s10 =	ssub.s32 s30, s10;
	s4 =	sor.u32 s7, s4;
	s6 =	sshrl.u32 s6, $0x3  }
0xc: {  	v9 =	vor.u32 $0x6000, v56;
	[tilespmem:$0x1FFD0] =	vst v8;
	s8 =	sshrl.u32 s4, $0x3;
	s4 =	sadd.s32 $0x8A00, s5;
	s6 =	sadd.s32 s6, s5  }
0xd: {  	v10 =	vor.u32 $0xA000, v56;
	[tilespmem:$0x1FFE0] =	vst v9;
	s8 =	sadd.s32 s8, s5;
	s5 =	sadd.s32 $0xA00, s6;
	s6 =	sadd.s32 $0x4A00, s6  }
0xe: {  	[tilespmem:$0x1FFF0] =	vst v10;
	s7 =	sadd.s32 $0xB200, s8;
	s8 =	smax.u32 s10, $0x1;
	s10 =	simm.s32 $0x80  }
.LBB2_1:
0xf: {  	[tilespmem:s3], [sflag:$0x1] =	stream.strided.gather [hbm4b:s5+s10], $0x1000, s11, s10, $0x38;
	[tilespmem:$0x17080] =	vst v63  }
0x10: {  	_ =	swait.ge [sflag:s12], $0x1000  }
0x11: {  	[sflag:s12] =	ssyncset.done $0x0  }
0x12: {  	[sflag:s12] =	ssyncadd.s32 $0xFFFFF000  }
0x13: {  	[tilespmem:s13], [sflag:$0x1] =	stream.strided.gather [hbm4b:s6+s10], $0x1000, s11, s10, $0x38;
	[tilespmem:$0x17080] =	vst v63  }
0x14: {  	_ =	swait.ge [sflag:s12], $0x1000  }
0x15: {  	[sflag:s12] =	ssyncset.done $0x0  }
0x16: {  	[sflag:s12] =	ssyncadd.s32 $0xFFFFF000  }
0x17: {  	[tilespmem:s14], [sflag:$0x1] =	stream.linear.gather [hbm4b:s4+s3], $0x14000, $0x38;
	[tilespmem:$0x17080] =	vst v63  }
0x18: {  	_ =	swait.ge [sflag:s12], $0x14000  }
0x19: {  	[sflag:s12] =	ssyncset.done $0x0  }
0x1a: {  	[sflag:s12] =	ssyncadd.s32 $0xFFFEC000  }
0x1b: {  	[tilespmem:s15], [sflag:$0x1] =	stream.linear.gather [hbm4b:s2+s3], $0x1000, $0x38;
	[tilespmem:$0x17080] =	vst v63  }
0x1c: {  	_ =	swait.ge [sflag:s12], $0x1000  }
0x1d: {  	v4 =	vor.u32 s9, v4;
	[sflag:s12] =	ssyncset.done $0x0  }
0x1e: {  	s18 =	simm.s32 $0xFFFFFF00;
	v6 =	vor.u32 s9, v6;
	[sflag:s12] =	ssyncadd.s32 $0xFFFFF000  }
0x1f: {  	v34 =	vld [tilespmem:s18+$0x1B00];
	_ =	sdelay $0x1  }
0x20: {  	v1 =	vor.u32 s9, v1;
	v24 =	vld [tilespmem:s18+$0x1A00]  }
0x21: {  	v15 =	vld.idx.msk [tilespmem:v4+s14+$0x0], $0xffff;
	v4 =	vor.u32 s9, v9  }
0x22: {  	v38 =	vld.idx.msk [tilespmem:v6+s14+$0x0], $0xffff;
	v6 =	vor.u32 s9, v8  }
0x23: {  	v12 =	vld [tilespmem:s18+$0x1700];
	v8 =	vadd.s32 $0x12000, v34;
	_ =	sdelay $0x1  }
0x24: {  	v28 =	vld.idx.msk [tilespmem:v1+s14+$0x0], $0xffff;
	v1 =	vor.u32 s9, v10  }
0x25: {  	v31 =	vld.idx.msk [tilespmem:v4+s14+$0x0], $0xffff  }
0x26: {  	v4 =	vadd.s32 $0x12000, v24;
	v6 =	vld.idx.msk [tilespmem:v6+s14+$0x0], $0xffff  }
0x27: {  	v40 =	vld.idx.msk [tilespmem:v8+s14+$0x0], $0xffff;
	v8 =	vadd.s32 $0xE000, v34;
	_ =	sdelay $0x1  }
0x28: {  	v17 =	vld.idx.msk [tilespmem:v1+s14+$0x0], $0xffff  }
0x29: {  	v25 =	vld.idx.msk [tilespmem:v12+s14+$0x0], $0xffff  }
0x2a: {  	[tilespmem:$0x1FD80] =	vst v6;
	v6 =	vadd.s32 $0x10000, v24;
	v32 =	vld.idx.msk [tilespmem:v4+s14+$0x0], $0xffff  }
0x2b: {  	v1 =	vmov v12;
	v12 =	vadd.s32 $0xE000, v24;
	v4 =	vld.idx.msk [tilespmem:v8+s14+$0x0], $0xffff;
	_ =	sdelay $0x3  }
0x2c: {  	v41 =	vld.idx.msk [tilespmem:v6+s14+$0x0], $0xffff  }
0x2d: {  	v6 =	vadd.s32 $0xC000, v34;
	[tilespmem:$0x1FAA0] =	vst v4;
	v4 =	vld.idx.msk [tilespmem:v12+s14+$0x0], $0xffff;
	_ =	sdelay $0x4  }
0x2e: {  	v12 =	vadd.s32 $0xC000, v24;
	[tilespmem:$0x1FAB0] =	vst v4;
	v4 =	vld.idx.msk [tilespmem:v6+s14+$0x0], $0xffff;
	_ =	sdelay $0x3  }
0x2f: {  	v5 =	vld [tilespmem:s18+$0x1900]  }
0x30: {  	v6 =	vadd.s32 $0xA000, v34;
	[tilespmem:$0x1FB40] =	vst v4;
	v4 =	vld.idx.msk [tilespmem:v12+s14+$0x0], $0xffff;
	_ =	sdelay $0x3  }
0x31: {  	v21 =	vld [tilespmem:s18+$0x1600];
	v8 =	vadd.s32 $0x12000, v1  }
0x32: {  	v12 =	vadd.s32 $0xC000, v5;
	[tilespmem:$0x1FB60] =	vst v4;
	v4 =	vld.idx.msk [tilespmem:v6+s14+$0x0], $0xffff;
	_ =	sdelay $0x3  }
0x33: {  	v52 =	vld.idx.msk [tilespmem:v8+s14+$0x0], $0xffff;
	v8 =	vadd.s32 $0x12000, v21  }
0x34: {  	v6 =	vadd.s32 $0xA000, v24;
	[tilespmem:$0x1FC20] =	vst v4;
	v4 =	vld.idx.msk [tilespmem:v12+s14+$0x0], $0xffff  }
0x35: {  	v14 =	vld [tilespmem:s18+$0x1800]  }
0x36: {  	v9 =	vadd.s32 $0x10000, v34  }
0x37: {  	v0 =	vld [tilespmem:s18+$0x1500]  }
0x38: {  	v53 =	vld.idx.msk [tilespmem:v8+s14+$0x0], $0xffff  }
0x39: {  	v8 =	vadd.s32 $0x8000, v34;
	[tilespmem:$0x1FB80] =	vst v4;
	v4 =	vld.idx.msk [tilespmem:v6+s14+$0x0], $0xffff  }
0x3a: {  	v10 =	vadd.s32 $0x12000, v14  }
0x3b: {  	v39 =	vld.idx.msk [tilespmem:v9+s14+$0x0], $0xffff;
	v9 =	vadd.s32 $0x10000, v5  }
0x3c: {  	v13 =	vadd.s32 $0x10000, v14  }
0x3d: {  	v18 =	vld [tilespmem:s18+$0x1400];
	v16 =	vadd.s32 $0x12000, v0  }
0x3e: {  	[tilespmem:$0x1FC40] =	vst v4;
	v4 =	vld.idx.msk [tilespmem:v8+s14+$0x0], $0xffff;
	v8 =	vadd.s32 $0xA000, v5  }
0x3f: {  	v50 =	vld.idx.msk [tilespmem:v10+s14+$0x0], $0xffff  }
0x40: {  	v10 =	vld.idx.msk [tilespmem:v9+s14+$0x0], $0xffff;
	v9 =	vadd.s32 $0xE000, v5  }
0x41: {  	v46 =	vld.idx.msk [tilespmem:v13+s14+$0x0], $0xffff;
	v13 =	vadd.s32 $0x10000, v1  }
0x42: {  	v54 =	vld.idx.msk [tilespmem:v16+s14+$0x0], $0xffff  }
0x43: {  	v16 =	vadd.s32 $0x8000, v24;
	[tilespmem:$0x1FD10] =	vst v4;
	v4 =	vld.idx.msk [tilespmem:v8+s14+$0x0], $0xffff  }
0x44: {  	v19 =	vld [tilespmem:s18+$0x1300]  }
0x45: {  	v51 =	vld.idx.msk [tilespmem:v9+s14+$0x0], $0xffff;
	v9 =	vadd.s32 $0xE000, v14  }
0x46: {  	v47 =	vld.idx.msk [tilespmem:v13+s14+$0x0], $0xffff;
	v13 =	vadd.s32 $0x10000, v21  }
0x47: {  	v26 =	vld [tilespmem:s18+$0x1200];
	v22 =	vadd.s32 $0x12000, v18  }
0x48: {  	v42 =	vadd.s32 $0xA000, v14;
	[tilespmem:$0x1FC60] =	vst v4;
	v4 =	vld.idx.msk [tilespmem:v16+s14+$0x0], $0xffff  }
0x49: {  	v2 =	vor.u32 s9, v2;
	v27 =	vld [tilespmem:s18+$0x1100]  }
0x4a: {  	v35 =	vld.idx.msk [tilespmem:v9+s14+$0x0], $0xffff;
	v12 =	vadd.s32 $0xE000, v1  }
0x4b: {  	v9 =	vld.idx.msk [tilespmem:v13+s14+$0x0], $0xffff;
	v13 =	vadd.s32 $0x6000, v34  }
0x4c: {  	v29 =	vadd.s32 $0x10000, v0;
	v58 =	vld.idx.msk [tilespmem:v22+s14+$0x0], $0xffff  }
0x4d: {  	v22 =	vadd.s32 $0x8000, v5;
	[tilespmem:$0x1FD30] =	vst v4;
	v4 =	vld.idx.msk [tilespmem:v42+s14+$0x0], $0xffff  }
0x4e: {  	v7 =	vor.u32 s9, v7;
	v11 =	vld.idx.msk [tilespmem:v2+s14+$0x0], $0xffff  }
0x4f: {  	v37 =	vld.idx.msk [tilespmem:v12+s14+$0x0], $0xffff  }
0x50: {  	v12 =	vmov v1;
	v16 =	vadd.s32 $0xC000, v1;
	v1 =	vld.idx.msk [tilespmem:v13+s14+$0x0], $0xffff  }
0x51: {  	v6 =	vadd.s32 $0xC000, v14;
	v13 =	vld.idx.msk [tilespmem:v29+s14+$0x0], $0xffff  }
0x52: {  	v29 =	vadd.s32 $0x6000, v24;
	[tilespmem:$0x1FC80] =	vst v4;
	v4 =	vld.idx.msk [tilespmem:v22+s14+$0x0], $0xffff  }
0x53: {  	v55 =	vld.idx.msk [tilespmem:v7+s14+$0x0], $0xffff  }
0x54: {  	v20 =	vld.idx.msk [tilespmem:v34+s14+$0x0], $0xffff  }
0x55: {  	v60 =	vld.idx.msk [tilespmem:v19+s14+$0x0], $0xffff  }
0x56: {  	v33 =	vld.idx.msk [tilespmem:v6+s14+$0x0], $0xffff;
	[tilespmem:$0x1FDD0] =	vst v1;
	v1 =	vor.u32 s9, v56  }
0x57: {  	v43 =	vadd.s32 $0x4000, v34;
	v49 =	vadd.s32 $0x12000, v19;
	v6 =	vmovc v19;
	v19 =	vmul.f32 v40, v28;
	[tilespmem:$0x1FD50] =	vst v4;
	v4 =	vld.idx.msk [tilespmem:v29+s14+$0x0], $0xffff  }
0x58: {  	v2 =	vld.idx.msk [tilespmem:v24+s14+$0x0], $0xffff  }
0x59: {  	v30 =	vld.idx.msk [tilespmem:v5+s14+$0x0], $0xffff;
	[tilespmem:$0x1F910] =	vst v19;
	v19 =	vmul.f32 v50, v28  }
0x5a: {  	v7 =	vadd.s32 $0x12000, v5;
	v36 =	vld.idx.msk [tilespmem:v21+s14+$0x0], $0xffff  }
0x5b: {  	[tilespmem:$0x1F940] =	vst v19;
	v8 =	vadd.s32 $0xE000, v21;
	v42 =	vld.idx.msk [tilespmem:v1+s14+$0x0], $0xffff  }
0x5c: {  	v19 =	vmul.f32 v52, v28;
	[tilespmem:$0x1FDE0] =	vst v4;
	v4 =	vld.idx.msk [tilespmem:v43+s14+$0x0], $0xffff  }
0x5d: {  	v56 =	vld.idx.msk [tilespmem:v18+s14+$0x0], $0xffff  }
0x5e: {  	v23 =	vld.idx.msk [tilespmem:v14+s14+$0x0], $0xffff;
	[tilespmem:$0x1F950] =	vst v19;
	v19 =	vmul.f32 v53, v28  }
0x5f: {  	v45 =	vld.idx.msk [tilespmem:v7+s14+$0x0], $0xffff  }
0x60: {  	[tilespmem:$0x1F960] =	vst v19;
	v44 =	vld.idx.msk [tilespmem:v8+s14+$0x0], $0xffff;
	v7 =	vmul.f32 v36, v42  }
0x61: {  	v29 =	vmul.f32 v20, v42;
	v43 =	vld.idx.msk [tilespmem:v0+s14+$0x0], $0xffff;
	[tilespmem:$0x1FE40] =	vst v4;
	v4 =	vmov v1;
	v1 =	vmul.f32 v2, v42  }
0x62: {  	v57 =	vand.u32 $0xFFF, v24;
	v20 =	vld.idx.msk [tilespmem:v27+s14+$0x0], $0xffff;
	v8 =	vmul.f32 v56, v42;
	[tilespmem:$0x1FE00] =	vst v7;
	v7 =	vmul.f32 v25, v42  }
0x63: {  	v61 =	vand.u32 $0xFFF, v5;
	v62 =	vld.idx.msk [tilespmem:v26+s14+$0x0], $0xffff;
	[tilespmem:$0x1FDA0] =	vst v1;
	v1 =	vmul.f32 v23, v42  }
0x64: {  	v59 =	vld.idx.msk [tilespmem:v49+s14+$0x0], $0xffff;
	v49 =	vand.u32 $0xFFF, v34;
	[tilespmem:$0x1FE20] =	vst v8  }
0x65: {  	v63 =	vand.u32 $0xFFF, v14;
	[tilespmem:$0x1FDC0] =	vst v1;
	v1 =	vmul.f32 v30, v42  }
0x66: {  	v48 =	vld.idx.msk [tilespmem:v16+s14+$0x0], $0xffff;
	[tilespmem:$0x1FDB0] =	vst v7;
	v7 =	vmov v0;
	v0 =	vand.u32 $0xFFF, v0;
	v8 =	vmul.f32 v43, v42  }
0x67: {  	v19 =	vmul.f32 v54, v28;
	v36 =	vld.idx.msk [tilespmem:v57+s15+$0x0], $0xffff;
	v16 =	vmul.f32 v20, v42;
	[tilespmem:$0x1FD90] =	vst v1;
	v1 =	vand.u32 $0xFFF, v21  }
0x68: {  	v2 =	vand.u32 $0xFFF, v12;
	v43 =	vand.u32 $0xFFF, v18;
	[tilespmem:$0x1FDF0] =	vst v8;
	v23 =	vld.idx.msk [tilespmem:v61+s15+$0x0], $0xffff;
	v8 =	vmul.f32 v62, v42  }
0x69: {  	v20 =	vand.u32 $0xFFF, v4;
	vm2 =	vne.s32 v34, v4;
	v62 =	vadd.s32 $0x10000, v18;
	v30 =	vld.idx.msk [tilespmem:v49+s15+$0x0], $0xffff  }
0x6a: {  	vm7 =	vne.s32 v20, v57;
	v57 =	vadd.s32 $0x12000, v26;
	[tilespmem:$0x1FEA0] =	vst v8;
	v8 =	vmul.f32 v60, v42;
	v60 =	vld.idx.msk [tilespmem:v63+s15+$0x0], $0xffff  }
0x6b: {  	vm10 =	vne.s32 v20, v49;
	vm9 =	vne.s32 v20, v61;
	v61 =	vadd.s32 $0x12000, v27;
	v49 =	vld.idx.msk [tilespmem:v0+s15+$0x0], $0xffff  }
0x6c: {  	[tilespmem:$0x1FE30] =	vst v16;
	v16 =	vmovc v7;
	v42 =	vadd.s32 $0xE000, v7;
	vm0 =	vne.s32 v20, v1;
	v7 =	vld.idx.msk [tilespmem:v1+s15+$0x0], $0xffff;
	v1 =	vimm.s32 $0x0  }
0x6d: {  	[tilespmem:$0x1F970] =	vst v19;
	v56 =	vld.idx.msk [tilespmem:v2+s15+$0x0], $0xffff;
	v1 =	vsel vm2, $0xFFFFFFFF, v1  }
0x6e: {  	v19 =	vmul.f32 v58, v28;
	v58 =	vadd.s32 $0x10000, v6;
	vm5 =	vne.s32 v20, v2;
	[tilespmem:$0x1F900] =	vst v1;
	v1 =	vld.idx.msk [tilespmem:v62+s14+$0x0], $0xffff  }
0x6f: {  	vm4 =	vne.s32 v20, v0;
	vm3 =	vne.s32 v20, v43;
	v2 =	vadd.s32 $0xC000, v21;
	v62 =	vld.idx.msk [tilespmem:v57+s14+$0x0], $0xffff  }
0x70: {  	v0 =	vld.idx.msk [tilespmem:v43+s15+$0x0], $0xffff;
	v43 =	vadd.s32 $0x2000, v34;
	v34 =	vadd.s32 $0xA000, v12;
	[tilespmem:$0x1FE10] =	vst v8;
	v8 =	vmovc v18;
	v18 =	vmul.f32 v32, v28  }
0x71: {  	v52 =	vadd.s32 $0x6000, v5;
	[tilespmem:$0x1F980] =	vst v19;
	v19 =	vmul.f32 v59, v28;
	v61 =	vld.idx.msk [tilespmem:v61+s14+$0x0], $0xffff  }
0x72: {  	v40 =	vld.idx.msk [tilespmem:v20+s15+$0x0], $0xffff;
	v32 =	vand.u32 $0xFFF, v6;
	[tilespmem:$0x1F920] =	vst v18;
	v18 =	vmul.f32 v45, v28  }
0x73: {  	v50 =	vand.u32 $0xFFF, v26;
	[tilespmem:$0x1F990] =	vst v19;
	vm1 =	vne.s32 v20, v63;
	v59 =	vadd.s32 $0xE000, v8;
	v45 =	vld.idx.msk [tilespmem:v58+s14+$0x0], $0xffff  }
0x74: {  	[tilespmem:$0x1F930] =	vst v18;
	v18 =	vadd.s32 $0x8000, v14;
	v57 =	vld.idx.msk [tilespmem:v2+s14+$0x0], $0xffff;
	v2 =	vand.u32 $0xFFF, v27;
	v19 =	vmul.f32 v62, v28  }
0x75: {  	vm14 =	vne.s32 v20, v50;
	vm15 =	vne.s32 v20, v32;
	vm6 =	vne.s32 v20, v2;
	v20 =	vld.idx.msk [tilespmem:v34+s14+$0x0], $0xffff  }
0x76: {  	vm11 =	vne.s32 v36, $0xFFFFFFFF;
	[tilespmem:$0x1F9A0] =	vst v19;
	v19 =	vmul.f32 v61, v28;
	v28 =	vld.idx.msk [tilespmem:v52+s14+$0x0], $0xffff  }
0x77: {  	v25 =	vmovc v4;
	v4 =	vmovc v6;
	v6 =	vimm.s32 $0x0;
	vm8 =	veq.s32 v40, v30;
	v52 =	vld.idx.msk [tilespmem:v32+s15+$0x0], $0xffff;
	v32 =	vadd.s32 $0xC000, v16  }
0x78: {  	v6 =	vsel vm8, $0xFFFFFFFF, v6;
	vm8 =	veq.s32 v40, v36;
	v34 =	vadd.s32 $0xA000, v21;
	v36 =	vld.idx.msk [tilespmem:v59+s14+$0x0], $0xffff  }
0x79: {  	v54 =	vadd.s32 $0x10000, v26;
	v22 =	vld.idx.msk [tilespmem:v18+s14+$0x0], $0xffff  }
0x7a: {  	vm11 =	vmand vm7, vm11;
	v63 =	vadd.s32 $0x4000, v24;
	vm7 =	vne.s32 v60, $0xFFFFFFFF;
	[tilespmem:$0x1F9B0] =	vst v19;
	v19 =	vld.idx.msk [tilespmem:v2+s15+$0x0], $0xffff  }
0x7b: {  	v13 =	vmul.f32 v13, v11;
	vm1 =	vmand vm1, vm7;
	vm2 =	vne.s32 v30, $0xFFFFFFFF;
	v18 =	vld.idx.msk [tilespmem:v43+s14+$0x0], $0xffff  }
0x7c: {  	vm2 =	vmand vm10, vm2;
	vm10 =	vne.s32 v23, $0xFFFFFFFF;
	v43 =	vld.idx.msk [tilespmem:v32+s14+$0x0], $0xffff;
	v32 =	vadd.s32 $0x10000, v27  }
0x7d: {  	vm9 =	vmand vm9, vm10;
	vm10 =	vne.s32 v56, $0xFFFFFFFF;
	v59 =	vld.idx.msk [tilespmem:v34+s14+$0x0], $0xffff;
	v34 =	vadd.s32 $0x4000, v5  }
0x7e: {  	v54 =	vld.idx.msk [tilespmem:v54+s14+$0x0], $0xffff;
	vm7 =	vne.s32 v49, $0xFFFFFFFF;
	vm10 =	vmand vm5, vm10;
	vm5 =	vne.s32 v7, $0xFFFFFFFF  }
0x7f: {  	[tilespmem:$0x1FA80] =	vst v6;
	v6 =	vld.idx.msk [tilespmem:v63+s14+$0x0], $0xffff;
	vm12 =	vmand vm0, vm5;
	vm0 =	vmand vm4, vm7;
	vm7 =	vne.s32 v19, $0xFFFFFFFF  }
0x80: {  	v63 =	vld.idx.msk [tilespmem:v50+s15+$0x0], $0xffff;
	vm6 =	vmand vm6, vm7;
	vm7 =	veq.s32 v40, v23;
	v23 =	vmul.f32 v41, v11  }
0x81: {  	v10 =	vmul.f32 v10, v11;
	[tilespmem:$0x1FA10] =	vst v13;
	v41 =	vld.idx.msk [tilespmem:v32+s14+$0x0], $0xffff  }
0x82: {  	v13 =	vmul.f32 v45, v11;
	[tilespmem:$0x1F9C0] =	vst v23;
	v23 =	vld.idx.msk [tilespmem:v34+s14+$0x0], $0xffff  }
0x83: {  	v3 =	vor.u32 s9, v3;
	[tilespmem:$0x1F9D0] =	vst v10;
	v10 =	vmul.f32 v46, v11  }
0x84: {  	v9 =	vmul.f32 v9, v11;
	vm4 =	vne.s32 v0, $0xFFFFFFFF;
	[tilespmem:$0x1FA30] =	vst v13;
	v13 =	vmul.f32 v54, v11  }
0x85: {  	vm3 =	vmand vm3, vm4;
	v62 =	vmul.f32 v39, v11;
	vm5 =	vne.s32 v52, $0xFFFFFFFF  }
0x86: {  	v1 =	vmul.f32 v1, v11;
	v2 =	vadd.s32 $0x6000, v14;
	vm13 =	vmand vm15, vm5  }
0x87: {  	vm5 =	vne.s32 v63, $0xFFFFFFFF;
	[tilespmem:$0x1FE60] =	vst v23;
	v23 =	vmul.f32 v47, v11;
	v11 =	vmul.f32 v41, v11  }
0x88: {  	vm4 =	vne.s32 v24, v25;
	v24 =	vadd.s32 $0x2000, v24;
	vm5 =	vmand vm14, vm5  }
0x89: {  	vm14 =	vmand vm9, vm7;
	vm7 =	vmand vm11, vm8;
	[tilespmem:$0x1FA50] =	vst v11;
	v11 =	vimm.s32 $0x0  }
0x8a: {  	v3 =	vld.idx.msk [tilespmem:v3+s14+$0x0], $0xffff;
	[tilespmem:$0x1F9F0] =	vst v23;
	v23 =	vimm.s32 $0x0;
	v11 =	vsel vm7, $0xFFFFFFFF, v11;
	vm7 =	vne.s32 v5, v25  }
0x8b: {  	[tilespmem:$0x1FA00] =	vst v9;
	v9 =	vadd.s32 $0x6000, v12;
	v23 =	vsel vm7, $0xFFFFFFFF, v23;
	vm7 =	veq.s32 v40, v7;
	v7 =	vld [tilespmem:$0x1FA80]  }
0x8c: {  	v53 =	vld.idx.msk [tilespmem:v2+s14+$0x0], $0xffff;
	v2 =	vadd.s32 $0xE000, v4  }
0x8d: {  	[tilespmem:$0x1FA70] =	vst v23;
	v23 =	vld [tilespmem:$0x1FAA0]  }
0x8e: {  	v42 =	vld.idx.msk [tilespmem:v42+s14+$0x0], $0xffff;
	[tilespmem:$0x1FA40] =	vst v13;
	v13 =	vadd.s32 $0xE000, v26  }
0x8f: {  	[tilespmem:$0x1F9E0] =	vst v10;
	v10 =	vld.idx.msk [tilespmem:v24+s14+$0x0], $0xffff;
	v24 =	vadd.s32 $0xE000, v27  }
0x90: {  	v61 =	vld.idx.msk [tilespmem:v9+s14+$0x0], $0xffff;
	v5 =	vadd.s32 $0x2000, v5;
	vm8 =	vnez.u8 v7  }
0x91: {  	v9 =	vimm.s32 $0x0;
	v2 =	vld.idx.msk [tilespmem:v2+s14+$0x0], $0xffff;
	vm15 =	vmand vm2, vm8;
	vm2 =	vmand vm12, vm7  }
0x92: {  	v47 =	vmul.f32 v23, v3;
	v23 =	vld [tilespmem:$0x1FAB0];
	v9 =	vsel vm2, $0xFFFFFFFF, v9  }
0x93: {  	[tilespmem:$0x1FA90] =	vst v9;
	v9 =	vld.idx.msk [tilespmem:v13+s14+$0x0], $0xffff  }
0x94: {  	v24 =	vld.idx.msk [tilespmem:v24+s14+$0x0], $0xffff;
	v7 =	vadd.s32 $0xC000, v4  }
0x95: {  	v30 =	vld.idx.msk [tilespmem:v5+s14+$0x0], $0xffff;
	v5 =	vmul.f32 v35, v3;
	v13 =	vadd.s32 $0x8000, v16  }
0x96: {  	v2 =	vmul.f32 v2, v3  }
0x97: {  	[tilespmem:$0x1FAC0] =	vst v5;
	v5 =	vadd.s32 $0xC000, v27;
	v54 =	vmul.f32 v23, v3;
	v23 =	vmul.f32 v37, v3  }
0x98: {  	v44 =	vmul.f32 v44, v3;
	vm9 =	veq.s32 v40, v56;
	[tilespmem:$0x1FB10] =	vst v2;
	v2 =	vmul.f32 v9, v3  }
0x99: {  	v56 =	vmul.f32 v51, v3;
	v7 =	vld.idx.msk [tilespmem:v7+s14+$0x0], $0xffff;
	[tilespmem:$0x1FAD0] =	vst v23;
	v23 =	vmul.f32 v42, v3  }
0x9a: {  	v42 =	vld.idx.msk [tilespmem:v13+s14+$0x0], $0xffff;
	v13 =	vmul.f32 v36, v3;
	[tilespmem:$0x1FB20] =	vst v2;
	v2 =	vmul.f32 v24, v3;
	v3 =	vadd.s32 $0xA000, v4;
	_ =	sdelay $0x1  }
0x9b: {  	v5 =	vld.idx.msk [tilespmem:v5+s14+$0x0], $0xffff;
	_ =	sdelay $0x2  }
0x9c: {  	v58 =	vld.idx.msk [tilespmem:v3+s14+$0x0], $0xffff;
	v3 =	vmul.f32 v7, v15;
	_ =	sdelay $0x1  }
0x9d: {  	[tilespmem:$0x1FBF0] =	vst v3;
	v3 =	vmul.f32 v5, v15;
	_ =	sdelay $0x1  }
0x9e: {  	[tilespmem:$0x1FC10] =	vst v3;
	v3 =	vld [tilespmem:$0x1FC20]  }
0x9f: {  	v9 =	vld [tilespmem:$0x1FB40];
	_ =	sdelay $0x2  }
0xa0: {  	[tilespmem:$0x1FEC0] =	vst v25;
	v34 =	vadd.s32 $0x8000, v21  }
0xa1: {  	[tilespmem:$0x1FA20] =	vst v1;
	v1 =	vadd.s32 $0x4000, v14;
	v3 =	vmul.f32 v3, v17  }
0xa2: {  	[tilespmem:$0x1FA60] =	vst v11;
	v9 =	vmul.f32 v9, v15  }
0xa3: {  	v11 =	vmov v25;
	v25 =	vadd.s32 $0xC000, v26;
	[tilespmem:$0x1FC30] =	vst v3;
	v3 =	vld [tilespmem:$0x1FC40]  }
0xa4: {  	[tilespmem:$0x1FB50] =	vst v9;
	v9 =	vld [tilespmem:$0x1FB60]  }
0xa5: {  	v45 =	vld.idx.msk [tilespmem:v34+s14+$0x0], $0xffff;
	vm7 =	vne.s32 v14, v11;
	v11 =	vimm.s32 $0x0  }
0xa6: {  	v34 =	vld.idx.msk [tilespmem:v1+s14+$0x0], $0xffff;
	v11 =	vsel vm7, $0xFFFFFFFF, v11  }
0xa7: {  	v1 =	vadd.s32 $0xA000, v8;
	[tilespmem:$0x1FAF0] =	vst v11;
	v11 =	vld [tilespmem:$0x1FB80]  }
0xa8: {  	[tilespmem:$0x1FB30] =	vst v2;
	v2 =	vld.idx.msk [tilespmem:v25+s14+$0x0], $0xffff;
	v3 =	vmul.f32 v3, v17  }
0xa9: {  	[tilespmem:$0x1FE50] =	vst v6;
	v9 =	vmul.f32 v9, v15  }
0xaa: {  	v6 =	vadd.s32 $0xC000, v8;
	[tilespmem:$0x1FC50] =	vst v3;
	v3 =	vld [tilespmem:$0x1FC60]  }
0xab: {  	[tilespmem:$0x1FB70] =	vst v9;
	v9 =	vadd.s32 $0xA000, v26  }
0xac: {  	v1 =	vld.idx.msk [tilespmem:v1+s14+$0x0], $0xffff;
	[tilespmem:$0x1FB00] =	vst v13;
	v13 =	vmul.f32 v11, v15  }
0xad: {  	v32 =	vadd.s32 $0xA000, v16;
	v2 =	vmul.f32 v2, v15  }
0xae: {  	v24 =	vadd.s32 $0xA000, v27;
	[tilespmem:$0x1FB90] =	vst v13;
	v13 =	vmul.f32 v33, v15  }
0xaf: {  	v6 =	vld.idx.msk [tilespmem:v6+s14+$0x0], $0xffff;
	[tilespmem:$0x1FC00] =	vst v2;
	v2 =	vadd.s32 $0x4000, v21;
	v3 =	vmul.f32 v3, v17  }
0xb0: {  	[tilespmem:$0x1FBA0] =	vst v13;
	v13 =	vmul.f32 v48, v15;
	v7 =	vld.idx.msk [tilespmem:v9+s14+$0x0], $0xffff  }
0xb1: {  	v1 =	vmul.f32 v1, v17;
	[tilespmem:$0x1FC70] =	vst v3;
	v3 =	vld [tilespmem:$0x1FC80]  }
0xb2: {  	v41 =	vld.idx.msk [tilespmem:v32+s14+$0x0], $0xffff;
	[tilespmem:$0x1FBB0] =	vst v13;
	v13 =	vmul.f32 v57, v15  }
0xb3: {  	[tilespmem:$0x1FCD0] =	vst v1;
	v24 =	vld.idx.msk [tilespmem:v24+s14+$0x0], $0xffff;
	v1 =	vmul.f32 v58, v17  }
0xb4: {  	[tilespmem:$0x1FBC0] =	vst v13;
	v37 =	vld.idx.msk [tilespmem:v2+s14+$0x0], $0xffff;
	v2 =	vmul.f32 v59, v17  }
0xb5: {  	[tilespmem:$0x1FCE0] =	vst v1;
	v1 =	vmul.f32 v7, v17  }
0xb6: {  	v51 =	vadd.s32 $0x4000, v12;
	v13 =	vmul.f32 v43, v15;
	[tilespmem:$0x1FCB0] =	vst v2;
	v3 =	vmul.f32 v3, v17  }
0xb7: {  	v46 =	vadd.s32 $0x6000, v21;
	v6 =	vmul.f32 v6, v15;
	v2 =	vmul.f32 v41, v17;
	[tilespmem:$0x1FCF0] =	vst v1  }
0xb8: {  	v1 =	vmul.f32 v24, v17;
	[tilespmem:$0x1FC90] =	vst v3;
	v3 =	vmul.f32 v20, v17;
	v17 =	vadd.s32 $0x6000, v4  }
0xb9: {  	[tilespmem:$0x1FBE0] =	vst v6;
	v6 =	vadd.s32 $0x6000, v16;
	vm2 =	veq.s32 v40, v60;
	v57 =	vadd.s32 $0x8000, v8  }
0xba: {  	vm11 =	vmand vm1, vm2;
	vm1 =	veq.s32 v40, v49;
	[tilespmem:$0x1FBD0] =	vst v13;
	v13 =	vmovc v16;
	v16 =	vadd.s32 $0x4000, v16  }
0xbb: {  	v39 =	vld.idx.msk [tilespmem:v51+s14+$0x0], $0xffff;
	vm12 =	vmand vm0, vm1;
	vm0 =	veq.s32 v40, v0;
	v0 =	vadd.s32 $0x8000, v27  }
0xbc: {  	v60 =	vld.idx.msk [tilespmem:v46+s14+$0x0], $0xffff  }
0xbd: {  	v49 =	vld.idx.msk [tilespmem:v17+s14+$0x0], $0xffff;
	v17 =	vadd.s32 $0x4000, v4  }
0xbe: {  	[tilespmem:$0x1FED0] =	vst v12;
	v50 =	vadd.s32 $0x8000, v12;
	v9 =	vadd.s32 $0x2000, v12;
	v12 =	vld.idx.msk [tilespmem:v57+s14+$0x0], $0xffff  }
0xbf: {  	v51 =	vadd.s32 $0x8000, v26;
	v57 =	vld.idx.msk [tilespmem:v16+s14+$0x0], $0xffff  }
0xc0: {  	v46 =	vadd.s32 $0x6000, v8;
	v11 =	vmovc v8;
	v16 =	vadd.s32 $0x4000, v8;
	v8 =	vld.idx.msk [tilespmem:v0+s14+$0x0], $0xffff;
	v0 =	vmul.f32 v22, v38  }
0xc1: {  	v24 =	vadd.s32 $0x2000, v13  }
0xc2: {  	[tilespmem:$0x1FD70] =	vst v0;
	v0 =	vld.idx.msk [tilespmem:v17+s14+$0x0], $0xffff;
	_ =	sdelay $0x2  }
0xc3: {  	v33 =	vld.idx.msk [tilespmem:v51+s14+$0x0], $0xffff  }
0xc4: {  	vm8 =	vmand vm3, vm0;
	vm0 =	veq.s32 v40, v52;
	v52 =	vld.idx.msk [tilespmem:v24+s14+$0x0], $0xffff;
	v24 =	vadd.s32 $0x6000, v27  }
0xc5: {  	v51 =	vmul.f32 v12, v38;
	v12 =	vadd.s32 $0x4000, v26;
	[tilespmem:$0x1FE70] =	vst v0;
	v0 =	vld [tilespmem:$0x1FD90];
	_ =	sdelay $0x2  }
0xc6: {  	vm10 =	vmand vm10, vm9;
	vm3 =	vmand vm13, vm0;
	vm0 =	veq.s32 v40, v63;
	[tilespmem:$0x1FD00] =	vst v1;
	v1 =	vld [tilespmem:$0x1FD10]  }
0xc7: {  	vm9 =	vne.s32 v40, $0xFFFFFFFF;
	vm5 =	vmand vm5, vm0;
	vm0 =	veq.s32 v40, v19;
	v40 =	vld.idx.msk [tilespmem:v24+s14+$0x0], $0xffff  }
0xc8: {  	v24 =	vadd.f32 $0.0e+00, v0;
	v0 =	vld.idx.msk [tilespmem:v12+s14+$0x0], $0xffff;
	_ =	sdelay $0x1  }
0xc9: {  	v43 =	vadd.s32 $0x8000, v4  }
0xca: {  	[tilespmem:$0x1FCC0] =	vst v2;
	v2 =	vmul.f32 v1, v38;
	v1 =	vld [tilespmem:$0x1FD30];
	_ =	sdelay $0x1  }
0xcb: {  	[tilespmem:$0x1FE80] =	vst v0;
	v0 =	vld [tilespmem:$0x1FDA0];
	_ =	sdelay $0x1  }
0xcc: {  	v7 =	vld.idx.msk [tilespmem:v43+s14+$0x0], $0xffff  }
0xcd: {  	[tilespmem:$0x1FD20] =	vst v2;
	v2 =	vmul.f32 v1, v38;
	v1 =	vld [tilespmem:$0x1FD50]  }
0xce: {  	v14 =	vadd.s32 $0x2000, v14;
	[tilespmem:$0x1FCA0] =	vst v3;
	v3 =	vmov v13;
	v13 =	vld [tilespmem:$0x1FD80]  }
0xcf: {  	v22 =	vadd.f32 $0.0e+00, v0;
	v0 =	vld [tilespmem:$0x1FDB0]  }
0xd0: {  	v50 =	vld.idx.msk [tilespmem:v50+s14+$0x0], $0xffff  }
0xd1: {  	v48 =	vld.idx.msk [tilespmem:v9+s14+$0x0], $0xffff  }
0xd2: {  	v9 =	vmovc v4;
	v63 =	vmul.f32 v8, v38;
	v8 =	vadd.s32 $0x4000, v27;
	[tilespmem:$0x1FD40] =	vst v2;
	v2 =	vmul.f32 v1, v38  }
0xd3: {  	v14 =	vld.idx.msk [tilespmem:v14+s14+$0x0], $0xffff;
	v1 =	vmul.f32 v7, v38;
	v7 =	vadd.f32 $0.0e+00, v29;
	v17 =	vadd.s32 $0x2000, v9  }
0xd4: {  	[tilespmem:$0x1FF30] =	vst v4;
	v15 =	vmovc v27;
	v29 =	vadd.s32 $0x2000, v27;
	v4 =	vmul.f32 v18, v13;
	v27 =	vadd.f32 $0.0e+00, v0;
	v0 =	vld [tilespmem:$0x1FDC0]  }
0xd5: {  	v45 =	vmul.f32 v45, v38  }
0xd6: {  	v32 =	vld.idx.msk [tilespmem:v46+s14+$0x0], $0xffff;
	v46 =	vadd.f32 v4, v7;
	v4 =	vmul.f32 v10, v13;
	v10 =	vmul.f32 v30, v13  }
0xd7: {  	[tilespmem:$0x1FEF0] =	vst v21;
	v43 =	vmul.f32 v50, v38;
	v20 =	vadd.s32 $0x2000, v21;
	v21 =	vmul.f32 v33, v38  }
0xd8: {  	v18 =	vmul.f32 v42, v38;
	v38 =	vadd.f32 v10, v24;
	v10 =	vmul.f32 v14, v13;
	v14 =	vld.idx.msk [tilespmem:v17+s14+$0x0], $0xffff  }
0xd9: {  	v17 =	vadd.f32 $0.0e+00, v0;
	v0 =	vld.idx.msk [tilespmem:v8+s14+$0x0], $0xffff;
	_ =	sdelay $0x2  }
0xda: {  	v36 =	vadd.s32 $0x2000, v11;
	_ =	sdelay $0x1  }
0xdb: {  	[tilespmem:$0x1FE90] =	vst v0;
	v0 =	vld [tilespmem:$0x1FDD0]  }
0xdc: {  	[tilespmem:$0x1FAE0] =	vst v23;
	v23 =	vld.idx.msk [tilespmem:v6+s14+$0x0], $0xffff  }
0xdd: {  	v6 =	vld.idx.msk [tilespmem:v20+s14+$0x0], $0xffff  }
0xde: {  	v7 =	vld.idx.msk [tilespmem:v36+s14+$0x0], $0xffff  }
0xdf: {  	v42 =	vadd.f32 v4, v22;
	v4 =	vld.idx.msk [tilespmem:v29+s14+$0x0], $0xffff  }
0xe0: {  	v9 =	vmul.f32 v0, v31;
	v0 =	vld [tilespmem:$0x1FDE0]  }
0xe1: {  	v50 =	vadd.f32 v10, v17;
	v10 =	vld [tilespmem:$0x1FE00];
	_ =	sdelay $0x1  }
0xe2: {  	v6 =	vmul.f32 v6, v13;
	v12 =	vmul.f32 v48, v13  }
0xe3: {  	v30 =	vmul.f32 v23, v31;
	v23 =	vmul.f32 v7, v13  }
0xe4: {  	v7 =	vmul.f32 v14, v13;
	v24 =	vadd.f32 v12, v27;
	v17 =	vmul.f32 v0, v31;
	v0 =	vld [tilespmem:$0x1FDF0]  }
0xe5: {  	v4 =	vmul.f32 v4, v13;
	v8 =	vmul.f32 v52, v13;
	v27 =	vadd.f32 $0.0e+00, v10;
	v10 =	vmovc v13;
	v13 =	vld [tilespmem:$0x1FE20];
	_ =	sdelay $0x3  }
0xe6: {  	v12 =	vadd.f32 $0.0e+00, v0  }
0xe7: {  	v0 =	vmul.f32 v53, v31;
	v53 =	vadd.f32 v6, v27;
	v27 =	vadd.f32 $0.0e+00, v13;
	v13 =	vld [tilespmem:$0x1FE30]  }
0xe8: {  	v35 =	vadd.s32 $0x6000, v26;
	_ =	sdelay $0x3  }
0xe9: {  	v36 =	vadd.f32 $0.0e+00, v13  }
0xea: {  	v59 =	vld.idx.msk [tilespmem:v35+s14+$0x0], $0xffff  }
0xeb: {  	v22 =	vmul.f32 v61, v31;
	v61 =	vadd.f32 v4, v36;
	v4 =	vld [tilespmem:$0x1FE40];
	_ =	sdelay $0x3  }
0xec: {  	v20 =	vld.idx.msk [tilespmem:v16+s14+$0x0], $0xffff;
	v48 =	vmul.f32 v28, v31  }
0xed: {  	v28 =	vmul.f32 v59, v31;
	v59 =	vadd.f32 v23, v27;
	v27 =	vmul.f32 v4, v55;
	v4 =	vld [tilespmem:$0x1FE50]  }
0xee: {  	[tilespmem:$0x1FD60] =	vst v2;
	v2 =	vld [tilespmem:s18+$0x200]  }
0xef: {  	v6 =	vld [tilespmem:$0x1FE10]  }
0xf0: {  	v29 =	vld [tilespmem:s18+$0xB00]  }
0xf1: {  	v13 =	vld [tilespmem:s18+$0x700]  }
0xf2: {  	v16 =	vmul.f32 v4, v55;
	v4 =	vld [tilespmem:$0x1FE60];
	_ =	sdelay $0x1  }
0xf3: {  	v52 =	vadd.f32 v8, v12;
	v12 =	vadd.f32 $0.0e+00, v6  }
0xf4: {  	v5 =	vmov v26;
	v58 =	vadd.s32 $0x2000, v26;
	v26 =	vmul.f32 v60, v31  }
0xf5: {  	v35 =	vld [tilespmem:s18+$0x900];
	v60 =	vadd.f32 v7, v12;
	v12 =	vmul.f32 v40, v31;
	v40 =	vsub.f32 v29, v2  }
0xf6: {  	v29 =	vmul.f32 v4, v55;
	v4 =	vmul.f32 v20, v55;
	v20 =	vsub.f32 v13, v2;
	v13 =	vld [tilespmem:$0x1FE70];
	_ =	sdelay $0x4  }
0xf7: {  	v19 =	vsub.f32 v35, v2;
	v35 =	vmul.f32 v13, v55;
	v13 =	vld [tilespmem:$0x1FE80]  }
0xf8: {  	(erf) = vrcp.f32 v2;
	_ =	sdelay $0x1  }
0xf9: {  	v8 =	vld [tilespmem:s18+$0xA00]  }
0xfa: {  	v6 =	vld [tilespmem:s18+$0x800]  }
0xfb: {  	v33 =	vmul.f32 v32, v31;
	v32 =	vmul.f32 v13, v55;
	v13 =	vld [tilespmem:$0x1FE90]  }
0xfc: {  	v58 =	vld.idx.msk [tilespmem:v58+s14+$0x0], $0xffff;
	_ =	sdelay $0x1  }
0xfd: {  	v39 =	vmul.f32 v39, v55;
	v34 =	vmul.f32 v34, v55  }
0xfe: {  	v41 =	vld [tilespmem:s18+$0x600];
	v7 =	vmul.f32 v49, v31;
	v36 =	vsub.f32 v8, v2;
	v8 =	vmul.f32 v37, v55  }
0xff: {  	v14 =	vld [tilespmem:s18+$0x100];
	v49 =	vsub.f32 v6, v2;
	v6 =	vmul.f32 v57, v55;
	v13 =	vmul.f32 v13, v55;
	v55 =	vpop (erf)  }
0x100: {  	v58 =	vmul.f32 v58, v10;
	v23 =	vld [tilespmem:s18+$0x300];
	v10 =	vmul.f32 v19, v55  }
0x101: {  	v31 =	vld [tilespmem:s18+$0x500]  }
0x102: {  	[tilespmem:$0x1FEB0] =	vst v10;
	v10 =	vld [tilespmem:$0x1FEA0]  }
0x103: {  	v25 =	vld [tilespmem:s18+$0x400];
	_ =	sdelay $0x1  }
0x104: {  	v23 =	vsub.f32 v23, v2;
	v37 =	vsub.f32 v14, v2  }
0x105: {  	v57 =	vsub.f32 v41, v2;
	v31 =	vsub.f32 v31, v2  }
0x106: {  	v19 =	vmul.f32 v40, v55;
	v40 =	vmul.f32 v20, v55;
	v14 =	vadd.f32 $0.0e+00, v10  }
0x107: {  	v25 =	vsub.f32 v25, v2;
	v10 =	vmul.f32 v31, v55;
	v31 =	vmul.f32 v57, v55  }
0x108: {  	v49 =	vmul.f32 v49, v55;
	v20 =	vadd.f32 v58, v14;
	v14 =	vmul.f32 v23, v55  }
0x109: {  	v41 =	vmul.f32 v25, v55;
	v25 =	vmax.f32 v31, $0.0e+00;
	v23 =	vmax.f32 v40, $0.0e+00;
	v40 =	vld [tilespmem:$0x1FED0]  }
0x10a: {  	v31 =	vmax.f32 v49, $0.0e+00;
	v49 =	vmax.f32 v14, $0.0e+00;
	v14 =	vmax.f32 v10, $0.0e+00;
	v10 =	vld [tilespmem:$0x1FEC0];
	_ =	sdelay $0x4  }
0x10b: {  	vm6 =	vmand vm6, vm0;
	vm0 =	vne.s32 v40, v10;
	v40 =	vimm.s32 $0x0  }
0x10c: {  	v40 =	vsel vm0, $0xFFFFFFFF, v40  }
0x10d: {  	[tilespmem:$0x1FEE0] =	vst v40;
	v40 =	vld [tilespmem:$0x1FEF0];
	_ =	sdelay $0x4  }
0x10e: {  	vm0 =	vne.s32 v40, v10;
	v40 =	vimm.s32 $0x0  }
0x10f: {  	v40 =	vsel vm0, $0xFFFFFFFF, v40;
	vm0 =	vne.s32 v3, v10;
	v3 =	vimm.s32 $0x0  }
0x110: {  	v3 =	vsel vm0, $0xFFFFFFFF, v3  }
0x111: {  	vm0 =	vne.s32 v11, v10;
	[tilespmem:$0x1FF10] =	vst v3;
	v3 =	vimm.s32 $0x0  }
0x112: {  	v3 =	vsel vm0, $0xFFFFFFFF, v3  }
0x113: {  	[tilespmem:$0x1FF20] =	vst v3;
	v3 =	vld [tilespmem:$0x1FF30];
	_ =	sdelay $0x3  }
0x114: {  	v2 =	vsub.f32 v2, v2  }
0x115: {  	vm0 =	vne.s32 v3, v10;
	v3 =	vimm.s32 $0x0  }
0x116: {  	v57 =	vmul.f32 v55, v2;
	v2 =	vld [tilespmem:$0x1FEB0];
	v3 =	vsel vm0, $0xFFFFFFFF, v3  }
0x117: {  	vm0 =	vne.s32 v5, v10;
	[tilespmem:$0x1FF40] =	vst v3;
	v3 =	vimm.s32 $0x0  }
0x118: {  	v3 =	vsel vm0, $0xFFFFFFFF, v3  }
0x119: {  	vm0 =	vne.s32 v15, v10;
	[tilespmem:$0x1FF50] =	vst v3;
	v3 =	vimm.s32 $0x0  }
0x11a: {  	vm15 =	vmand vm9, vm15;
	v41 =	vmax.f32 v41, $0.0e+00;
	[tilespmem:$0x1FF00] =	vst v40;
	v3 =	vsel vm0, $0xFFFFFFFF, v3  }
0x11b: {  	s19 =	smov.u32 s9;
	s18 =	simm.s32 $0xFFFFFC40;
	v58 =	vmul.f32 v37, v55;
	v37 =	vimm.f32 $0.0e+00;
	v2 =	vmax.f32 v2, $0.0e+00;
	[tilespmem:$0x1FF60] =	vst v3  }
.LBB2_2:
0x11c: {  	v3 =	vld [tilespmem:$0x1FA60];
	_ =	sdelay $0x4  }
0x11d: {  	vm0 =	vnez.u8 v3;
	v3 =	vld [tilespmem:$0x1FD40]  }
0x11e: {  	v27 =	vadd.f32 v27, v46;
	v46 =	vadd.f32 v16, v42;
	_ =	sdelay $0x1  }
0x11f: {  	v17 =	vadd.f32 v17, v46;
	_ =	sdelay $0x1  }
0x120: {  	v17 =	vadd.f32 v3, v17;
	v3 =	vld [tilespmem:$0x1FD20];
	_ =	sdelay $0x2  }
0x121: {  	v10 =	vadd.f32 v9, v27;
	_ =	sdelay $0x1  }
0x122: {  	v10 =	vadd.f32 v3, v10;
	v3 =	vld [tilespmem:$0x1FD70]  }
0x123: {  	v24 =	vadd.f32 v39, v24;
	v34 =	vadd.f32 v34, v50;
	_ =	sdelay $0x1  }
0x124: {  	v22 =	vadd.f32 v22, v24;
	v24 =	vadd.f32 v0, v34;
	_ =	sdelay $0x1  }
0x125: {  	v24 =	vadd.f32 v3, v24;
	v3 =	vld [tilespmem:$0x1FD60]  }
0x126: {  	v29 =	vadd.f32 v29, v38  }
0x127: {  	v40 =	vadd.f32 v8, v53  }
0x128: {  	v8 =	vmin.f32 v25, $1.000000000e+00;
	v25 =	vadd.f32 v13, v61;
	v27 =	vadd.f32 v48, v29;
	_ =	sdelay $0x1  }
0x129: {  	v12 =	vadd.f32 v12, v25;
	v25 =	vadd.f32 v3, v27;
	v3 =	vld [tilespmem:$0x1FC30];
	_ =	sdelay $0x4  }
0x12a: {  	v10 =	vadd.f32 v3, v10;
	v3 =	vld [tilespmem:$0x1FC70];
	_ =	sdelay $0x4  }
0x12b: {  	v16 =	vadd.f32 v3, v25;
	v3 =	vld [tilespmem:$0x1FC50];
	_ =	sdelay $0x2  }
0x12c: {  	v0 =	vld [tilespmem:$0x1FA90];
	_ =	sdelay $0x1  }
0x12d: {  	v17 =	vadd.f32 v3, v17;
	v3 =	vld [tilespmem:$0x1FCA0];
	_ =	sdelay $0x2  }
0x12e: {  	vm1 =	vmand vm9, vm0;
	vm0 =	vnez.u8 v0;
	v0 =	vadd.f32 v43, v22;
	_ =	sdelay $0x1  }
0x12f: {  	v0 =	vadd.f32 v3, v0;
	v3 =	vld [tilespmem:$0x1FC90]  }
0x130: {  	v20 =	vadd.f32 v32, v20;
	_ =	sdelay $0x1  }
0x131: {  	v20 =	vadd.f32 v28, v20  }
0x132: {  	v52 =	vadd.f32 v6, v52  }
0x133: {  	v20 =	vadd.f32 v21, v20;
	v21 =	vadd.f32 v3, v24;
	v3 =	vld [tilespmem:$0x1FCC0]  }
0x134: {  	v30 =	vadd.f32 v30, v52;
	_ =	sdelay $0x1  }
0x135: {  	v18 =	vadd.f32 v18, v30;
	_ =	sdelay $0x1  }
0x136: {  	v5 =	vadd.f32 v3, v18;
	v3 =	vld [tilespmem:$0x1FCB0]  }
0x137: {  	v26 =	vadd.f32 v26, v40;
	_ =	sdelay $0x1  }
0x138: {  	v26 =	vadd.f32 v45, v26  }
0x139: {  	v6 =	vmin.f32 v23, $1.000000000e+00;
	v23 =	vadd.f32 v35, v60  }
0x13a: {  	v18 =	vadd.f32 v3, v26;
	v3 =	vld [tilespmem:$0x1FCE0]  }
0x13b: {  	v7 =	vadd.f32 v7, v23;
	_ =	sdelay $0x1  }
0x13c: {  	v7 =	vadd.f32 v1, v7  }
0x13d: {  	v59 =	vadd.f32 v4, v59;
	v1 =	vld [tilespmem:$0x1FA70]  }
0x13e: {  	v7 =	vadd.f32 v3, v7;
	v3 =	vld [tilespmem:$0x1FCD0]  }
0x13f: {  	v23 =	vadd.f32 v33, v59;
	_ =	sdelay $0x1  }
0x140: {  	v22 =	vadd.f32 v51, v23  }
0x141: {  	vm13 =	vmand vm9, vm0;
	vm0 =	vmand vm1, vm4;
	vm1 =	vnez.u8 v1;
	v1 =	vld [tilespmem:$0x1FAF0]  }
0x142: {  	v9 =	vadd.f32 v3, v22;
	v3 =	vld [tilespmem:$0x1FCF0];
	_ =	sdelay $0x2  }
0x143: {  	vm2 =	vmand vm9, vm14  }
0x144: {  	vm1 =	vmand vm2, vm1;
	vm2 =	vnez.u8 v1;
	v1 =	vld [tilespmem:$0x1FEE0]  }
0x145: {  	v11 =	vadd.f32 v3, v20;
	v3 =	vld [tilespmem:$0x1FF10];
	_ =	sdelay $0x2  }
0x146: {  	vm7 =	vmand vm9, vm12  }
0x147: {  	vm12 =	vmand vm9, vm8;
	vm8 =	vmand vm9, vm3;
	vm3 =	vnez.u8 v1;
	v1 =	vld [tilespmem:$0x1FF00]  }
0x148: {  	vm14 =	vmand vm9, vm10;
	vm10 =	vmand vm9, vm5;
	vm5 =	vnez.u8 v3;
	v3 =	vld [tilespmem:$0x1FF20];
	_ =	sdelay $0x3  }
0x149: {  	vm4 =	vnez.u8 v1;
	v1 =	vld [tilespmem:$0x1FD00]  }
0x14a: {  	vm11 =	vmand vm9, vm11;
	vm9 =	vmand vm9, vm6;
	vm6 =	vnez.u8 v3;
	v3 =	vld [tilespmem:$0x1FB70];
	_ =	sdelay $0x2  }
0x14b: {  	v12 =	vadd.f32 v63, v12;
	_ =	sdelay $0x1  }
0x14c: {  	v1 =	vadd.f32 v1, v12;
	v12 =	vadd.f32 v3, v17;
	v3 =	vld [tilespmem:$0x1FB50];
	_ =	sdelay $0x4  }
0x14d: {  	v10 =	vadd.f32 v3, v10;
	v3 =	vld [tilespmem:$0x1FC10];
	_ =	sdelay $0x4  }
0x14e: {  	v1 =	vadd.f32 v3, v1;
	v3 =	vld [tilespmem:$0x1FF40];
	_ =	sdelay $0x4  }
0x14f: {  	vm5 =	vmand vm7, vm5;
	vm7 =	vnez.u8 v3;
	v3 =	vld [tilespmem:$0x1FB90];
	_ =	sdelay $0x3  }
0x150: {  	v15 =	vld [tilespmem:$0x1FF50]  }
0x151: {  	v3 =	vadd.f32 v3, v16;
	v16 =	vld [tilespmem:$0x1FF60];
	_ =	sdelay $0x3  }
0x152: {  	vm7 =	vmand vm8, vm7;
	vm8 =	vnez.u8 v15  }
0x153: {  	vm8 =	vmand vm10, vm8;
	vm10 =	vnez.u8 v16;
	v16 =	vld [tilespmem:$0x1FB30];
	_ =	sdelay $0x4  }
0x154: {  	v1 =	vadd.f32 v16, v1;
	v16 =	vld [tilespmem:$0x1FC00];
	_ =	sdelay $0x4  }
0x155: {  	v11 =	vadd.f32 v16, v11;
	v16 =	vld [tilespmem:$0x1FBF0];
	_ =	sdelay $0x1  }
0x156: {  	v17 =	vmax.f32 v19, $0.0e+00;
	v19 =	vld [tilespmem:$0x1FB10];
	_ =	sdelay $0x2  }
0x157: {  	v7 =	vadd.f32 v16, v7;
	v16 =	vld [tilespmem:$0x1FBC0];
	_ =	sdelay $0x1  }
0x158: {  	v7 =	vadd.f32 v19, v7;
	v19 =	vld [tilespmem:$0x1FBE0];
	_ =	sdelay $0x2  }
0x159: {  	v16 =	vadd.f32 v16, v18;
	v18 =	vld [tilespmem:$0x1FA50];
	_ =	sdelay $0x1  }
0x15a: {  	v9 =	vadd.f32 v19, v9;
	v19 =	vld [tilespmem:$0x1F9B0];
	_ =	sdelay $0x2  }
0x15b: {  	v1 =	vadd.f32 v18, v1;
	v18 =	vld [tilespmem:$0x1FB20];
	_ =	sdelay $0x1  }
0x15c: {  	v1 =	vadd.f32 v19, v1;
	v19 =	vld [tilespmem:$0x1FA40]  }
0x15d: {  	v58 =	vmax.f32 v58, $0.0e+00  }
0x15e: {  	v13 =	vmin.f32 v14, $1.000000000e+00;
	v61 =	vmin.f32 v58, $1.000000000e+00  }
0x15f: {  	v14 =	vmin.f32 v41, $1.000000000e+00;
	v41 =	vsub.f32 $1.000000000e+00, v61;
	v11 =	vadd.f32 v18, v11  }
0x160: {  	vm9 =	vmand vm9, vm10  }
0x161: {  	v11 =	vadd.f32 v19, v11;
	v19 =	vnsel vm9, $0x0, v41  }
0x162: {  	v1 =	vmul.f32 v1, v19;
	v19 =	vld [tilespmem:$0x1F9A0]  }
0x163: {  	v20 =	vld [tilespmem:$0x1FB00];
	_ =	sdelay $0x3  }
0x164: {  	v11 =	vadd.f32 v19, v11;
	v19 =	vld [tilespmem:$0x1FA30]  }
0x165: {  	v57 =	vmax.f32 v57, $0.0e+00;
	v9 =	vadd.f32 v20, v9;
	v20 =	vld [tilespmem:$0x1FBD0]  }
0x166: {  	v60 =	vmin.f32 v57, $1.000000000e+00  }
0x167: {  	v32 =	vsub.f32 $1.000000000e+00, v60  }
0x168: {  	s20 =	sshra.s32 s18, $0x2  }
0x169: {  	v42 =	vld [tilespmem:s20+$0x600];
	v7 =	vadd.f32 v19, v7;
	v19 =	vnsel vm8, $0x0, v32  }
0x16a: {  	v5 =	vadd.f32 v20, v5;
	v20 =	vld [tilespmem:$0x1FA20];
	v1 =	vadd.f32 $0.0e+00, v1;
	v11 =	vmul.f32 v11, v19  }
0x16b: {  	v19 =	vld [tilespmem:$0x1F990]  }
0x16c: {  	v1 =	vadd.f32 v11, v1;
	v11 =	vld [tilespmem:$0x1F980]  }
0x16d: {  	v31 =	vmin.f32 v31, $1.000000000e+00;
	v28 =	vld [tilespmem:s20+$0x500]  }
0x16e: {  	v4 =	vsub.f32 $1.000000000e+00, v31;
	v30 =	vld [tilespmem:s20+$0x800]  }
0x16f: {  	v31 =	vmin.f32 v49, $1.000000000e+00;
	v14 =	vsub.f32 $1.000000000e+00, v14;
	v9 =	vadd.f32 v20, v9;
	v20 =	vld [tilespmem:$0x1FAE0]  }
0x170: {  	v31 =	vsub.f32 $1.000000000e+00, v31;
	v23 =	vld [tilespmem:s20+$0x900];
	vm6 =	vmand vm12, vm6  }
0x171: {  	v7 =	vadd.f32 v19, v7;
	v9 =	vadd.f32 v11, v9;
	v11 =	vnsel vm6, $0x0, v14;
	v14 =	vld [tilespmem:$0x1FA00]  }
0x172: {  	v24 =	vld [tilespmem:s20+$0xB00];
	v19 =	vnsel vm7, $0x0, v31  }
0x173: {  	v15 =	vld [tilespmem:$0x1FBB0];
	v7 =	vmul.f32 v7, v19  }
0x174: {  	v16 =	vadd.f32 v44, v16;
	v5 =	vadd.f32 v20, v5;
	v20 =	vld [tilespmem:$0x1FA10]  }
0x175: {  	v1 =	vadd.f32 v7, v1;
	v7 =	vmul.f32 v9, v11;
	v9 =	vld [tilespmem:$0x1F970]  }
0x176: {  	v14 =	vadd.f32 v14, v16;
	v16 =	vld [tilespmem:$0x1FAD0]  }
0x177: {  	v11 =	vld [tilespmem:$0x1F9F0]  }
0x178: {  	v1 =	vadd.f32 v7, v1;
	v7 =	vld [tilespmem:$0x1F960]  }
0x179: {  	v29 =	vmul.f32 v36, v55;
	v26 =	vld [tilespmem:s20+$0xA00];
	v0 =	vadd.f32 v15, v0;
	v5 =	vadd.f32 v20, v5  }
0x17a: {  	v13 =	vsub.f32 $1.000000000e+00, v13;
	v15 =	vld [tilespmem:$0x1FBA0]  }
0x17b: {  	v18 =	vmax.f32 v29, $0.0e+00;
	v29 =	vld [tilespmem:s20+$0x700];
	v5 =	vadd.f32 v9, v5;
	v0 =	vadd.f32 v16, v0  }
0x17c: {  	v8 =	vsub.f32 $1.000000000e+00, v8;
	vm4 =	vmand vm13, vm4;
	v20 =	vld [tilespmem:s20+$0x400];
	v9 =	vnsel vm5, $0x0, v13  }
0x17d: {  	v5 =	vmul.f32 v5, v9;
	v7 =	vadd.f32 v7, v14;
	v0 =	vadd.f32 v11, v0;
	v11 =	vld [tilespmem:$0x1FAC0]  }
0x17e: {  	v8 =	vnsel vm4, $0x0, v8;
	v9 =	vld [tilespmem:$0x1F9E0]  }
0x17f: {  	v1 =	vadd.f32 v5, v1;
	v5 =	vmul.f32 v7, v8;
	v7 =	vld [tilespmem:$0x1F950]  }
0x180: {  	v15 =	vadd.f32 v15, v21  }
0x181: {  	v1 =	vadd.f32 v5, v1;
	v5 =	vld [tilespmem:$0x1F940]  }
0x182: {  	v11 =	vadd.f32 v11, v15  }
0x183: {  	v6 =	vsub.f32 $1.000000000e+00, v6  }
0x184: {  	vm3 =	vmand vm14, vm3;
	v0 =	vadd.f32 v7, v0;
	v11 =	vadd.f32 v9, v11  }
0x185: {  	v6 =	vnsel vm3, $0x0, v6  }
0x186: {  	vm2 =	vmand vm11, vm2;
	v7 =	vld [tilespmem:$0x1F9D0];
	v0 =	vmul.f32 v0, v6;
	v5 =	vadd.f32 v5, v11  }
0x187: {  	v4 =	vnsel vm2, $0x0, v4  }
0x188: {  	v0 =	vadd.f32 v0, v1;
	v1 =	vmul.f32 v5, v4;
	v4 =	vld [tilespmem:$0x1F930]  }
0x189: {  	v3 =	vadd.f32 v56, v3;
	_ =	sdelay $0x1  }
0x18a: {  	v2 =	vmin.f32 v2, $1.000000000e+00;
	v3 =	vadd.f32 v7, v3  }
0x18b: {  	v2 =	vsub.f32 $1.000000000e+00, v2  }
0x18c: {  	v6 =	vld [tilespmem:$0x1F9C0];
	v3 =	vadd.f32 v4, v3  }
0x18d: {  	v2 =	vnsel vm1, $0x0, v2  }
0x18e: {  	v0 =	vadd.f32 v1, v0;
	v1 =	vmul.f32 v3, v2;
	v2 =	vld [tilespmem:$0x1F920]  }
0x18f: {  	v7 =	vadd.f32 v54, v12;
	_ =	sdelay $0x1  }
0x190: {  	v18 =	vmin.f32 v18, $1.000000000e+00;
	v6 =	vadd.f32 v6, v7  }
0x191: {  	v4 =	vsub.f32 $1.000000000e+00, v18  }
0x192: {  	v2 =	vadd.f32 v2, v6  }
0x193: {  	v3 =	vnsel vm0, $0x0, v4;
	v6 =	vld [tilespmem:$0x1F900]  }
0x194: {  	v0 =	vadd.f32 v1, v0;
	v1 =	vmul.f32 v2, v3;
	v2 =	vld [tilespmem:$0x1F910]  }
0x195: {  	v7 =	vadd.f32 v47, v10;
	_ =	sdelay $0x1  }
0x196: {  	v17 =	vmin.f32 v17, $1.000000000e+00;
	v5 =	vadd.f32 v62, v7;
	v3 =	vld [tilespmem:$0x1FF70]  }
0x197: {  	v4 =	vsub.f32 $1.000000000e+00, v17;
	vm0 =	vnez.u8 v6  }
0x198: {  	vm0 =	vmand vm15, vm0;
	v2 =	vadd.f32 v2, v5  }
0x199: {  	v43 =	vld [tilespmem:s20+$0x1B00];
	v4 =	vnsel vm0, $0x0, v4  }
0x19a: {  	s19 =	sadd.s32 $0x10, s19;
	v0 =	vadd.f32 v1, v0;
	v5 =	vld [tilespmem:$0x1FF80];
	v1 =	vmul.f32 v2, v4  }
0x19b: {  	v3 =	vor.u32 s19, v3;
	v2 =	vld [tilespmem:$0x1FF90]  }
0x19c: {  	v0 =	vadd.f32 v1, v0;
	v1 =	vld [tilespmem:$0x1FFA0];
	_ =	sdelay $0x2  }
0x19d: {  	v31 =	vld [tilespmem:s20+$0x1A00]  }
0x19e: {  	v7 =	vor.u32 s19, v5;
	v5 =	vld.idx.msk [tilespmem:v3+s14+$0x0], $0xffff  }
0x19f: {  	v10 =	vor.u32 s19, v2;
	v11 =	vor.u32 s19, v1;
	v1 =	vld.idx.msk [tilespmem:v43+s14+$0x0], $0xffff  }
0x1a0: {  	v3 =	vld [tilespmem:$0x1FFB0]  }
0x1a1: {  	v25 =	vld [tilespmem:s20+$0x1900]  }
0x1a2: {  	v37 =	vadd.f32 v0, v37;
	v0 =	vld [tilespmem:$0x1FFF0]  }
0x1a3: {  	v47 =	vld.idx.msk [tilespmem:v7+s14+$0x0], $0xffff  }
0x1a4: {  	[tilespmem:$0x1F0B0] =	vst v1;
	v1 =	vld.idx.msk [tilespmem:v10+s14+$0x0], $0xffff  }
0x1a5: {  	v10 =	vor.u32 s19, v3;
	v3 =	vld.idx.msk [tilespmem:v31+s14+$0x0], $0xffff  }
0x1a6: {  	v7 =	vld [tilespmem:$0x1FFE0];
	_ =	sdelay $0x3  }
0x1a7: {  	[tilespmem:$0x1F0A0] =	vst v3;
	v3 =	vld.idx.msk [tilespmem:v11+s14+$0x0], $0xffff  }
0x1a8: {  	v0 =	vor.u32 s19, v0;
	v11 =	vor.u32 s19, v7;
	v7 =	vld.idx.msk [tilespmem:v25+s14+$0x0], $0xffff  }
0x1a9: {  	v14 =	vld [tilespmem:s20+$0x1700]  }
0x1aa: {  	v12 =	vld [tilespmem:s20+$0x1600]  }
0x1ab: {  	v18 =	vld [tilespmem:s20+$0x1800]  }
0x1ac: {  	v13 =	vld [tilespmem:s20+$0x1500]  }
0x1ad: {  	[tilespmem:$0x1F0D0] =	vst v7;
	v7 =	vld.idx.msk [tilespmem:v0+s14+$0x0], $0xffff  }
0x1ae: {  	v0 =	vld [tilespmem:$0x1FFC0]  }
0x1af: {  	v6 =	vld [tilespmem:s20+$0x1300]  }
0x1b0: {  	v8 =	vld [tilespmem:s20+$0x1400]  }
0x1b1: {  	v61 =	vld.idx.msk [tilespmem:v11+s14+$0x0], $0xffff;
	v11 =	vlaneseq.u32  }
0x1b2: {  	v16 =	vor.u32 s19, v11;
	v11 =	vld.idx.msk [tilespmem:v12+s14+$0x0], $0xffff  }
0x1b3: {  	v15 =	vld.idx.msk [tilespmem:v18+s14+$0x0], $0xffff;
	v0 =	vor.u32 s19, v0  }
0x1b4: {  	v4 =	vld [tilespmem:s20+$0x1200]  }
0x1b5: {  	v63 =	vld.idx.msk [tilespmem:v10+s14+$0x0], $0xffff  }
0x1b6: {  	v10 =	vld [tilespmem:$0x1FFD0]  }
0x1b7: {  	[tilespmem:$0x1F0E0] =	vst v11;
	v11 =	vld.idx.msk [tilespmem:v6+s14+$0x0], $0xffff  }
0x1b8: {  	v60 =	vld.idx.msk [tilespmem:v0+s14+$0x0], $0xffff  }
0x1b9: {  	v0 =	vld.idx.msk [tilespmem:v13+s14+$0x0], $0xffff  }
0x1ba: {  	v2 =	vld [tilespmem:s20+$0x1100];
	_ =	sdelay $0x1  }
0x1bb: {  	[tilespmem:$0x1F0C0] =	vst v15;
	v15 =	vld.idx.msk [tilespmem:v14+s14+$0x0], $0xffff;
	v10 =	vor.u32 s19, v10  }
0x1bc: {  	[tilespmem:$0x1F130] =	vst v11;
	v11 =	vld.idx.msk [tilespmem:v4+s14+$0x0], $0xffff  }
0x1bd: {  	[tilespmem:$0x1F110] =	vst v0;
	v0 =	vld.idx.msk [tilespmem:v8+s14+$0x0], $0xffff;
	_ =	sdelay $0x2  }
0x1be: {  	[tilespmem:$0x1F0F0] =	vst v15;
	v59 =	vld.idx.msk [tilespmem:v10+s14+$0x0], $0xffff;
	v10 =	vadd.s32 $0x12000, v31  }
0x1bf: {  	v15 =	vld.idx.msk [tilespmem:v2+s14+$0x0], $0xffff;
	[tilespmem:$0x1F120] =	vst v11;
	v11 =	vadd.s32 $0x10000, v43  }
0x1c0: {  	[tilespmem:$0x1F100] =	vst v0;
	v0 =	vadd.s32 $0x12000, v43;
	_ =	sdelay $0x2  }
0x1c1: {  	v10 =	vld.idx.msk [tilespmem:v10+s14+$0x0], $0xffff  }
0x1c2: {  	[tilespmem:$0x1F140] =	vst v15;
	v15 =	vadd.s32 $0x12000, v25;
	v11 =	vld.idx.msk [tilespmem:v11+s14+$0x0], $0xffff  }
0x1c3: {  	v17 =	vand.u32 $0xFFF, v43;
	v0 =	vld.idx.msk [tilespmem:v0+s14+$0x0], $0xffff;
	_ =	sdelay $0x2  }
0x1c4: {  	[tilespmem:$0x1F160] =	vst v10  }
0x1c5: {  	[tilespmem:$0x1F170] =	vst v11;
	v11 =	vld.idx.msk [tilespmem:v15+s14+$0x0], $0xffff  }
0x1c6: {  	v10 =	vld.idx.msk [tilespmem:v17+s15+$0x0], $0xffff;
	[tilespmem:$0x1F150] =	vst v0;
	v0 =	vadd.s32 $0x10000, v31;
	_ =	sdelay $0x3  }
0x1c7: {  	[tilespmem:$0x1F180] =	vst v11;
	v11 =	vadd.s32 $0x10000, v25  }
0x1c8: {  	[tilespmem:$0x1F380] =	vst v10;
	v10 =	vadd.s32 $0xE000, v43;
	v0 =	vld.idx.msk [tilespmem:v0+s14+$0x0], $0xffff;
	_ =	sdelay $0x1  }
0x1c9: {  	v53 =	vand.u32 $0xFFF, v31;
	_ =	sdelay $0x1  }
0x1ca: {  	v11 =	vld.idx.msk [tilespmem:v11+s14+$0x0], $0xffff  }
0x1cb: {  	v10 =	vld.idx.msk [tilespmem:v10+s14+$0x0], $0xffff;
	[tilespmem:$0x1F190] =	vst v0;
	v0 =	vadd.s32 $0xC000, v43;
	_ =	sdelay $0x1  }
0x1cc: {  	v15 =	vld.idx.msk [tilespmem:v53+s15+$0x0], $0xffff;
	_ =	sdelay $0x1  }
0x1cd: {  	[tilespmem:$0x1F1C0] =	vst v11;
	v11 =	vadd.s32 $0xE000, v25  }
0x1ce: {  	[tilespmem:$0x1F1B0] =	vst v10;
	v10 =	vadd.s32 $0x12000, v14;
	v0 =	vld.idx.msk [tilespmem:v0+s14+$0x0], $0xffff;
	_ =	sdelay $0x1  }
0x1cf: {  	[tilespmem:$0x1F3A0] =	vst v15;
	v15 =	vadd.s32 $0xE000, v31;
	_ =	sdelay $0x1  }
0x1d0: {  	v11 =	vld.idx.msk [tilespmem:v11+s14+$0x0], $0xffff  }
0x1d1: {  	[tilespmem:$0x1F200] =	vst v0;
	v0 =	vld.idx.msk [tilespmem:v10+s14+$0x0], $0xffff;
	_ =	sdelay $0x1  }
0x1d2: {  	v15 =	vld.idx.msk [tilespmem:v15+s14+$0x0], $0xffff  }
0x1d3: {  	[tilespmem:$0x1F1F0] =	vst v17;
	v17 =	vadd.s32 $0x12000, v18  }
0x1d4: {  	[tilespmem:$0x1F220] =	vst v11;
	v11 =	vadd.s32 $0xE000, v18  }
0x1d5: {  	[tilespmem:$0x1F1E0] =	vst v0;
	v0 =	vadd.s32 $0xA000, v43;
	_ =	sdelay $0x1  }
0x1d6: {  	[tilespmem:$0x1F1D0] =	vst v15;
	v15 =	vadd.s32 $0xC000, v31  }
0x1d7: {  	v17 =	vld.idx.msk [tilespmem:v17+s14+$0x0], $0xffff  }
0x1d8: {  	v19 =	vand.u32 $0xFFF, v25;
	v11 =	vld.idx.msk [tilespmem:v11+s14+$0x0], $0xffff  }
0x1d9: {  	v10 =	vadd.s32 $0x12000, v12;
	v0 =	vld.idx.msk [tilespmem:v0+s14+$0x0], $0xffff  }
0x1da: {  	v62 =	vand.u32 $0xFFF, v14  }
0x1db: {  	v15 =	vld.idx.msk [tilespmem:v15+s14+$0x0], $0xffff  }
0x1dc: {  	[tilespmem:$0x1F1A0] =	vst v17  }
0x1dd: {  	v17 =	vld.idx.msk [tilespmem:v19+s15+$0x0], $0xffff;
	[tilespmem:$0x1F280] =	vst v11  }
0x1de: {  	v11 =	vadd.s32 $0x10000, v12;
	[tilespmem:$0x1F250] =	vst v0;
	v0 =	vld.idx.msk [tilespmem:v10+s14+$0x0], $0xffff  }
0x1df: {  	v48 =	vand.u32 $0xFFF, v18;
	v10 =	vld.idx.msk [tilespmem:v62+s15+$0x0], $0xffff  }
0x1e0: {  	[tilespmem:$0x1F240] =	vst v15;
	v15 =	vadd.s32 $0xC000, v25;
	_ =	sdelay $0x1  }
0x1e1: {  	[tilespmem:$0x1F3D0] =	vst v17;
	v17 =	vadd.s32 $0x10000, v18  }
0x1e2: {  	[tilespmem:$0x1F230] =	vst v19;
	v11 =	vld.idx.msk [tilespmem:v11+s14+$0x0], $0xffff  }
0x1e3: {  	v19 =	vld.idx.msk [tilespmem:v48+s15+$0x0], $0xffff;
	[tilespmem:$0x1F430] =	vst v10;
	v10 =	vadd.s32 $0x8000, v43  }
0x1e4: {  	v15 =	vld.idx.msk [tilespmem:v15+s14+$0x0], $0xffff;
	_ =	sdelay $0x1  }
0x1e5: {  	v17 =	vld.idx.msk [tilespmem:v17+s14+$0x0], $0xffff;
	[tilespmem:$0x1F260] =	vst v0;
	v0 =	vadd.s32 $0xA000, v31  }
0x1e6: {  	[tilespmem:$0x1F2D0] =	vst v11;
	v11 =	vadd.s32 $0x6000, v43  }
0x1e7: {  	[tilespmem:$0x1F410] =	vst v19;
	v19 =	vadd.s32 $0x12000, v13;
	v10 =	vld.idx.msk [tilespmem:v10+s14+$0x0], $0xffff  }
0x1e8: {  	[tilespmem:$0x1F290] =	vst v15;
	v15 =	vadd.s32 $0xE000, v14;
	_ =	sdelay $0x1  }
0x1e9: {  	[tilespmem:$0x1F210] =	vst v17;
	v17 =	vadd.s32 $0x10000, v14;
	v0 =	vld.idx.msk [tilespmem:v0+s14+$0x0], $0xffff  }
0x1ea: {  	v11 =	vld.idx.msk [tilespmem:v11+s14+$0x0], $0xffff  }
0x1eb: {  	[tilespmem:$0x1F2B0] =	vst v10;
	v10 =	vld.idx.msk [tilespmem:v19+s14+$0x0], $0xffff;
	v19 =	vadd.s32 $0x12000, v8  }
0x1ec: {  	v15 =	vld.idx.msk [tilespmem:v15+s14+$0x0], $0xffff;
	_ =	sdelay $0x1  }
0x1ed: {  	v49 =	vand.u32 $0xFFF, v12;
	v17 =	vld.idx.msk [tilespmem:v17+s14+$0x0], $0xffff  }
0x1ee: {  	v45 =	vand.u32 $0xFFF, v13;
	[tilespmem:$0x1F2A0] =	vst v0  }
0x1ef: {  	vm0 =	vne.s32 v31, v16;
	v0 =	vadd.s32 $0xC000, v18;
	[tilespmem:$0x1F330] =	vst v11;
	v11 =	vld.idx.msk [tilespmem:v19+s14+$0x0], $0xffff;
	v19 =	vimm.s32 $0x0  }
0x1f0: {  	[tilespmem:$0x1F2E0] =	vst v15;
	v19 =	vsel vm0, $0xFFFFFFFF, v19  }
0x1f1: {  	v15 =	vadd.s32 $0x10000, v13;
	vm0 =	vne.s32 v43, v16;
	[tilespmem:$0x1F7B0] =	vst v19;
	v19 =	vimm.s32 $0x0  }
0x1f2: {  	[tilespmem:$0x1F270] =	vst v17;
	v17 =	vld.idx.msk [tilespmem:v49+s15+$0x0], $0xffff;
	v19 =	vsel vm0, $0xFFFFFFFF, v19  }
0x1f3: {  	[tilespmem:$0x1F900] =	vst v19;
	v19 =	vld.idx.msk [tilespmem:v45+s15+$0x0], $0xffff  }
0x1f4: {  	[tilespmem:$0x1F2C0] =	vst v10;
	v10 =	vadd.s32 $0xA000, v25;
	v0 =	vld.idx.msk [tilespmem:v0+s14+$0x0], $0xffff;
	_ =	sdelay $0x1  }
0x1f5: {  	v15 =	vld.idx.msk [tilespmem:v15+s14+$0x0], $0xffff  }
0x1f6: {  	[tilespmem:$0x1F450] =	vst v17  }
0x1f7: {  	v22 =	vld [tilespmem:s20+$0x200];
	vm0 =	vne.s32 v18, v16;
	[tilespmem:$0x1F480] =	vst v19;
	v19 =	vimm.s32 $0x0  }
0x1f8: {  	v17 =	vadd.s32 $0x8000, v31;
	[tilespmem:$0x1F2F0] =	vst v0;
	v0 =	vld.idx.msk [tilespmem:v10+s14+$0x0], $0xffff;
	v19 =	vsel vm0, $0xFFFFFFFF, v19  }
0x1f9: {  	vm0 =	vne.s32 v25, v16;
	[tilespmem:$0x1FAF0] =	vst v19;
	v19 =	vimm.s32 $0x0  }
0x1fa: {  	[tilespmem:$0x1F340] =	vst v15;
	v15 =	vimm.s32 $0x0;
	v19 =	vsel vm0, $0xFFFFFFFF, v19;
	vm0 =	vne.s32 v14, v16  }
0x1fb: {  	v15 =	vsel vm0, $0xFFFFFFFF, v15  }
0x1fc: {  	[tilespmem:$0x1FEE0] =	vst v15;
	v15 =	vsub.f32 v24, v22  }
0x1fd: {  	[tilespmem:$0x1F300] =	vst v0;
	v0 =	vld.idx.msk [tilespmem:v17+s14+$0x0], $0xffff;
	v17 =	vadd.s32 $0xC000, v14  }
0x1fe: {  	vm0 =	vne.s32 v12, v16;
	[tilespmem:$0x1F800] =	vst v15;
	v15 =	vimm.s32 $0x0  }
0x1ff: {  	v15 =	vsel vm0, $0xFFFFFFFF, v15  }
0x200: {  	vm0 =	vne.s32 v13, v16;
	[tilespmem:$0x1FF00] =	vst v15;
	v15 =	vimm.s32 $0x0  }
0x201: {  	[tilespmem:$0x1F320] =	vst v11;
	v15 =	vsel vm0, $0xFFFFFFFF, v15  }
0x202: {  	v11 =	vadd.s32 $0xA000, v18;
	[tilespmem:$0x1FF10] =	vst v15;
	v15 =	vld.idx.msk [tilespmem:v17+s14+$0x0], $0xffff;
	_ =	sdelay $0x4  }
0x203: {  	v11 =	vld.idx.msk [tilespmem:v11+s14+$0x0], $0xffff;
	[tilespmem:$0x1F360] =	vst v15;
	v15 =	vsub.f32 v30, v22;
	_ =	sdelay $0x1  }
0x204: {  	[tilespmem:$0x1F820] =	vst v15;
	v15 =	vsub.f32 v23, v22  }
0x205: {  	[tilespmem:$0x1FA70] =	vst v19  }
0x206: {  	v19 =	vadd.s32 $0x8000, v25;
	vm0 =	vne.s32 v8, v16;
	[tilespmem:$0x1F7F0] =	vst v15;
	v15 =	vimm.s32 $0x0  }
0x207: {  	[tilespmem:$0x1F370] =	vst v11;
	v11 =	vimm.s32 $0x0;
	v15 =	vsel vm0, $0xFFFFFFFF, v15;
	vm0 =	vne.s32 v6, v16  }
0x208: {  	v11 =	vsel vm0, $0xFFFFFFFF, v11  }
0x209: {  	[tilespmem:$0x1FF40] =	vst v11;
	v11 =	vsub.f32 v42, v22;
	_ =	sdelay $0x1  }
0x20a: {  	v10 =	vadd.s32 $0xE000, v12;
	[tilespmem:$0x1F840] =	vst v11;
	v11 =	vld.idx.msk [tilespmem:v19+s14+$0x0], $0xffff;
	_ =	sdelay $0x3  }
0x20b: {  	v21 =	vadd.s32 $0x6000, v31  }
0x20c: {  	v10 =	vld.idx.msk [tilespmem:v10+s14+$0x0], $0xffff;
	vm0 =	vne.s32 v4, v16;
	[tilespmem:$0x1F390] =	vst v11;
	v11 =	vimm.s32 $0x0  }
0x20d: {  	v11 =	vsel vm0, $0xFFFFFFFF, v11  }
0x20e: {  	[tilespmem:$0x1FF50] =	vst v11;
	v11 =	vsub.f32 v28, v22;
	_ =	sdelay $0x1  }
0x20f: {  	[tilespmem:$0x1F830] =	vst v11;
	v11 =	vld.idx.msk [tilespmem:v21+s14+$0x0], $0xffff  }
0x210: {  	[tilespmem:$0x1F350] =	vst v10;
	v10 =	vsub.f32 v26, v22;
	_ =	sdelay $0x1  }
0x211: {  	[tilespmem:$0x1F8B0] =	vst v10;
	v10 =	vadd.s32 $0x4000, v43  }
0x212: {  	v39 =	vand.u32 $0xFFF, v8  }
0x213: {  	vm0 =	vne.s32 v2, v16;
	[tilespmem:$0x1F3B0] =	vst v11;
	v11 =	vimm.s32 $0x0  }
0x214: {  	v11 =	vsel vm0, $0xFFFFFFFF, v11  }
0x215: {  	[tilespmem:$0x1FF60] =	vst v11;
	v11 =	vsub.f32 v20, v22  }
0x216: {  	v10 =	vld.idx.msk [tilespmem:v10+s14+$0x0], $0xffff  }
0x217: {  	v19 =	vadd.s32 $0x10000, v8;
	[tilespmem:$0x1F850] =	vst v11;
	v11 =	vld.idx.msk [tilespmem:v39+s15+$0x0], $0xffff;
	_ =	sdelay $0x1  }
0x218: {  	v27 =	vld [tilespmem:s20+$0x300]  }
0x219: {  	[tilespmem:$0x1F310] =	vst v0  }
0x21a: {  	v33 =	vld.idx.msk [tilespmem:v16+s14+$0x0], $0xffff;
	[tilespmem:$0x1F3E0] =	vst v10  }
0x21b: {  	v0 =	vand.u32 $0xFFF, v16;
	v10 =	vsub.f32 v22, v22;
	v16 =	vadd.s32 $0xE000, v13;
	[tilespmem:$0x1F4C0] =	vst v11;
	v11 =	vld.idx.msk [tilespmem:v19+s14+$0x0], $0xffff;
	_ =	sdelay $0x1  }
0x21c: {  	[tilespmem:$0x1F880] =	vst v10;
	v10 =	vsub.f32 v27, v22;
	_ =	sdelay $0x1  }
0x21d: {  	[tilespmem:$0x1F860] =	vst v10  }
0x21e: {  	v10 =	vadd.s32 $0xC000, v12;
	[tilespmem:$0x1F3F0] =	vst v11;
	v11 =	vld.idx.msk [tilespmem:v16+s14+$0x0], $0xffff;
	_ =	sdelay $0x4  }
0x21f: {  	v10 =	vld.idx.msk [tilespmem:v10+s14+$0x0], $0xffff;
	[tilespmem:$0x1F400] =	vst v11;
	v11 =	vadd.s32 $0x4000, v25;
	_ =	sdelay $0x4  }
0x220: {  	[tilespmem:$0x1F420] =	vst v10;
	v10 =	vadd.s32 $0x6000, v18;
	v52 =	vld.idx.msk [tilespmem:v11+s14+$0x0], $0xffff  }
0x221: {  	v11 =	vld [tilespmem:$0x1F0A0]  }
0x222: {  	v32 =	vadd.s32 $0xC000, v13  }
0x223: {  	v9 =	vld [tilespmem:s20+$0x100];
	_ =	sdelay $0x1  }
0x224: {  	v58 =	vld.idx.msk [tilespmem:v10+s14+$0x0], $0xffff;
	v10 =	vadd.s32 $0x8000, v2  }
0x225: {  	[tilespmem:$0x1F5A0] =	vst v10;
	v10 =	vmul.f32 v11, v33;
	v11 =	vld [tilespmem:$0x1F0B0]  }
0x226: {  	v32 =	vld.idx.msk [tilespmem:v32+s14+$0x0], $0xffff;
	v26 =	vadd.s32 $0x2000, v43  }
0x227: {  	v9 =	vsub.f32 v9, v22;
	v17 =	vadd.s32 $0x12000, v6;
	_ =	sdelay $0x1  }
0x228: {  	[tilespmem:$0x1F890] =	vst v9;
	v28 =	vadd.s32 $0x12000, v4  }
0x229: {  	[tilespmem:$0x1F730] =	vst v10;
	v10 =	vmul.f32 v11, v33;
	v11 =	vld [tilespmem:$0x1F0C0]  }
0x22a: {  	[tilespmem:$0x1F4F0] =	vst v32;
	v26 =	vld.idx.msk [tilespmem:v26+s14+$0x0], $0xffff  }
0x22b: {  	v55 =	vadd.s32 $0x8000, v14;
	[tilespmem:$0x1F8E0] =	vst v37;
	v9 =	vld.idx.msk [tilespmem:v17+s14+$0x0], $0xffff  }
0x22c: {  	v34 =	vadd.s32 $0x6000, v14;
	(erf) = vrcp.f32 v22;
	v41 =	vadd.s32 $0x4000, v14;
	[tilespmem:$0x1FF20] =	vst v15  }
0x22d: {  	v35 =	vadd.s32 $0xA000, v12;
	v15 =	vsub.f32 v29, v22;
	v22 =	vld.idx.msk [tilespmem:v28+s14+$0x0], $0xffff;
	[tilespmem:$0x1F740] =	vst v10;
	v10 =	vadd.s32 $0x6000, v4  }
0x22e: {  	v40 =	vadd.s32 $0x6000, v12;
	v46 =	vadd.s32 $0x4000, v12;
	[tilespmem:$0x1F5B0] =	vst v10;
	v10 =	vmul.f32 v11, v33;
	v11 =	vld [tilespmem:$0x1F0D0]  }
0x22f: {  	v32 =	vadd.s32 $0x2000, v14;
	v44 =	vadd.s32 $0xA000, v6;
	v37 =	vand.u32 $0xFFF, v6;
	[tilespmem:$0x1F4A0] =	vst v26  }
0x230: {  	v24 =	vadd.s32 $0x4000, v31;
	v23 =	vadd.s32 $0x8000, v12;
	[tilespmem:$0x1F3C0] =	vst v9;
	v12 =	vadd.s32 $0x2000, v12  }
0x231: {  	v9 =	vadd.s32 $0xA000, v14;
	v14 =	vadd.s32 $0x8000, v6;
	v29 =	vadd.s32 $0x10000, v6;
	[tilespmem:$0x1F540] =	vst v12  }
0x232: {  	v12 =	vadd.s32 $0x6000, v6;
	[tilespmem:$0x1F4B0] =	vst v22;
	v22 =	vadd.s32 $0xC000, v6;
	v16 =	vadd.s32 $0xE000, v6  }
0x233: {  	[tilespmem:$0x1F750] =	vst v10;
	v10 =	vmul.f32 v11, v33;
	v11 =	vadd.s32 $0x4000, v6;
	v6 =	vadd.s32 $0x2000, v6  }
0x234: {  	v21 =	vadd.s32 $0x6000, v25;
	[tilespmem:$0x1F5F0] =	vst v6;
	v6 =	vld [tilespmem:$0x1F160]  }
0x235: {  	[tilespmem:$0x1F500] =	vst v14;
	v14 =	vadd.s32 $0x6000, v8  }
0x236: {  	v24 =	vld.idx.msk [tilespmem:v24+s14+$0x0], $0xffff;
	[tilespmem:$0x1F520] =	vst v14;
	v14 =	vadd.s32 $0x4000, v13  }
0x237: {  	v30 =	vadd.s32 $0xE000, v8;
	[tilespmem:$0x1F530] =	vst v14;
	v14 =	vld.idx.msk [tilespmem:v35+s14+$0x0], $0xffff  }
0x238: {  	v26 =	vadd.s32 $0xA000, v8;
	[tilespmem:$0x1F570] =	vst v12;
	v12 =	vadd.s32 $0x4000, v8;
	v57 =	vld.idx.msk [tilespmem:v29+s14+$0x0], $0xffff;
	v29 =	vadd.s32 $0x8000, v8  }
0x239: {  	v21 =	vld.idx.msk [tilespmem:v21+s14+$0x0], $0xffff;
	v19 =	vadd.s32 $0xC000, v8;
	v8 =	vadd.s32 $0x2000, v8;
	v6 =	vmul.f32 v6, v5  }
0x23a: {  	[tilespmem:$0x1F5D0] =	vst v8;
	v8 =	vld [tilespmem:$0x1F110]  }
0x23b: {  	[tilespmem:$0x1F920] =	vst v6;
	v6 =	vld [tilespmem:$0x1F170];
	_ =	sdelay $0x1  }
0x23c: {  	[tilespmem:$0x1F490] =	vst v24  }
0x23d: {  	v36 =	vadd.s32 $0x4000, v18;
	v51 =	vadd.s32 $0xC000, v2;
	[tilespmem:$0x1F810] =	vst v15  }
0x23e: {  	v24 =	vadd.s32 $0x10000, v2;
	v17 =	vadd.s32 $0x8000, v18;
	[tilespmem:$0x1F510] =	vst v14;
	v8 =	vmul.f32 v8, v33  }
0x23f: {  	v42 =	vadd.s32 $0x2000, v18;
	v15 =	vadd.s32 $0x12000, v2;
	[tilespmem:$0x1F470] =	vst v21;
	v6 =	vmul.f32 v6, v47  }
0x240: {  	v14 =	vadd.s32 $0xA000, v2;
	v18 =	vadd.s32 $0xE000, v2;
	v21 =	vand.u32 $0xFFF, v2;
	[tilespmem:$0x1F7A0] =	vst v8  }
0x241: {  	v8 =	vadd.s32 $0x6000, v2;
	[tilespmem:$0x1F8C0] =	vst v6;
	v6 =	vadd.s32 $0x4000, v2;
	v2 =	vadd.s32 $0x2000, v2  }
0x242: {  	[tilespmem:$0x1F620] =	vst v2;
	v2 =	vld [tilespmem:$0x1F1C0];
	_ =	sdelay $0x4  }
0x243: {  	v2 =	vmul.f32 v2, v47;
	_ =	sdelay $0x1  }
0x244: {  	[tilespmem:$0x1F9D0] =	vst v2;
	v2 =	vld [tilespmem:$0x1F1D0];
	_ =	sdelay $0x4  }
0x245: {  	v2 =	vmul.f32 v2, v1;
	_ =	sdelay $0x1  }
0x246: {  	[tilespmem:$0x1F8A0] =	vst v2;
	v2 =	vld [tilespmem:$0x1F1E0];
	_ =	sdelay $0x4  }
0x247: {  	v2 =	vmul.f32 v2, v5  }
0x248: {  	v9 =	vld.idx.msk [tilespmem:v9+s14+$0x0], $0xffff  }
0x249: {  	[tilespmem:$0x1F950] =	vst v2;
	v2 =	vld [tilespmem:$0x1F1F0];
	_ =	sdelay $0x3  }
0x24a: {  	[tilespmem:$0x1F440] =	vst v9;
	v9 =	vadd.s32 $0x10000, v4  }
0x24b: {  	vm5 =	vne.s32 v0, v2;
	v2 =	vld [tilespmem:$0x1F200];
	_ =	sdelay $0x2  }
0x24c: {  	[tilespmem:$0x1F550] =	vst v14;
	v14 =	vadd.s32 $0x8000, v4  }
0x24d: {  	[tilespmem:$0x1F560] =	vst v14;
	v14 =	vld.idx.msk [tilespmem:v9+s14+$0x0], $0xffff  }
0x24e: {  	v9 =	vmul.f32 v2, v3;
	v2 =	vld [tilespmem:$0x1F210];
	_ =	sdelay $0x4  }
0x24f: {  	[tilespmem:$0x1FB50] =	vst v9;
	v9 =	vmul.f32 v2, v47;
	v2 =	vld [tilespmem:$0x1F220];
	_ =	sdelay $0x4  }
0x250: {  	v2 =	vmul.f32 v2, v1;
	_ =	sdelay $0x1  }
0x251: {  	[tilespmem:$0x1F8F0] =	vst v2;
	v2 =	vld [tilespmem:$0x1F230];
	_ =	sdelay $0x4  }
0x252: {  	vm12 =	vne.s32 v0, v2;
	v2 =	vld [tilespmem:$0x1F240];
	_ =	sdelay $0x4  }
0x253: {  	[tilespmem:$0x1F9E0] =	vst v9;
	v9 =	vmul.f32 v2, v3;
	v2 =	vld [tilespmem:$0x1F250];
	_ =	sdelay $0x4  }
0x254: {  	[tilespmem:$0x1FB70] =	vst v9;
	v9 =	vmul.f32 v2, v7;
	v2 =	vld [tilespmem:$0x1F260];
	_ =	sdelay $0x4  }
0x255: {  	[tilespmem:$0x1FC30] =	vst v9;
	v9 =	vmul.f32 v2, v5;
	v2 =	vld [tilespmem:$0x1F270];
	_ =	sdelay $0x4  }
0x256: {  	[tilespmem:$0x1F960] =	vst v9;
	v9 =	vmul.f32 v2, v47;
	v2 =	vld [tilespmem:$0x1F280];
	_ =	sdelay $0x4  }
0x257: {  	[tilespmem:$0x1F9F0] =	vst v9;
	v9 =	vmul.f32 v2, v1;
	v2 =	vld [tilespmem:$0x1F290];
	_ =	sdelay $0x4  }
0x258: {  	[tilespmem:$0x1FAC0] =	vst v9;
	v9 =	vmul.f32 v2, v3;
	v2 =	vld [tilespmem:$0x1F2A0];
	_ =	sdelay $0x4  }
0x259: {  	[tilespmem:$0x1FB90] =	vst v9;
	v9 =	vmul.f32 v2, v7;
	v2 =	vld [tilespmem:$0x1F2B0];
	_ =	sdelay $0x4  }
0x25a: {  	[tilespmem:$0x1FC50] =	vst v9;
	v9 =	vmul.f32 v2, v63;
	v2 =	vld [tilespmem:$0x1F2C0];
	_ =	sdelay $0x4  }
0x25b: {  	[tilespmem:$0x1FD20] =	vst v9;
	v9 =	vmul.f32 v2, v5;
	v2 =	vld [tilespmem:$0x1F2D0];
	_ =	sdelay $0x4  }
0x25c: {  	vm0 =	vne.s32 v0, v39;
	[tilespmem:$0x1F970] =	vst v9;
	v9 =	vmul.f32 v2, v47;
	v2 =	vimm.s32 $0x0  }
0x25d: {  	v2 =	vsel vm0, $0xFFFFFFFF, v2  }
0x25e: {  	[tilespmem:$0x1F630] =	vst v2;
	v2 =	vld [tilespmem:$0x1F2E0];
	_ =	sdelay $0x4  }
0x25f: {  	[tilespmem:$0x1FA00] =	vst v9;
	v9 =	vmul.f32 v2, v1;
	v2 =	vld [tilespmem:$0x1F2F0];
	_ =	sdelay $0x4  }
0x260: {  	vm0 =	vne.s32 v0, v37;
	[tilespmem:$0x1FAD0] =	vst v9;
	v9 =	vmul.f32 v2, v3;
	v2 =	vimm.s32 $0x0  }
0x261: {  	v2 =	vsel vm0, $0xFFFFFFFF, v2  }
0x262: {  	[tilespmem:$0x1F640] =	vst v2;
	v2 =	vld [tilespmem:$0x1F300];
	_ =	sdelay $0x4  }
0x263: {  	[tilespmem:$0x1FBA0] =	vst v9;
	v9 =	vmul.f32 v2, v7;
	v2 =	vld [tilespmem:$0x1F310];
	_ =	sdelay $0x2  }
0x264: {  	vm13 =	vne.s32 v0, v53;
	vm11 =	vne.s32 v0, v48;
	vm10 =	vne.s32 v0, v62  }
0x265: {  	vm9 =	vne.s32 v0, v49;
	vm7 =	vne.s32 v0, v45;
	v27 =	vand.u32 $0xFFF, v4  }
0x266: {  	vm0 =	vne.s32 v0, v27;
	[tilespmem:$0x1FC70] =	vst v9;
	v9 =	vmul.f32 v2, v63;
	v2 =	vimm.s32 $0x0  }
0x267: {  	v20 =	vld.idx.msk [tilespmem:v0+s15+$0x0], $0xffff;
	v2 =	vsel vm0, $0xFFFFFFFF, v2;
	vm0 =	vne.s32 v0, v21;
	v0 =	vimm.s32 $0x0  }
0x268: {  	v0 =	vsel vm0, $0xFFFFFFFF, v0  }
0x269: {  	[tilespmem:$0x1F690] =	vst v0;
	v0 =	vld [tilespmem:$0x1F340];
	_ =	sdelay $0x4  }
0x26a: {  	v0 =	vmul.f32 v0, v47;
	_ =	sdelay $0x1  }
0x26b: {  	[tilespmem:$0x1FA10] =	vst v0;
	v0 =	vld [tilespmem:$0x1F350];
	_ =	sdelay $0x4  }
0x26c: {  	v0 =	vmul.f32 v0, v1;
	_ =	sdelay $0x1  }
0x26d: {  	[tilespmem:$0x1F870] =	vst v0;
	v0 =	vld [tilespmem:$0x1F360];
	_ =	sdelay $0x4  }
0x26e: {  	v0 =	vmul.f32 v0, v3;
	_ =	sdelay $0x1  }
0x26f: {  	[tilespmem:$0x1FBB0] =	vst v0;
	v0 =	vld [tilespmem:$0x1F370];
	_ =	sdelay $0x2  }
0x270: {  	[tilespmem:$0x1F5E0] =	vst v8;
	v8 =	vld [tilespmem:$0x1F120];
	_ =	sdelay $0x1  }
0x271: {  	v0 =	vmul.f32 v0, v7;
	_ =	sdelay $0x1  }
0x272: {  	[tilespmem:$0x1FC90] =	vst v0;
	v0 =	vld [tilespmem:$0x1F390]  }
0x273: {  	v17 =	vld.idx.msk [tilespmem:v17+s14+$0x0], $0xffff;
	v8 =	vmul.f32 v8, v33;
	_ =	sdelay $0x1  }
0x274: {  	[tilespmem:$0x1F7C0] =	vst v8;
	v8 =	vld [tilespmem:$0x1F130];
	_ =	sdelay $0x1  }
0x275: {  	v0 =	vmul.f32 v0, v63  }
0x276: {  	v30 =	vld.idx.msk [tilespmem:v30+s14+$0x0], $0xffff;
	[tilespmem:$0x1F460] =	vst v17;
	v17 =	vadd.s32 $0xA000, v13  }
0x277: {  	[tilespmem:$0x1FD60] =	vst v0;
	v0 =	vld [tilespmem:$0x1F3B0]  }
0x278: {  	v8 =	vmul.f32 v8, v33  }
0x279: {  	[tilespmem:$0x1F580] =	vst v12  }
0x27a: {  	[tilespmem:$0x1F7D0] =	vst v8;
	v8 =	vld [tilespmem:$0x1F140]  }
0x27b: {  	v12 =	vadd.s32 $0x2000, v13;
	[tilespmem:$0x1F4E0] =	vst v30;
	v30 =	vadd.s32 $0x6000, v13;
	v28 =	vadd.s32 $0x8000, v13;
	v13 =	vld.idx.msk [tilespmem:v17+s14+$0x0], $0xffff  }
0x27c: {  	v17 =	vmul.f32 v0, v61;
	v0 =	vld [tilespmem:$0x1F3C0];
	_ =	sdelay $0x2  }
0x27d: {  	v8 =	vmul.f32 v8, v33;
	_ =	sdelay $0x1  }
0x27e: {  	[tilespmem:$0x1F7E0] =	vst v8;
	v8 =	vld [tilespmem:$0x1F150];
	v0 =	vmul.f32 v0, v5;
	_ =	sdelay $0x1  }
0x27f: {  	[tilespmem:$0x1F990] =	vst v0;
	v0 =	vld [tilespmem:$0x1F3E0];
	_ =	sdelay $0x2  }
0x280: {  	v8 =	vmul.f32 v8, v5;
	_ =	sdelay $0x1  }
0x281: {  	[tilespmem:$0x1F910] =	vst v8;
	v8 =	vmul.f32 v0, v60;
	v0 =	vld [tilespmem:$0x1F3F0];
	_ =	sdelay $0x4  }
0x282: {  	v0 =	vmul.f32 v0, v47;
	_ =	sdelay $0x1  }
0x283: {  	[tilespmem:$0x1FA20] =	vst v0;
	v0 =	vld [tilespmem:$0x1F400];
	_ =	sdelay $0x4  }
0x284: {  	v0 =	vmul.f32 v0, v1;
	_ =	sdelay $0x1  }
0x285: {  	[tilespmem:$0x1FAE0] =	vst v0;
	v0 =	vld [tilespmem:$0x1F420];
	_ =	sdelay $0x4  }
0x286: {  	v0 =	vmul.f32 v0, v3;
	_ =	sdelay $0x1  }
0x287: {  	[tilespmem:$0x1FBC0] =	vst v0;
	v0 =	vld [tilespmem:$0x1F440];
	_ =	sdelay $0x2  }
0x288: {  	[tilespmem:$0x1F5C0] =	vst v11;
	v11 =	vld [tilespmem:$0x1F0E0];
	_ =	sdelay $0x1  }
0x289: {  	v0 =	vmul.f32 v0, v7;
	_ =	sdelay $0x1  }
0x28a: {  	[tilespmem:$0x1FCA0] =	vst v0;
	v0 =	vld [tilespmem:$0x1F460]  }
0x28b: {  	v11 =	vmul.f32 v11, v33;
	[tilespmem:$0x1F660] =	vst v2;
	v2 =	vld [tilespmem:$0x1F320];
	_ =	sdelay $0x1  }
0x28c: {  	[tilespmem:$0x1F770] =	vst v11;
	v11 =	vld [tilespmem:$0x1F0F0];
	_ =	sdelay $0x1  }
0x28d: {  	v0 =	vmul.f32 v0, v63  }
0x28e: {  	[tilespmem:$0x1FD40] =	vst v9;
	v9 =	vmul.f32 v2, v5;
	v2 =	vld [tilespmem:$0x1F330]  }
0x28f: {  	[tilespmem:$0x1FD70] =	vst v0;
	v0 =	vld [tilespmem:$0x1F470]  }
0x290: {  	v11 =	vmul.f32 v11, v33;
	_ =	sdelay $0x1  }
0x291: {  	[tilespmem:$0x1F780] =	vst v11;
	v11 =	vld [tilespmem:$0x1F100];
	_ =	sdelay $0x1  }
0x292: {  	v45 =	vmul.f32 v2, v61;
	v2 =	vmul.f32 v0, v61;
	v0 =	vld [tilespmem:$0x1F490];
	_ =	sdelay $0x1  }
0x293: {  	v31 =	vadd.s32 $0x2000, v31  }
0x294: {  	v11 =	vmul.f32 v11, v33;
	_ =	sdelay $0x1  }
0x295: {  	[tilespmem:$0x1F790] =	vst v11;
	v11 =	vmul.f32 v0, v60;
	v0 =	vld [tilespmem:$0x1F4A0]  }
0x296: {  	v56 =	vld.idx.msk [tilespmem:v37+s15+$0x0], $0xffff  }
0x297: {  	v35 =	vld.idx.msk [tilespmem:v31+s14+$0x0], $0xffff  }
0x298: {  	v31 =	vld.idx.msk [tilespmem:v19+s14+$0x0], $0xffff  }
0x299: {  	v19 =	vld.idx.msk [tilespmem:v24+s14+$0x0], $0xffff  }
0x29a: {  	v24 =	vmul.f32 v0, v59;
	v0 =	vld [tilespmem:$0x1F4B0];
	_ =	sdelay $0x1  }
0x29b: {  	[tilespmem:$0x1F4D0] =	vst v56  }
0x29c: {  	[tilespmem:$0x1F590] =	vst v12;
	v12 =	vld.idx.msk [tilespmem:v16+s14+$0x0], $0xffff  }
0x29d: {  	v16 =	vld [tilespmem:$0x1F4D0]  }
0x29e: {  	v0 =	vmul.f32 v0, v5;
	_ =	sdelay $0x1  }
0x29f: {  	[tilespmem:$0x1F9A0] =	vst v0;
	v0 =	vmul.f32 v57, v47;
	_ =	sdelay $0x1  }
0x2a0: {  	vm15 =	vne.s32 v16, $0xFFFFFFFF;
	[tilespmem:$0x1FA30] =	vst v0;
	v0 =	vimm.s32 $0x0  }
0x2a1: {  	v0 =	vsel vm15, $0xFFFFFFFF, v0  }
0x2a2: {  	[tilespmem:$0x1F650] =	vst v0;
	v0 =	vld [tilespmem:$0x1F4E0];
	_ =	sdelay $0x4  }
0x2a3: {  	v0 =	vmul.f32 v0, v1;
	_ =	sdelay $0x1  }
0x2a4: {  	[tilespmem:$0x1FB00] =	vst v0;
	v0 =	vld [tilespmem:$0x1F4F0];
	_ =	sdelay $0x1  }
0x2a5: {  	v56 =	vld.idx.msk [tilespmem:v27+s15+$0x0], $0xffff;
	_ =	sdelay $0x2  }
0x2a6: {  	v38 =	vadd.s32 $0xE000, v4;
	[tilespmem:$0x1F760] =	vst v10;
	v0 =	vmul.f32 v0, v3  }
0x2a7: {  	v54 =	vadd.s32 $0xA000, v4;
	v43 =	vadd.s32 $0xC000, v4;
	v10 =	vld.idx.msk [tilespmem:v15+s14+$0x0], $0xffff;
	[tilespmem:$0x1F600] =	vst v6;
	v33 =	vadd.s32 $0x4000, v4  }
0x2a8: {  	v6 =	vld [tilespmem:$0x1F180];
	v4 =	vadd.s32 $0x2000, v4;
	vm15 =	vne.s32 v56, $0xFFFFFFFF;
	[tilespmem:$0x1FBD0] =	vst v0;
	v0 =	vimm.s32 $0x0  }
0x2a9: {  	[tilespmem:$0x1F610] =	vst v4;
	v4 =	vld [tilespmem:$0x1F1A0];
	v0 =	vsel vm15, $0xFFFFFFFF, v0  }
0x2aa: {  	v25 =	vadd.s32 $0x2000, v25;
	[tilespmem:$0x1F670] =	vst v0;
	v0 =	vld [tilespmem:$0x1F500];
	_ =	sdelay $0x3  }
0x2ab: {  	v53 =	vld.idx.msk [tilespmem:v21+s15+$0x0], $0xffff;
	v6 =	vmul.f32 v6, v5  }
0x2ac: {  	v15 =	vld.idx.msk [tilespmem:v25+s14+$0x0], $0xffff;
	v4 =	vmul.f32 v4, v5;
	v5 =	vmul.f32 v10, v5  }
0x2ad: {  	v57 =	vld.idx.msk [tilespmem:v54+s14+$0x0], $0xffff  }
0x2ae: {  	[tilespmem:$0x1F9B0] =	vst v5;
	v5 =	vld [tilespmem:$0x1F530]  }
0x2af: {  	v54 =	vld.idx.msk [tilespmem:v0+s14+$0x0], $0xffff  }
0x2b0: {  	v0 =	vld [tilespmem:$0x1F510]  }
0x2b1: {  	v25 =	vld.idx.msk [tilespmem:v38+s14+$0x0], $0xffff  }
0x2b2: {  	v38 =	vld.idx.msk [tilespmem:v22+s14+$0x0], $0xffff  }
0x2b3: {  	v22 =	vld [tilespmem:$0x1F380];
	_ =	sdelay $0x1  }
0x2b4: {  	v0 =	vmul.f32 v0, v7;
	_ =	sdelay $0x1  }
0x2b5: {  	vm15 =	vne.s32 v53, $0xFFFFFFFF;
	[tilespmem:$0x1FCB0] =	vst v0;
	v0 =	vimm.s32 $0x0  }
0x2b6: {  	v10 =	vld.idx.msk [tilespmem:v5+s14+$0x0], $0xffff;
	v5 =	vimm.s32 $0x0;
	v0 =	vsel vm15, $0xFFFFFFFF, v0;
	vm15 =	veq.s32 v20, v22  }
0x2b7: {  	v5 =	vsel vm15, $0xFFFFFFFF, v5  }
0x2b8: {  	[tilespmem:$0x1F6D0] =	vst v5;
	v5 =	vmul.f32 v14, v47;
	_ =	sdelay $0x1  }
0x2b9: {  	[tilespmem:$0x1FA40] =	vst v5;
	v5 =	vmul.f32 v12, v1;
	_ =	sdelay $0x1  }
0x2ba: {  	[tilespmem:$0x1FB10] =	vst v5;
	v5 =	vld [tilespmem:$0x1F540];
	_ =	sdelay $0x6  }
0x2bb: {  	vm4 =	vne.s32 v22, $0xFFFFFFFF  }
0x2bc: {  	vm4 =	vmand vm5, vm4;
	v12 =	vld.idx.msk [tilespmem:v5+s14+$0x0], $0xffff;
	v5 =	vimm.s32 $0x0  }
0x2bd: {  	v5 =	vsel vm4, $0xFFFFFFFF, v5  }
0x2be: {  	[tilespmem:$0x1F6E0] =	vst v5;
	v5 =	vld [tilespmem:$0x1F550];
	_ =	sdelay $0x4  }
0x2bf: {  	v21 =	vld.idx.msk [tilespmem:v42+s14+$0x0], $0xffff  }
0x2c0: {  	v42 =	vld.idx.msk [tilespmem:v18+s14+$0x0], $0xffff  }
0x2c1: {  	v18 =	vld [tilespmem:$0x1F3A0]  }
0x2c2: {  	v14 =	vld.idx.msk [tilespmem:v5+s14+$0x0], $0xffff;
	v5 =	vmul.f32 v31, v3;
	_ =	sdelay $0x1  }
0x2c3: {  	[tilespmem:$0x1FBE0] =	vst v5;
	v5 =	vmul.f32 v13, v7;
	_ =	sdelay $0x1  }
0x2c4: {  	vm4 =	veq.s32 v20, v18;
	[tilespmem:$0x1FCC0] =	vst v5;
	v5 =	vimm.s32 $0x0  }
0x2c5: {  	v5 =	vsel vm4, $0xFFFFFFFF, v5  }
0x2c6: {  	[tilespmem:$0x1F6C0] =	vst v5;
	v5 =	vld [tilespmem:$0x1F560];
	_ =	sdelay $0x2  }
0x2c7: {  	v37 =	vld [tilespmem:$0x1F3D0];
	_ =	sdelay $0x3  }
0x2c8: {  	vm3 =	vne.s32 v18, $0xFFFFFFFF  }
0x2c9: {  	vm13 =	vmand vm13, vm3;
	vm3 =	veq.s32 v20, v37;
	v13 =	vld.idx.msk [tilespmem:v5+s14+$0x0], $0xffff;
	v5 =	vimm.s32 $0x0  }
0x2ca: {  	v5 =	vsel vm3, $0xFFFFFFFF, v5  }
0x2cb: {  	[tilespmem:$0x1F6A0] =	vst v5;
	v5 =	vmul.f32 v19, v47;
	_ =	sdelay $0x1  }
0x2cc: {  	[tilespmem:$0x1FA50] =	vst v5;
	v5 =	vmul.f32 v25, v1;
	_ =	sdelay $0x1  }
0x2cd: {  	[tilespmem:$0x1FB20] =	vst v5;
	v5 =	vld [tilespmem:$0x1F580];
	_ =	sdelay $0x6  }
0x2ce: {  	v26 =	vld.idx.msk [tilespmem:v26+s14+$0x0], $0xffff;
	vm1 =	vne.s32 v37, $0xFFFFFFFF  }
0x2cf: {  	vm1 =	vmand vm12, vm1;
	v19 =	vld.idx.msk [tilespmem:v5+s14+$0x0], $0xffff;
	v5 =	vimm.s32 $0x0  }
0x2d0: {  	v5 =	vsel vm1, $0xFFFFFFFF, v5  }
0x2d1: {  	[tilespmem:$0x1F6B0] =	vst v5;
	v5 =	vmul.f32 v38, v3;
	_ =	sdelay $0x1  }
0x2d2: {  	[tilespmem:$0x1FBF0] =	vst v5;
	v5 =	vmul.f32 v26, v7;
	_ =	sdelay $0x1  }
0x2d3: {  	[tilespmem:$0x1FCD0] =	vst v5;
	v5 =	vld [tilespmem:$0x1F590];
	_ =	sdelay $0x1  }
0x2d4: {  	v49 =	vld.idx.msk [tilespmem:v43+s14+$0x0], $0xffff  }
0x2d5: {  	v43 =	vld [tilespmem:$0x1F410];
	_ =	sdelay $0x4  }
0x2d6: {  	vm1 =	veq.s32 v20, v43;
	v25 =	vld.idx.msk [tilespmem:v5+s14+$0x0], $0xffff;
	v5 =	vimm.s32 $0x0  }
0x2d7: {  	[tilespmem:$0x1F930] =	vst v6;
	v6 =	vld [tilespmem:$0x1F190];
	v5 =	vsel vm1, $0xFFFFFFFF, v5  }
0x2d8: {  	[tilespmem:$0x1F710] =	vst v5;
	v5 =	vld [tilespmem:$0x1F5A0];
	_ =	sdelay $0x1  }
0x2d9: {  	[tilespmem:$0x1F940] =	vst v4;
	v4 =	vld [tilespmem:$0x1F1B0];
	_ =	sdelay $0x2  }
0x2da: {  	v6 =	vmul.f32 v6, v47;
	_ =	sdelay $0x1  }
0x2db: {  	[tilespmem:$0x1F9C0] =	vst v6;
	v6 =	vld.idx.msk [tilespmem:v23+s14+$0x0], $0xffff;
	v4 =	vmul.f32 v4, v1;
	vm0 =	vne.s32 v43, $0xFFFFFFFF;
	v1 =	vmul.f32 v42, v1  }
0x2dc: {  	v23 =	vmul.f32 v35, v59;
	vm0 =	vmand vm11, vm0;
	v35 =	vld.idx.msk [tilespmem:v5+s14+$0x0], $0xffff;
	v5 =	vimm.s32 $0x0  }
0x2dd: {  	[tilespmem:$0x1FB30] =	vst v1;
	v1 =	vmul.f32 v49, v3;
	v5 =	vsel vm0, $0xFFFFFFFF, v5  }
0x2de: {  	[tilespmem:$0x1F720] =	vst v5;
	v5 =	vld [tilespmem:$0x1F5B0]  }
0x2df: {  	[tilespmem:$0x1FC00] =	vst v1;
	v1 =	vld [tilespmem:$0x1F5C0]  }
0x2e0: {  	[tilespmem:$0x1F980] =	vst v9;
	v9 =	vld [tilespmem:$0x1F430]  }
0x2e1: {  	v28 =	vld.idx.msk [tilespmem:v28+s14+$0x0], $0xffff;
	_ =	sdelay $0x2  }
0x2e2: {  	v62 =	vld.idx.msk [tilespmem:v44+s14+$0x0], $0xffff  }
0x2e3: {  	vm2 =	vne.s32 v9, $0xFFFFFFFF  }
0x2e4: {  	v18 =	vmul.f32 v28, v63;
	vm0 =	veq.s32 v20, v9;
	v28 =	vld.idx.msk [tilespmem:v5+s14+$0x0], $0xffff;
	v5 =	vimm.s32 $0x0  }
0x2e5: {  	v38 =	vld.idx.msk [tilespmem:v1+s14+$0x0], $0xffff;
	v1 =	vimm.s32 $0x0;
	v5 =	vsel vm0, $0xFFFFFFFF, v5;
	vm0 =	vmand vm10, vm2  }
0x2e6: {  	v1 =	vsel vm0, $0xFFFFFFFF, v1  }
0x2e7: {  	[tilespmem:$0x1F700] =	vst v1;
	v1 =	vmul.f32 v62, v7;
	_ =	sdelay $0x1  }
0x2e8: {  	[tilespmem:$0x1FCE0] =	vst v1;
	v1 =	vld [tilespmem:$0x1F5D0];
	_ =	sdelay $0x3  }
0x2e9: {  	v50 =	vld.idx.msk [tilespmem:v55+s14+$0x0], $0xffff  }
0x2ea: {  	v48 =	vld [tilespmem:$0x1F480]  }
0x2eb: {  	v44 =	vld.idx.msk [tilespmem:v29+s14+$0x0], $0xffff  }
0x2ec: {  	[tilespmem:$0x1F8D0] =	vst v4;
	v4 =	vld.idx.msk [tilespmem:v34+s14+$0x0], $0xffff  }
0x2ed: {  	v42 =	vld.idx.msk [tilespmem:v1+s14+$0x0], $0xffff  }
0x2ee: {  	v1 =	vld [tilespmem:$0x1F5E0]  }
0x2ef: {  	v34 =	vld.idx.msk [tilespmem:v36+s14+$0x0], $0xffff  }
0x2f0: {  	vm8 =	vne.s32 v48, $0xFFFFFFFF;
	vm10 =	veq.s32 v20, v48;
	v48 =	vmov v2;
	v2 =	vld [tilespmem:$0x1F600]  }
0x2f1: {  	v36 =	vld.idx.msk [tilespmem:v51+s14+$0x0], $0xffff;
	_ =	sdelay $0x2  }
0x2f2: {  	v51 =	vmul.f32 v50, v63;
	_ =	sdelay $0x1  }
0x2f3: {  	v43 =	vmov v51;
	v51 =	vmul.f32 v44, v63;
	v44 =	vld.idx.msk [tilespmem:v1+s14+$0x0], $0xffff;
	v1 =	vmul.f32 v36, v3;
	_ =	sdelay $0x1  }
0x2f4: {  	[tilespmem:$0x1FC10] =	vst v1;
	v1 =	vmul.f32 v57, v7;
	v57 =	vld.idx.msk [tilespmem:v2+s14+$0x0], $0xffff;
	v2 =	vmul.f32 v14, v7;
	_ =	sdelay $0x1  }
0x2f5: {  	[tilespmem:$0x1FD00] =	vst v2;
	v2 =	vld [tilespmem:$0x1F610];
	_ =	sdelay $0x5  }
0x2f6: {  	v6 =	vmul.f32 v6, v63  }
0x2f7: {  	[tilespmem:$0x1F680] =	vst v0;
	v0 =	vld [tilespmem:$0x1F520]  }
0x2f8: {  	v9 =	vmov v45;
	v45 =	vmov v6;
	v6 =	vmul.f32 v10, v60;
	v10 =	vld.idx.msk [tilespmem:v2+s14+$0x0], $0xffff  }
0x2f9: {  	v2 =	vld [tilespmem:$0x1F620];
	_ =	sdelay $0x6  }
0x2fa: {  	v50 =	vld.idx.msk [tilespmem:v0+s14+$0x0], $0xffff  }
0x2fb: {  	v0 =	vmul.f32 v58, v61;
	v58 =	vld.idx.msk [tilespmem:v2+s14+$0x0], $0xffff  }
0x2fc: {  	v2 =	vld [tilespmem:$0x1F630];
	_ =	sdelay $0x2  }
0x2fd: {  	v39 =	vld.idx.msk [tilespmem:v40+s14+$0x0], $0xffff  }
0x2fe: {  	v40 =	vld [tilespmem:$0x1F4C0]  }
0x2ff: {  	vm0 =	vnez.u8 v2;
	v2 =	vld [tilespmem:$0x1F640];
	_ =	sdelay $0x3  }
0x300: {  	vm14 =	vne.s32 v40, $0xFFFFFFFF  }
0x301: {  	vm5 =	vmand vm0, vm14;
	vm0 =	vnez.u8 v2;
	v2 =	vld [tilespmem:$0x1F650];
	_ =	sdelay $0x4  }
0x302: {  	vm1 =	vnez.u8 v2;
	v2 =	vld [tilespmem:$0x1F660];
	_ =	sdelay $0x4  }
0x303: {  	vm3 =	vmand vm0, vm1;
	vm0 =	vnez.u8 v2;
	v2 =	vld [tilespmem:$0x1F670];
	_ =	sdelay $0x4  }
0x304: {  	vm1 =	vnez.u8 v2;
	v2 =	vld [tilespmem:$0x1F680];
	_ =	sdelay $0x4  }
0x305: {  	vm2 =	vnez.u8 v2;
	v2 =	vld [tilespmem:$0x1F690];
	_ =	sdelay $0x4  }
0x306: {  	vm14 =	vnez.u8 v2;
	v2 =	vld [tilespmem:$0x1F6A0];
	_ =	sdelay $0x4  }
0x307: {  	vm15 =	vmand vm14, vm2;
	vm2 =	vnez.u8 v2;
	v2 =	vld [tilespmem:$0x1F6B0];
	_ =	sdelay $0x4  }
0x308: {  	vm14 =	vnez.u8 v2;
	v2 =	vld [tilespmem:$0x1F6C0];
	_ =	sdelay $0x4  }
0x309: {  	vm14 =	vmand vm14, vm2;
	vm2 =	vnez.u8 v2  }
0x30a: {  	v2 =	vimm.s32 $0x0;
	vm2 =	vmand vm13, vm2  }
0x30b: {  	v2 =	vsel vm2, $0xFFFFFFFF, v2  }
0x30c: {  	[tilespmem:$0x1FA60] =	vst v2;
	v2 =	vld [tilespmem:$0x1F6D0];
	_ =	sdelay $0x2  }
0x30d: {  	v27 =	vld [tilespmem:$0x1F450];
	_ =	sdelay $0x1  }
0x30e: {  	vm2 =	vnez.u8 v2;
	v2 =	vld [tilespmem:$0x1F6E0];
	_ =	sdelay $0x2  }
0x30f: {  	vm6 =	vne.s32 v27, $0xFFFFFFFF  }
0x310: {  	vm12 =	veq.s32 v20, v27;
	vm11 =	vmand vm9, vm6  }
0x311: {  	vm11 =	vmand vm11, vm12;
	vm13 =	vnez.u8 v2;
	v2 =	vimm.s32 $0x0  }
0x312: {  	[tilespmem:$0x1F6F0] =	vst v5;
	v2 =	vsel vm11, $0xFFFFFFFF, v2  }
0x313: {  	[tilespmem:$0x1FA90] =	vst v2;
	v2 =	vld [tilespmem:$0x1F6F0];
	_ =	sdelay $0x4  }
0x314: {  	vm11 =	vnez.u8 v2;
	v2 =	vld [tilespmem:$0x1F700];
	_ =	sdelay $0x4  }
0x315: {  	vm12 =	vnez.u8 v2;
	v2 =	vld [tilespmem:$0x1F710];
	_ =	sdelay $0x4  }
0x316: {  	vm2 =	vmand vm13, vm2;
	vm13 =	vmand vm12, vm11;
	vm11 =	vnez.u8 v2;
	v2 =	vld [tilespmem:$0x1F720];
	_ =	sdelay $0x4  }
0x317: {  	vm12 =	vnez.u8 v2;
	v2 =	vld [tilespmem:$0x1F730]  }
0x318: {  	[tilespmem:$0x1FCF0] =	vst v1;
	v1 =	vld [tilespmem:$0x1F5F0]  }
0x319: {  	v46 =	vld.idx.msk [tilespmem:v46+s14+$0x0], $0xffff  }
0x31a: {  	v41 =	vld.idx.msk [tilespmem:v41+s14+$0x0], $0xffff;
	_ =	sdelay $0x1  }
0x31b: {  	v31 =	vmul.f32 v42, v59;
	v42 =	vadd.f32 $0.0e+00, v2;
	v2 =	vld [tilespmem:$0x1F740];
	_ =	sdelay $0x1  }
0x31c: {  	v27 =	vmov v8;
	v8 =	vmul.f32 v46, v60;
	v26 =	vmul.f32 v39, v61  }
0x31d: {  	v39 =	vmul.f32 v41, v60;
	v41 =	vmul.f32 v21, v59  }
0x31e: {  	v21 =	vmul.f32 v13, v63;
	v46 =	vld.idx.msk [tilespmem:v1+s14+$0x0], $0xffff;
	v1 =	vmul.f32 v54, v63  }
0x31f: {  	v63 =	vmul.f32 v35, v63;
	v35 =	vmul.f32 v38, v60;
	v38 =	vadd.f32 $0.0e+00, v2;
	v2 =	vld [tilespmem:$0x1F750];
	_ =	sdelay $0x4  }
0x320: {  	v14 =	vmul.f32 v12, v59;
	v12 =	vmul.f32 v44, v61;
	v44 =	vadd.f32 $0.0e+00, v2;
	v2 =	vld [tilespmem:$0x1F760];
	_ =	sdelay $0x4  }
0x321: {  	vm8 =	vmand vm7, vm8;
	vm7 =	veq.s32 v20, v40;
	v40 =	vadd.f32 $0.0e+00, v2;
	v2 =	vld [tilespmem:$0x1F770];
	_ =	sdelay $0x4  }
0x322: {  	vm0 =	vmand vm0, vm1;
	vm1 =	veq.s32 v20, v53;
	v53 =	vadd.f32 $0.0e+00, v2;
	v2 =	vld [tilespmem:$0x1F780];
	_ =	sdelay $0x4  }
0x323: {  	v29 =	vmul.f32 v52, v60;
	v52 =	vadd.f32 $0.0e+00, v2;
	v2 =	vld [tilespmem:$0x1F790];
	_ =	sdelay $0x2  }
0x324: {  	v32 =	vld.idx.msk [tilespmem:v32+s14+$0x0], $0xffff  }
0x325: {  	v36 =	vld.idx.msk [tilespmem:v33+s14+$0x0], $0xffff  }
0x326: {  	v54 =	vadd.f32 $0.0e+00, v2;
	v2 =	vld [tilespmem:$0x1F7A0];
	_ =	sdelay $0x3  }
0x327: {  	v49 =	vmul.f32 v32, v59  }
0x328: {  	v32 =	vmul.f32 v36, v60;
	v36 =	vmul.f32 v58, v59;
	v58 =	vadd.f32 $0.0e+00, v2;
	v2 =	vld [tilespmem:$0x1F7B0];
	_ =	sdelay $0x2  }
0x329: {  	v22 =	vmul.f32 v4, v61  }
0x32a: {  	v4 =	vld [tilespmem:$0x1F570];
	vm4 =	veq.s32 v20, v56;
	vm11 =	vmand vm12, vm11;
	vm12 =	vmand vm8, vm10  }
0x32b: {  	vm8 =	vmand vm5, vm7;
	vm5 =	vmand vm0, vm4;
	vm4 =	vnez.u8 v2;
	v2 =	vld [tilespmem:$0x1F7C0];
	_ =	sdelay $0x2  }
0x32c: {  	v3 =	vld [tilespmem:$0x1F7F0];
	_ =	sdelay $0x1  }
0x32d: {  	v62 =	vadd.f32 $0.0e+00, v2;
	v2 =	vld [tilespmem:$0x1F7D0]  }
0x32e: {  	vm6 =	veq.s32 v20, v16;
	v16 =	vmov v11;
	v11 =	vld [tilespmem:$0x1F830]  }
0x32f: {  	v55 =	vpop (erf);
	v4 =	vld.idx.msk [tilespmem:v4+s14+$0x0], $0xffff  }
0x330: {  	v47 =	vmul.f32 v3, v55;
	v3 =	vld [tilespmem:$0x1F800]  }
0x331: {  	v30 =	vld.idx.msk [tilespmem:v30+s14+$0x0], $0xffff;
	vm9 =	vne.s32 v20, $0xFFFFFFFF;
	v37 =	vmul.f32 v15, v59;
	v25 =	vmul.f32 v25, v59  }
0x332: {  	v10 =	vmul.f32 v10, v59;
	v20 =	vmul.f32 v46, v59;
	v59 =	vadd.f32 $0.0e+00, v2;
	v2 =	vld [tilespmem:$0x1F7E0];
	_ =	sdelay $0x1  }
0x333: {  	v56 =	vmul.f32 v11, v55;
	v11 =	vld [tilespmem:$0x1F840];
	v7 =	vmul.f32 v4, v61  }
0x334: {  	v4 =	vmul.f32 v19, v60;
	v19 =	vmul.f32 v3, v55;
	v3 =	vld [tilespmem:$0x1F810]  }
0x335: {  	v30 =	vmul.f32 v30, v61  }
0x336: {  	v28 =	vmul.f32 v28, v61;
	v33 =	vmul.f32 v50, v61;
	v61 =	vadd.f32 $0.0e+00, v2;
	v2 =	vld [tilespmem:$0x1F860];
	_ =	sdelay $0x1  }
0x337: {  	v15 =	vmul.f32 v11, v55;
	v11 =	vld [tilespmem:$0x1F850]  }
0x338: {  	v5 =	vmul.f32 v3, v55;
	v3 =	vld [tilespmem:$0x1F820];
	_ =	sdelay $0x1  }
0x339: {  	v46 =	vadd.f32 v24, v38;
	v38 =	vadd.f32 v37, v40;
	v40 =	vmul.f32 v2, v55;
	v2 =	vld [tilespmem:$0x1F880];
	_ =	sdelay $0x1  }
0x33a: {  	v34 =	vmul.f32 v34, v60;
	v11 =	vmul.f32 v11, v55  }
0x33b: {  	v13 =	vmul.f32 v57, v60;
	v3 =	vmul.f32 v3, v55;
	v50 =	vadd.f32 v41, v44;
	v44 =	vld [tilespmem:$0x1F870]  }
0x33c: {  	vm3 =	vmand vm3, vm6;
	vm6 =	vmand vm15, vm1;
	vm15 =	vmand vm9, vm2;
	v37 =	vld [tilespmem:$0x1F8E0]  }
0x33d: {  	p0 =	sne.s32 s18, $0xFFFFFFC0;
	vm10 =	vmmov vm13;
	v42 =	vadd.f32 v23, v42;
	v57 =	vmul.f32 v55, v2;
	v2 =	vld [tilespmem:$0x1F890]  }
.Ltmp0:
0x33e: {  	v53 =	vadd.f32 v14, v53;
	v14 =	vmax.f32 v56, $0.0e+00;
	v56 =	vld [tilespmem:$0x1F8F0];
	v24 =	vadd.f32 v49, v52;
	(pc) =	sbr.rel @p0 .LBB2_2-.Ltmp0, $4  }
0x33f: {  	v23 =	vmax.f32 v5, $0.0e+00;
	v60 =	vadd.f32 v20, v59;
	v59 =	vadd.f32 v31, v54;
	v54 =	vld [tilespmem:$0x1F8A0]  }
0x340: {  	v41 =	vmax.f32 v11, $0.0e+00;
	v52 =	vadd.f32 v25, v58;
	v20 =	vadd.f32 v10, v62;
	v62 =	vld [tilespmem:$0x1F8C0]  }
0x341: {  	v25 =	vmax.f32 v15, $0.0e+00;
	v31 =	vmax.f32 v3, $0.0e+00;
	v61 =	vadd.f32 v36, v61;
	v36 =	vld [tilespmem:$0x1F8B0]  }
0x342: {  	s18 =	sadd.s32 $0x40, s18;
	v49 =	vmax.f32 v40, $0.0e+00;
	v58 =	vmul.f32 v2, v55;
	v2 =	vmax.f32 v47, $0.0e+00;
	v47 =	vld [tilespmem:$0x1F8D0]  }
0x343: {  	v5 =	vadd.f32 v29, v38;
	v29 =	vld [tilespmem:$0x1FD20]  }
0x344: {  	v10 =	vadd.f32 v16, v42;
	v20 =	vadd.f32 v32, v20;
	v32 =	vld [tilespmem:$0x1FD60]  }
0x345: {  	v15 =	vadd.f32 v34, v50;
	v16 =	vadd.f32 v35, v60;
	v34 =	vld [tilespmem:$0x1FC70]  }
0x346: {  	v35 =	vld [tilespmem:$0x1FC50]  }
0x347: {  	v38 =	vld [tilespmem:$0x1FCA0];
	v7 =	vadd.f32 v7, v16  }
0x348: {  	v11 =	vadd.f32 v39, v24;
	v39 =	vld [tilespmem:$0x1FC90]  }
0x349: {  	v7 =	vadd.f32 v1, v7;
	v1 =	vld [tilespmem:$0x1FA60]  }
0x34a: {  	v40 =	vld [tilespmem:$0x1FCC0]  }
0x34b: {  	v42 =	vld [tilespmem:$0x1FCB0]  }
0x34c: {  	v3 =	vadd.f32 v27, v46;
	v46 =	vld [tilespmem:$0x1FF00]  }
0x34d: {  	v50 =	vld [tilespmem:$0x1FB70]  }
0x34e: {  	vm0 =	vnez.u8 v1;
	v1 =	vld [tilespmem:$0x1FA90]  }
0x34f: {  	v8 =	vadd.f32 v8, v53;
	v53 =	vld [tilespmem:$0x1FC10]  }
0x350: {  	v6 =	vadd.f32 v6, v52;
	v4 =	vadd.f32 v4, v59;
	v60 =	vld [tilespmem:$0x1FF20]  }
0x351: {  	v13 =	vadd.f32 v13, v61;
	vm1 =	vmand vm9, vm14;
	vm2 =	vmand vm9, vm11;
	v61 =	vld [tilespmem:$0x1FF40]  }
0x352: {  	vm14 =	vmand vm9, vm10;
	vm10 =	vmand vm9, vm12;
	v27 =	vadd.f32 v28, v20;
	v28 =	vld [tilespmem:$0x1FD40]  }
0x353: {  	vm8 =	vmand vm9, vm8;
	v3 =	vadd.f32 v9, v3;
	vm7 =	vnez.u8 v1;
	v1 =	vld [tilespmem:$0x1FA70]  }
0x354: {  	vm11 =	vmand vm9, vm3;
	v5 =	vadd.f32 v48, v5;
	v6 =	vadd.f32 v30, v6;
	v30 =	vld [tilespmem:$0x1FD70]  }
0x355: {  	vm12 =	vmand vm9, vm5;
	v9 =	vadd.f32 v17, v10;
	v4 =	vadd.f32 v33, v4;
	v33 =	vld [tilespmem:$0x1FC30]  }
0x356: {  	v24 =	vmax.f32 v57, $0.0e+00;
	v10 =	vadd.f32 v22, v11;
	v8 =	vadd.f32 v26, v8;
	v48 =	vld [tilespmem:$0x1FCF0]  }
0x357: {  	v12 =	vadd.f32 v12, v13;
	v16 =	vld [tilespmem:$0x1FF60];
	v13 =	vmin.f32 v24, $1.000000000e+00;
	vm0 =	vmand vm9, vm0  }
0x358: {  	vm7 =	vmand vm9, vm7;
	vm9 =	vmand vm9, vm6;
	vm6 =	vnez.u8 v1;
	v1 =	vld [tilespmem:$0x1FAF0]  }
0x359: {  	v11 =	vadd.f32 v0, v15;
	v20 =	vld [tilespmem:$0x1FB30];
	v13 =	vsub.f32 $1.000000000e+00, v13  }
0x35a: {  	v22 =	vld [tilespmem:$0x1FC00];
	v8 =	vadd.f32 v45, v8;
	v0 =	vadd.f32 v43, v10  }
0x35b: {  	v26 =	vld [tilespmem:$0x1FBF0];
	v4 =	vadd.f32 v51, v4;
	v6 =	vadd.f32 v18, v6  }
0x35c: {  	v10 =	vadd.f32 v21, v27;
	v12 =	vadd.f32 v63, v12;
	v43 =	vld [tilespmem:$0x1FCE0]  }
0x35d: {  	v3 =	vadd.f32 v29, v3;
	v5 =	vadd.f32 v32, v5;
	vm13 =	vnez.u8 v1;
	v1 =	vld [tilespmem:$0x1FEE0]  }
0x35e: {  	v45 =	vld [tilespmem:$0x1FCD0];
	v0 =	vadd.f32 v38, v0;
	v6 =	vadd.f32 v40, v6  }
0x35f: {  	v32 =	vld [tilespmem:$0x1FBE0];
	v8 =	vadd.f32 v42, v8;
	v9 =	vadd.f32 v28, v9  }
0x360: {  	v40 =	vld [tilespmem:$0x1FBD0];
	v11 =	vadd.f32 v30, v11;
	v3 =	vadd.f32 v33, v3  }
0x361: {  	v5 =	vadd.f32 v34, v5;
	v10 =	vadd.f32 v48, v10;
	v28 =	vmin.f32 v49, $1.000000000e+00;
	v30 =	vld [tilespmem:$0x1FB20]  }
0x362: {  	v15 =	vsub.f32 $1.000000000e+00, v28;
	vm1 =	vmand vm1, vm6;
	vm6 =	vnez.u8 v1;
	v1 =	vld [tilespmem:$0x1FD00]  }
0x363: {  	v33 =	vld [tilespmem:$0x1FB10];
	v9 =	vadd.f32 v35, v9;
	v11 =	vadd.f32 v39, v11  }
0x364: {  	v38 =	vld [tilespmem:$0x1FB00];
	v7 =	vadd.f32 v43, v7;
	v4 =	vadd.f32 v45, v4  }
0x365: {  	v10 =	vadd.f32 v22, v10;
	v35 =	vld [tilespmem:$0x1FA40];
	v9 =	vadd.f32 v50, v9  }
0x366: {  	v14 =	vmin.f32 v14, $1.000000000e+00;
	v42 =	vld [tilespmem:$0x1F9A0];
	v7 =	vadd.f32 v26, v7;
	v4 =	vadd.f32 v32, v4  }
0x367: {  	v21 =	vmax.f32 v58, $0.0e+00;
	v43 =	vld [tilespmem:$0x1FA30];
	v6 =	vadd.f32 v40, v6;
	v1 =	vadd.f32 v1, v12  }
0x368: {  	v29 =	vld [tilespmem:$0x1FA50];
	v39 =	vmin.f32 v41, $1.000000000e+00;
	v10 =	vadd.f32 v30, v10;
	v7 =	vadd.f32 v33, v7  }
0x369: {  	v51 =	vld [tilespmem:$0x1FF10];
	vm0 =	vmand vm0, vm4;
	v4 =	vadd.f32 v38, v4;
	v1 =	vadd.f32 v53, v1  }
0x36a: {  	v34 =	vld [tilespmem:$0x1F9B0];
	v10 =	vadd.f32 v35, v10;
	vm2 =	vmand vm2, vm13;
	vm13 =	vnez.u8 v46  }
0x36b: {  	v63 =	vld [tilespmem:$0x1FF50];
	vm4 =	vmand vm7, vm13;
	vm13 =	vnez.u8 v61;
	v1 =	vadd.f32 v20, v1  }
0x36c: {  	v49 =	vld [tilespmem:$0x1F990];
	v7 =	vadd.f32 v43, v7;
	v10 =	vadd.f32 v42, v10;
	vm7 =	vmand vm11, vm13  }
0x36d: {  	v45 =	vld [tilespmem:$0x1FAE0];
	vm13 =	vnez.u8 v16;
	v12 =	vmin.f32 v21, $1.000000000e+00;
	v1 =	vadd.f32 v29, v1  }
0x36e: {  	v46 =	vld [tilespmem:$0x1FA20];
	vm3 =	vmand vm14, vm6;
	vm14 =	vnez.u8 v51;
	v12 =	vsub.f32 $1.000000000e+00, v12  }
0x36f: {  	v50 =	vld [tilespmem:$0x1FA10];
	vm9 =	vmand vm9, vm13;
	vm5 =	vmand vm10, vm14;
	v1 =	vadd.f32 v34, v1  }
0x370: {  	v51 =	vld [tilespmem:$0x1F980];
	vm10 =	vnez.u8 v60;
	vm14 =	vnez.u8 v63;
	v12 =	vnsel vm9, $0x0, v12  }
0x371: {  	v52 =	vld [tilespmem:$0x1FB50];
	vm6 =	vmand vm8, vm10;
	vm8 =	vmand vm12, vm14;
	v1 =	vmul.f32 v1, v12  }
0x372: {  	v58 =	vld [tilespmem:$0x1F970];
	v6 =	vadd.f32 v45, v6;
	v7 =	vadd.f32 v49, v7;
	v13 =	vnsel vm8, $0x0, v13  }
0x373: {  	v27 =	vld [tilespmem:$0x1FBC0];
	v4 =	vadd.f32 v46, v4;
	v10 =	vmul.f32 v10, v13;
	v1 =	vadd.f32 $0.0e+00, v1  }
0x374: {  	v41 =	vsub.f32 $1.000000000e+00, v39;
	v6 =	vadd.f32 v50, v6;
	v15 =	vnsel vm7, $0x0, v15  }
0x375: {  	v7 =	vmul.f32 v7, v15;
	v4 =	vadd.f32 v51, v4;
	v1 =	vadd.f32 v10, v1  }
0x376: {  	v14 =	vsub.f32 $1.000000000e+00, v14;
	v3 =	vadd.f32 v52, v3;
	v12 =	vnsel vm6, $0x0, v41  }
0x377: {  	v52 =	vld [tilespmem:$0x1FA00];
	v6 =	vadd.f32 v58, v6;
	v4 =	vmul.f32 v4, v12;
	v1 =	vadd.f32 v7, v1  }
0x378: {  	v8 =	vadd.f32 v27, v8;
	v48 =	vnsel vm5, $0x0, v14  }
0x379: {  	v1 =	vadd.f32 v4, v1;
	v4 =	vmul.f32 v6, v48;
	v6 =	vld [tilespmem:$0x1F960]  }
0x37a: {  	v17 =	vld [tilespmem:$0x1FBB0];
	v8 =	vadd.f32 v44, v8;
	_ =	sdelay $0x1  }
0x37b: {  	v8 =	vadd.f32 v52, v8;
	v53 =	vld [tilespmem:$0x1FAD0];
	v10 =	vmin.f32 v25, $1.000000000e+00  }
0x37c: {  	v59 =	vld [tilespmem:$0x1FB90];
	v10 =	vsub.f32 $1.000000000e+00, v10  }
0x37d: {  	v61 =	vld [tilespmem:$0x1F9F0];
	v6 =	vadd.f32 v6, v8  }
0x37e: {  	v18 =	vld [tilespmem:$0x1FBA0];
	v0 =	vadd.f32 v17, v0;
	v10 =	vnsel vm4, $0x0, v10  }
0x37f: {  	v1 =	vadd.f32 v4, v1;
	v4 =	vmul.f32 v6, v10;
	v6 =	vld [tilespmem:$0x1F950]  }
0x380: {  	v60 =	vld [tilespmem:$0x1FAC0];
	v0 =	vadd.f32 v53, v0;
	_ =	sdelay $0x1  }
0x381: {  	v63 =	vld [tilespmem:$0x1F9E0];
	v0 =	vadd.f32 v61, v0  }
0x382: {  	v11 =	vadd.f32 v18, v11;
	v1 =	vadd.f32 v4, v1;
	v4 =	vld [tilespmem:$0x1F940]  }
0x383: {  	v57 =	vmin.f32 v23, $1.000000000e+00;
	v5 =	vadd.f32 v59, v5;
	v0 =	vadd.f32 v6, v0;
	v6 =	vld [tilespmem:$0x1F9D0]  }
0x384: {  	v11 =	vadd.f32 v60, v11;
	v7 =	vsub.f32 $1.000000000e+00, v57  }
0x385: {  	v59 =	vmin.f32 v31, $1.000000000e+00  }
0x386: {  	v5 =	vadd.f32 v56, v5;
	v11 =	vadd.f32 v63, v11;
	v7 =	vnsel vm3, $0x0, v7  }
0x387: {  	v12 =	vsub.f32 $1.000000000e+00, v59;
	v0 =	vmul.f32 v0, v7  }
0x388: {  	v4 =	vadd.f32 v4, v11;
	v5 =	vadd.f32 v6, v5;
	v6 =	vmul.f32 v36, v55  }
0x389: {  	v8 =	vnsel vm2, $0x0, v12  }
0x38a: {  	v0 =	vadd.f32 v0, v1;
	v1 =	vmul.f32 v4, v8;
	v4 =	vmax.f32 v6, $0.0e+00;
	v6 =	vld [tilespmem:$0x1F930];
	_ =	sdelay $0x2  }
0x38b: {  	v2 =	vmin.f32 v2, $1.000000000e+00  }
0x38c: {  	v2 =	vsub.f32 $1.000000000e+00, v2  }
0x38d: {  	v7 =	vld [tilespmem:$0x1F9C0];
	v5 =	vadd.f32 v6, v5  }
0x38e: {  	v2 =	vnsel vm1, $0x0, v2  }
0x38f: {  	v2 =	vmul.f32 v5, v2;
	v5 =	vld [tilespmem:$0x1F920]  }
0x390: {  	v9 =	vadd.f32 v54, v9;
	_ =	sdelay $0x1  }
0x391: {  	v7 =	vadd.f32 v7, v9;
	v4 =	vmin.f32 v4, $1.000000000e+00  }
0x392: {  	v4 =	vsub.f32 $1.000000000e+00, v4  }
0x393: {  	v0 =	vadd.f32 v1, v0;
	v5 =	vadd.f32 v5, v7  }
0x394: {  	v4 =	vnsel vm0, $0x0, v4;
	v6 =	vld [tilespmem:$0x1F900]  }
0x395: {  	v0 =	vadd.f32 v2, v0;
	v2 =	vmul.f32 v5, v4;
	v4 =	vld [tilespmem:$0x1F910]  }
0x396: {  	v3 =	vadd.f32 v47, v3  }
0x397: {  	v1 =	vmax.f32 v19, $0.0e+00  }
0x398: {  	v3 =	vadd.f32 v62, v3;
	v1 =	vmin.f32 v1, $1.000000000e+00  }
0x399: {  	v1 =	vsub.f32 $1.000000000e+00, v1;
	vm14 =	vnez.u8 v6  }
0x39a: {  	vm0 =	vmand vm15, vm14;
	v3 =	vadd.f32 v4, v3  }
0x39b: {  	v1 =	vnsel vm0, $0x0, v1  }
0x39c: {  	v0 =	vadd.f32 v2, v0;
	v1 =	vmul.f32 v3, v1;
	_ =	sdelay $0x1  }
0x39d: {  	v0 =	vadd.f32 v1, v0;
	_ =	sdelay $0x1  }
0x39e: {  	v0 =	vadd.f32 v0, v37;
	_ =	sdelay $0x1  }
0x39f: {  	[tilespmem:$0x17000] =	vst v0  }
0x3a0: {  	[hbm4b:s7+s3] =	stream.linear.scatter [tilespmem:s16], [sflag:$0x1], $0x80, $0x38;
	[tilespmem:$0x17080] =	vst v63  }
0x3a1: {  	_ =	swait.ge [sflag:s12], $0x80  }
0x3a2: {  	v8 =	vld [tilespmem:$0x1FFD0]  }
0x3a3: {  	v7 =	vld [tilespmem:$0x1FFC0]  }
0x3a4: {  	s17 =	sadd.s32 $0x1, s17;
	v9 =	vld [tilespmem:$0x1FFE0]  }
0x3a5: {  	p0 =	sne.s32 s17, s8;
	v6 =	vld [tilespmem:$0x1FFB0]  }
.Ltmp1:
0x3a6: {  	v10 =	vld [tilespmem:$0x1FFF0];
	(pc) =	sbr.rel @p0 .LBB2_1-.Ltmp1, $4  }
0x3a7: {  	v4 =	vld [tilespmem:$0x1FFA0]  }
0x3a8: {  	v3 =	vld [tilespmem:$0x1FF90]  }
0x3a9: {  	[sflag:s12] =	ssyncset.done $0x0;
	v2 =	vld [tilespmem:$0x1FF80]  }
0x3aa: {  	v56 =	vlaneseq.u32;
	v1 =	vld [tilespmem:$0x1FF70];
	[sflag:s12] =	ssyncadd.s32 $0xFFFFFF80  }
0x3ab: {  	_ =	sfence.sel $0x180000  }
0x3ac: {  	[bflag:$0x0] =	sbarrier.arrive $0xFFFF  }
0x3ad: {  	p0 =	sne.s32 s1, $0x0;
	_ =	strace $0x90000047  }
0x3ae: {  	s0 =	sadd.s32 @!p0 $0x100000, s0;
	[bflag:$0x2] =	sbarrier.arrive $0xFFFF  }
0x3af: {  	[sflag:s0] =	ssyncadd.tile.s32 @!p0 $0x1;
	_ =	shalt  }
.Lfunc_end2:
_tile_overlayer_lowered:
.L_overlay_start_2:
0x3b0: {  	(tag) =	ssettag $0x2  }
0x3b1: {  	s0 =	rddreg [dreg:$0x0];
	s2 =	stileid.u32  }
0x3b2: {  	s1 =	rddreg [dreg:$0x1];
	p0 =	sne.s32 s2, $0x0  }
0x3b3: {  	s3 =	rddreg [dreg:$0x2];
	[bflag:$0x3] =	sbarrier.arrive $0xFFFF;
	s2 =	simm.s32 @!p0 $0x1C01  }
0x3b4: {  	[timem:s3], [sflag:s2] =	dma.local @!p0 [hbm:s0], s1  }
0x3b5: {  	s0 =	simm.s32 @!p0 $0x1  }
0x3b6: {  	_ =	swait.ge @!p0 [sflag:s0], s1  }
0x3b7: {  	s1 =	ssub.s32 @!p0 $0x0, s1;
	[sflag:s0] =	ssyncset.done @!p0 $0x0  }
0x3b8: {  	[sflag:s0] =	ssyncadd.s32 @!p0 s1  }
0x3b9: {  	[bflag:$0x3] =	sbarrier.arrive $0xFFFF  }
0x3ba: {  	_ =	shalt  }

</sc_bundles>
